<compile_context>
chip_gen: v7x
topology: tpu7x:2x2x1
jax: 0.10.2.dev20260603
libtpu: 0.0.44.dev20260713+nightly
codegen_flags: <defaults>
</compile_context>

<pallas_src>
import functools

import jax
import jax.numpy as jnp
from jax import lax
from jax.experimental import pallas as pl
from jax.experimental.pallas import tpu as pltpu
from jax.experimental.pallas import tpu_sc as plsc

N = 10000
E = 320000
D = 128
NC = 2
NS = 16
NW = NC * NS
CHUNK = 128
K = 2 * (-(-E // (NW * CHUNK * 2)))
E_PAD = NW * K * CHUNK
STRIPE = 632
N_PAD = NS * STRIPE
RBLK = 2000
G = N // RBLK

_f32 = jnp.float32



def _sc_aggregate(t, src_w, dst_w, zeros):
    mesh = plsc.VectorSubcoreMesh(core_axis_name="c", subcore_axis_name="s")

    @functools.partial(
        pl.kernel,
        mesh=mesh,
        out_type=jax.ShapeDtypeStruct((NC, N_PAD, D), _f32),
        scratch_types=[
            pltpu.VMEM((K // 2, CHUNK), jnp.int32),
            pltpu.VMEM((K // 2, CHUNK), jnp.int32),
            pltpu.VMEM((CHUNK, D), _f32),
            pltpu.VMEM((CHUNK, D), _f32),
            pltpu.VMEM_SHARED((N_PAD, D), _f32),
            pltpu.SemaphoreType.DMA,
            pltpu.SemaphoreType.DMA,
        ],
    )
    def agg(t_hbm, src_hbm, dst_hbm, z_hbm, out_hbm, src_v, dst_v,
            rows_a, rows_b, acc, sem_ga, sem_gb):
        c = lax.axis_index("c")
        s = lax.axis_index("s")
        wid = c * NS + s
        kh = K // 2
        pltpu.sync_copy(z_hbm, acc.at[pl.ds(s * STRIPE, STRIPE)])

        def gather(j, rows, sem):
            return pltpu.async_copy(t_hbm.at[src_v.at[j]], rows, sem)

        def gather_wait(j, rows, sem):
            pltpu.make_async_copy(t_hbm.at[src_v.at[j]], rows, sem).wait()

        def run_half(h):
            pltpu.sync_copy(src_hbm.at[wid, pl.ds(h * kh, kh)], src_v)
            pltpu.sync_copy(dst_hbm.at[wid, pl.ds(h * kh, kh)], dst_v)
            if h == 0:
                plsc.subcore_barrier()
            gather(0, rows_a, sem_ga)

            def body(i, carry):
                ja = 2 * i
                jb = 2 * i + 1
                gather_wait(ja, rows_a, sem_ga)
                gather(jb, rows_b, sem_gb)
                pltpu.sync_copy(rows_a, acc.at[dst_v.at[ja]], add=True)
                gather_wait(jb, rows_b, sem_gb)
                gather(ja + 2, rows_a, sem_ga)
                pltpu.sync_copy(rows_b, acc.at[dst_v.at[jb]], add=True)
                return carry

            lax.fori_loop(0, kh // 2 - 1, body, 0)
            ja, jb = kh - 2, kh - 1
            gather_wait(ja, rows_a, sem_ga)
            gather(jb, rows_b, sem_gb)
            pltpu.sync_copy(rows_a, acc.at[dst_v.at[ja]], add=True)
            gather_wait(jb, rows_b, sem_gb)
            pltpu.sync_copy(rows_b, acc.at[dst_v.at[jb]], add=True)

        run_half(0)
        run_half(1)
        plsc.subcore_barrier()
        pltpu.sync_copy(acc.at[pl.ds(s * STRIPE, STRIPE)],
                        out_hbm.at[c, pl.ds(s * STRIPE, STRIPE)])

    return agg(t, src_w, dst_w, zeros)



def _colsum(x):
    def k(x_ref, o_ref):
        @pl.when(pl.program_id(0) == 0)
        def _():
            o_ref[...] = jnp.zeros_like(o_ref)
        o_ref[...] += jnp.sum(x_ref[...], axis=0, keepdims=True)

    return pl.pallas_call(
        k,
        grid=(G,),
        in_specs=[pl.BlockSpec((RBLK, D), lambda i: (i, 0))],
        out_specs=pl.BlockSpec((1, D), lambda i: (0, 0)),
        out_shape=jax.ShapeDtypeStruct((1, D), _f32),
    )(x)


def _pairnorm_matmul(h, cs, w):
    def k(h_ref, cs_ref, w_ref, o_ref):
        x = h_ref[...]
        rn = jnp.sqrt(1e-6 + jnp.sum(x * x, axis=1, keepdims=True))
        xn = x / rn - cs_ref[...] * (1.0 / N)
        o_ref[...] = jnp.dot(xn, w_ref[...], preferred_element_type=_f32)

    return pl.pallas_call(
        k,
        grid=(G,),
        in_specs=[
            pl.BlockSpec((RBLK, D), lambda i: (i, 0)),
            pl.BlockSpec((1, D), lambda i: (0, 0)),
            pl.BlockSpec((D, D), lambda i: (0, 0)),
        ],
        out_specs=pl.BlockSpec((RBLK, D), lambda i: (i, 0)),
        out_shape=jax.ShapeDtypeStruct((N, D), _f32),
    )(h, cs, w)


def _combine_relu_colsum(p0, p1, t, b):
    def k(p0_ref, p1_ref, t_ref, b_ref, h_ref, cs_ref):
        h = jnp.maximum(p0_ref[...] + p1_ref[...] + t_ref[...] + b_ref[...],
                        0.0)
        h_ref[...] = h
        @pl.when(pl.program_id(0) == 0)
        def _():
            cs_ref[...] = jnp.zeros_like(cs_ref)
        cs_ref[...] += jnp.sum(h, axis=0, keepdims=True)

    return pl.pallas_call(
        k,
        grid=(G,),
        in_specs=[
            pl.BlockSpec((RBLK, D), lambda i: (i, 0)),
            pl.BlockSpec((RBLK, D), lambda i: (i, 0)),
            pl.BlockSpec((RBLK, D), lambda i: (i, 0)),
            pl.BlockSpec((1, D), lambda i: (0, 0)),
        ],
        out_specs=[
            pl.BlockSpec((RBLK, D), lambda i: (i, 0)),
            pl.BlockSpec((1, D), lambda i: (0, 0)),
        ],
        out_shape=[
            jax.ShapeDtypeStruct((N, D), _f32),
            jax.ShapeDtypeStruct((1, D), _f32),
        ],
    )(p0, p1, t, b)


def _matmul(h, w):
    def k(h_ref, w_ref, o_ref):
        o_ref[...] = jnp.dot(h_ref[...], w_ref[...],
                             preferred_element_type=_f32)

    return pl.pallas_call(
        k,
        grid=(G,),
        in_specs=[
            pl.BlockSpec((RBLK, D), lambda i: (i, 0)),
            pl.BlockSpec((D, D), lambda i: (0, 0)),
        ],
        out_specs=pl.BlockSpec((RBLK, D), lambda i: (i, 0)),
        out_shape=jax.ShapeDtypeStruct((N, D), _f32),
    )(h, w)


def _combine_final(p0, p1, t, b):
    def k(p0_ref, p1_ref, t_ref, b_ref, o_ref):
        o_ref[...] = p0_ref[...] + p1_ref[...] + t_ref[...] + b_ref[...]

    return pl.pallas_call(
        k,
        grid=(G,),
        in_specs=[
            pl.BlockSpec((RBLK, D), lambda i: (i, 0)),
            pl.BlockSpec((RBLK, D), lambda i: (i, 0)),
            pl.BlockSpec((RBLK, D), lambda i: (i, 0)),
            pl.BlockSpec((1, D), lambda i: (0, 0)),
        ],
        out_specs=pl.BlockSpec((RBLK, D), lambda i: (i, 0)),
        out_shape=jax.ShapeDtypeStruct((N, D), _f32),
    )(p0, p1, t, b)



def kernel(features, edge_index, W1, b1, W2, b2, W3, b3):
    src = edge_index[0].astype(jnp.int32)
    dst = edge_index[1].astype(jnp.int32)
    pad = E_PAD - E
    src_w = jnp.concatenate([src, jnp.zeros((pad,), jnp.int32)]
                            ).reshape(NW, K, CHUNK)
    dst_w = jnp.concatenate([dst, jnp.full((pad,), N, jnp.int32)]
                            ).reshape(NW, K, CHUNK)
    zeros = jnp.zeros((STRIPE, D), _f32)
    b1r = b1.reshape(1, D)
    b2r = b2.reshape(1, D)
    b3r = b3.reshape(1, D)

    cs = _colsum(features)
    t1 = _pairnorm_matmul(features, cs, W1)
    p = _sc_aggregate(t1, src_w, dst_w, zeros)
    h1, cs1 = _combine_relu_colsum(p[0, :N], p[1, :N], t1, b1r)
    t2 = _pairnorm_matmul(h1, cs1, W2)
    p = _sc_aggregate(t2, src_w, dst_w, zeros)
    h2, _ = _combine_relu_colsum(p[0, :N], p[1, :N], t2, b2r)
    t3 = _matmul(h2, W3)
    p = _sc_aggregate(t3, src_w, dst_w, zeros)
    return _combine_final(p[0, :N], p[1, :N], t3, b3r)

# --- scband reference (transcript-rebuilt; emitter-appended) ---
"""Pipeline reference for scband-gcn-68908455297308 (READ-ONLY COPY).

The authoritative reference and input builder live on the scoring server;
editing this copy changes nothing except your own understanding.
"""

import jax, jax.numpy as jnp
import numpy as np

N_NODES = 10000
N_EDGES = 320000
D = 128

def pairnorm_scs(x):
    col_mean = jnp.mean(x, axis=0)
    rownorm_individual = jnp.sqrt(1e-06 + jnp.sum(x * x, axis=1, keepdims=True))
    return 1.0 * x / rownorm_individual - col_mean

def gcn_layer(h, src, dst, W, b, n_nodes):
    # copy_u + sum reduce: sum messages h[src] into dst nodes
    msgs = jnp.take(h, src, axis=0)
    agg = jax.ops.segment_sum(msgs, dst, num_segments=n_nodes)
    return jnp.matmul(agg, W) + b

def setup_inputs(seed: int = 0) -> dict:
    key = jax.random.key(seed)
    k_x, k_e, k_w1, k_w2, k_w3 = jax.random.split(key, 5)
    features = jax.random.normal(k_x, (N_NODES, D), dtype=jnp.float32)
    edge_index = jax.random.randint(k_e, (2, N_EDGES), 0, N_NODES, dtype=jnp.int64)
    # xavier_uniform for [D, D]
    limit = float(np.sqrt(6.0 / (D + D)))
    W1 = jax.random.uniform(k_w1, (D, D), dtype=jnp.float32, minval=-limit, maxval=limit)
    W2 = jax.random.uniform(k_w2, (D, D), dtype=jnp.float32, minval=-limit, maxval=limit)
    W3 = jax.random.uniform(k_w3, (D, D), dtype=jnp.float32, minval=-limit, maxval=limit)
    b1 = jnp.zeros((D,), dtype=jnp.float32)
    b2 = jnp.zeros((D,), dtype=jnp.float32)
    b3 = jnp.zeros((D,), dtype=jnp.float32)
    return {"features": features, "edge_index": edge_index, "W1": W1, "b1": b1, "W2": W2, "b2": b2, "W3": W3, "b3": b3}

def reference(features, edge_index, W1, b1, W2, b2, W3, b3):
    n_nodes = features.shape[0]
    # with_loop=True: add self loops each layer (graph is static, precompute once)
    loop = jnp.arange(n_nodes, dtype=edge_index.dtype)
    src = jnp.concatenate([edge_index[0], loop])
    dst = jnp.concatenate([edge_index[1], loop])
    h = features
    for (W, b) in [(W1, b1), (W2, b2)]:
        h = pairnorm_scs(h)
        h = jax.nn.relu(gcn_layer(h, src, dst, W, b, n_nodes))
        # dropout p=0.0 -> identity
    h = gcn_layer(h, src, dst, W3, b3, n_nodes)
    return h

if __name__ == "__main__":
    import jax
    _d = setup_inputs()
    print(jax.jit(kernel)(*tuple(_d.values())))

</pallas_src>

<mosaic_0001>
#map = affine_map<(d0, d1) -> (0, 0)>
#map1 = affine_map<(d0, d1) -> (0, 0, 0)>
module attributes {stable_mosaic.version = 14 : i64} {
  func.func @agg(%arg0: i32, %arg1: i32, %arg2: memref<10000x128xf32, #tpu.memory_space<hbm>>, %arg3: memref<32x80x128xi32, #tpu.memory_space<hbm>>, %arg4: memref<32x80x128xi32, #tpu.memory_space<hbm>>, %arg5: memref<632x128xf32, #tpu.memory_space<hbm>>, %arg6: memref<2x10112x128xf32, #tpu.memory_space<hbm>>, %arg7: memref<40x128xi32, #tpu.memory_space<vmem>>, %arg8: memref<40x128xi32, #tpu.memory_space<vmem>>, %arg9: memref<128x128xf32, #tpu.memory_space<vmem>>, %arg10: memref<128x128xf32, #tpu.memory_space<vmem>>, %arg11: memref<10112x128xf32, #tpu.memory_space<vmem_shared>>, %arg12: memref<!tpu.dma_semaphore, #tpu.memory_space<semaphore_mem>>, %arg13: memref<!tpu.dma_semaphore, #tpu.memory_space<semaphore_mem>>) attributes {dimension_semantics = [#tpu.dimension_semantics<core_parallel>, #tpu.dimension_semantics<subcore_parallel>], iteration_bounds = array<i64: 2, 16>, scalar_prefetch = 0 : i64, scratch_operands = 7 : i64, tpu.core_type = #tpu.core_type<sc_vector_subcore>, window_params = [{transform_indices = #map}, {transform_indices = #map1}, {transform_indices = #map1}, {transform_indices = #map}, {transform_indices = #map1}]} {
    %mul3A = arith.constant 16 : i32
    %mul3A_0 = arith.muli %arg0, %mul3A : i32
    %add3A = arith.addi %mul3A_0, %arg1 : i32
    %mul3A_1 = arith.constant 632 : i32
    %mul3A_2 = arith.muli %arg1, %mul3A_1 : i32
    "tpu.region"() ({
      %run_scoped3A_76 = tpu.sem_alloc : memref<!tpu.dma_semaphore, #tpu.memory_space<semaphore_mem>>
      %dma_start3A_77 = arith.constant 0 : i32
      %dma_start3A_78 = tpu.memref_slice %arg11[%mul3A_2, %dma_start3A_77] : memref<10112x128xf32, #tpu.memory_space<vmem_shared>> -> memref<632x128xf32, #tpu.memory_space<vmem_shared>>
      tpu.enqueue_dma source(%arg5 : memref<632x128xf32, #tpu.memory_space<hbm>>) target(%dma_start3A_78 : memref<632x128xf32, #tpu.memory_space<vmem_shared>>) target_semaphore(%run_scoped3A_76 : memref<!tpu.dma_semaphore, #tpu.memory_space<semaphore_mem>>)
      %dma_wait3A_79 = arith.constant 0 : i32
      %dma_wait3A_80 = tpu.memref_slice %arg11[%mul3A_2, %dma_wait3A_79] : memref<10112x128xf32, #tpu.memory_space<vmem_shared>> -> memref<632x128xf32, #tpu.memory_space<vmem_shared>>
      tpu.wait_dma2 semaphore(%run_scoped3A_76 : memref<!tpu.dma_semaphore, #tpu.memory_space<semaphore_mem>>) src(%arg5 : memref<632x128xf32, #tpu.memory_space<hbm>>) dst(%dma_wait3A_80 : memref<632x128xf32, #tpu.memory_space<vmem_shared>>)
      tpu.yield
    }) : () -> ()
    "tpu.region"() ({
      %run_scoped3A_76 = tpu.sem_alloc : memref<!tpu.dma_semaphore, #tpu.memory_space<semaphore_mem>>
      %dma_start3A_77 = arith.constant 0 : i32
      %dma_start3A_78 = arith.constant 0 : i32
      %dma_start3A_79 = tpu.memref_slice %arg3[%add3A, %dma_start3A_77, %dma_start3A_78] : memref<32x80x128xi32, #tpu.memory_space<hbm>> -> memref<1x40x128xi32, #tpu.memory_space<hbm>>
      %dma_start3A_80 = tpu.memref_squeeze %dma_start3A_79 : memref<1x40x128xi32, #tpu.memory_space<hbm>> -> memref<40x128xi32, #tpu.memory_space<hbm>>
      %dma_start3A_81 = arith.constant 0 : i32
      %dma_start3A_82 = arith.constant 0 : i32
      %dma_start3A_83 = tpu.memref_slice %arg3[%add3A, %dma_start3A_81, %dma_start3A_82] : memref<32x80x128xi32, #tpu.memory_space<hbm>> -> memref<1x40x128xi32, #tpu.memory_space<hbm>>
      %dma_start3A_84 = tpu.memref_squeeze %dma_start3A_83 : memref<1x40x128xi32, #tpu.memory_space<hbm>> -> memref<40x128xi32, #tpu.memory_space<hbm>>
      tpu.enqueue_dma source(%dma_start3A_84 : memref<40x128xi32, #tpu.memory_space<hbm>>) target(%arg7 : memref<40x128xi32, #tpu.memory_space<vmem>>) target_semaphore(%run_scoped3A_76 : memref<!tpu.dma_semaphore, #tpu.memory_space<semaphore_mem>>)
      %dma_wait3A_85 = arith.constant 0 : i32
      %dma_wait3A_86 = arith.constant 0 : i32
      %dma_wait3A_87 = tpu.memref_slice %arg3[%add3A, %dma_wait3A_85, %dma_wait3A_86] : memref<32x80x128xi32, #tpu.memory_space<hbm>> -> memref<1x40x128xi32, #tpu.memory_space<hbm>>
      %dma_wait3A_88 = tpu.memref_squeeze %dma_wait3A_87 : memref<1x40x128xi32, #tpu.memory_space<hbm>> -> memref<40x128xi32, #tpu.memory_space<hbm>>
      %dma_wait3A_89 = arith.constant 0 : i32
      %dma_wait3A_90 = arith.constant 0 : i32
      %dma_wait3A_91 = tpu.memref_slice %arg3[%add3A, %dma_wait3A_89, %dma_wait3A_90] : memref<32x80x128xi32, #tpu.memory_space<hbm>> -> memref<1x40x128xi32, #tpu.memory_space<hbm>>
      %dma_wait3A_92 = tpu.memref_squeeze %dma_wait3A_91 : memref<1x40x128xi32, #tpu.memory_space<hbm>> -> memref<40x128xi32, #tpu.memory_space<hbm>>
      tpu.wait_dma2 semaphore(%run_scoped3A_76 : memref<!tpu.dma_semaphore, #tpu.memory_space<semaphore_mem>>) src(%dma_wait3A_92 : memref<40x128xi32, #tpu.memory_space<hbm>>) dst(%arg7 : memref<40x128xi32, #tpu.memory_space<vmem>>)
      tpu.yield
    }) : () -> ()
    "tpu.region"() ({
      %run_scoped3A_76 = tpu.sem_alloc : memref<!tpu.dma_semaphore, #tpu.memory_space<semaphore_mem>>
      %dma_start3A_77 = arith.constant 0 : i32
      %dma_start3A_78 = arith.constant 0 : i32
      %dma_start3A_79 = tpu.memref_slice %arg4[%add3A, %dma_start3A_77, %dma_start3A_78] : memref<32x80x128xi32, #tpu.memory_space<hbm>> -> memref<1x40x128xi32, #tpu.memory_space<hbm>>
      %dma_start3A_80 = tpu.memref_squeeze %dma_start3A_79 : memref<1x40x128xi32, #tpu.memory_space<hbm>> -> memref<40x128xi32, #tpu.memory_space<hbm>>
      %dma_start3A_81 = arith.constant 0 : i32
      %dma_start3A_82 = arith.constant 0 : i32
      %dma_start3A_83 = tpu.memref_slice %arg4[%add3A, %dma_start3A_81, %dma_start3A_82] : memref<32x80x128xi32, #tpu.memory_space<hbm>> -> memref<1x40x128xi32, #tpu.memory_space<hbm>>
      %dma_start3A_84 = tpu.memref_squeeze %dma_start3A_83 : memref<1x40x128xi32, #tpu.memory_space<hbm>> -> memref<40x128xi32, #tpu.memory_space<hbm>>
      tpu.enqueue_dma source(%dma_start3A_84 : memref<40x128xi32, #tpu.memory_space<hbm>>) target(%arg8 : memref<40x128xi32, #tpu.memory_space<vmem>>) target_semaphore(%run_scoped3A_76 : memref<!tpu.dma_semaphore, #tpu.memory_space<semaphore_mem>>)
      %dma_wait3A_85 = arith.constant 0 : i32
      %dma_wait3A_86 = arith.constant 0 : i32
      %dma_wait3A_87 = tpu.memref_slice %arg4[%add3A, %dma_wait3A_85, %dma_wait3A_86] : memref<32x80x128xi32, #tpu.memory_space<hbm>> -> memref<1x40x128xi32, #tpu.memory_space<hbm>>
      %dma_wait3A_88 = tpu.memref_squeeze %dma_wait3A_87 : memref<1x40x128xi32, #tpu.memory_space<hbm>> -> memref<40x128xi32, #tpu.memory_space<hbm>>
      %dma_wait3A_89 = arith.constant 0 : i32
      %dma_wait3A_90 = arith.constant 0 : i32
      %dma_wait3A_91 = tpu.memref_slice %arg4[%add3A, %dma_wait3A_89, %dma_wait3A_90] : memref<32x80x128xi32, #tpu.memory_space<hbm>> -> memref<1x40x128xi32, #tpu.memory_space<hbm>>
      %dma_wait3A_92 = tpu.memref_squeeze %dma_wait3A_91 : memref<1x40x128xi32, #tpu.memory_space<hbm>> -> memref<40x128xi32, #tpu.memory_space<hbm>>
      tpu.wait_dma2 semaphore(%run_scoped3A_76 : memref<!tpu.dma_semaphore, #tpu.memory_space<semaphore_mem>>) src(%dma_wait3A_92 : memref<40x128xi32, #tpu.memory_space<hbm>>) dst(%arg8 : memref<40x128xi32, #tpu.memory_space<vmem>>)
      tpu.yield
    }) : () -> ()
    %barrier3A = arith.constant 0 : index
    tpu.barrier barrier_id(%barrier3A)
    %dma_start3A = arith.constant 0 : i32
    %dma_start3A_3 = arith.constant 0 : i32
    %dma_start3A_4 = tpu.memref_slice %arg7[%dma_start3A, %dma_start3A_3] : memref<40x128xi32, #tpu.memory_space<vmem>> -> memref<1x128xi32, #tpu.memory_space<vmem>>
    %dma_start3A_5 = tpu.memref_squeeze %dma_start3A_4 : memref<1x128xi32, #tpu.memory_space<vmem>> -> memref<128xi32, #tpu.memory_space<vmem>>
    %dma_start3A_6 = arith.constant 0 : i32
    %dma_start3A_7 = arith.constant 0 : i32
    %dma_start3A_8 = tpu.memref_slice %arg2[%dma_start3A_6, %dma_start3A_7] : memref<10000x128xf32, #tpu.memory_space<hbm>> -> memref<10000x128xf32, #tpu.memory_space<hbm>>
    tpu.enqueue_indirect_dma source(%dma_start3A_8 : memref<10000x128xf32, #tpu.memory_space<hbm>>) target(%arg9 : memref<128x128xf32, #tpu.memory_space<vmem>>) offsets(%dma_start3A_5 : memref<128xi32, #tpu.memory_space<vmem>>) semaphore(%arg12 : memref<!tpu.dma_semaphore, #tpu.memory_space<semaphore_mem>>)
    %scan3A = arith.constant 0 : i32
    %scan3A_9 = arith.constant 0 : i32
    %scan3A_10 = arith.constant 19 : i32
    %scan3A_11 = arith.addi %scan3A_9, %scan3A_10 : i32
    %scan3A_12 = arith.constant 1 : i32
    scf.for %scan3A_76 = %scan3A_9 to %scan3A_11 step %scan3A_12  : i32 {
      %mul3A_77 = arith.constant 2 : i32
      %mul3A_78 = arith.muli %mul3A_77, %scan3A_76 : i32
      %mul3A_79 = arith.constant 2 : i32
      %mul3A_80 = arith.muli %mul3A_79, %scan3A_76 : i32
      %add3A_81 = arith.constant 1 : i32
      %add3A_82 = arith.addi %mul3A_80, %add3A_81 : i32
      %dma_wait3A_83 = arith.constant 0 : i32
      %dma_wait3A_84 = tpu.memref_slice %arg7[%mul3A_78, %dma_wait3A_83] : memref<40x128xi32, #tpu.memory_space<vmem>> -> memref<1x128xi32, #tpu.memory_space<vmem>>
      %dma_wait3A_85 = tpu.memref_squeeze %dma_wait3A_84 : memref<1x128xi32, #tpu.memory_space<vmem>> -> memref<128xi32, #tpu.memory_space<vmem>>
      %dma_wait3A_86 = arith.constant 0 : i32
      %dma_wait3A_87 = arith.constant 0 : i32
      %dma_wait3A_88 = tpu.memref_slice %arg2[%dma_wait3A_86, %dma_wait3A_87] : memref<10000x128xf32, #tpu.memory_space<hbm>> -> memref<10000x128xf32, #tpu.memory_space<hbm>>
      tpu.wait_indirect_dma semaphore(%arg12 : memref<!tpu.dma_semaphore, #tpu.memory_space<semaphore_mem>>) src(%dma_wait3A_88 : memref<10000x128xf32, #tpu.memory_space<hbm>>) dst(%arg9 : memref<128x128xf32, #tpu.memory_space<vmem>>)
      %dma_start3A_89 = arith.constant 0 : i32
      %dma_start3A_90 = tpu.memref_slice %arg7[%add3A_82, %dma_start3A_89] : memref<40x128xi32, #tpu.memory_space<vmem>> -> memref<1x128xi32, #tpu.memory_space<vmem>>
      %dma_start3A_91 = tpu.memref_squeeze %dma_start3A_90 : memref<1x128xi32, #tpu.memory_space<vmem>> -> memref<128xi32, #tpu.memory_space<vmem>>
      %dma_start3A_92 = arith.constant 0 : i32
      %dma_start3A_93 = arith.constant 0 : i32
      %dma_start3A_94 = tpu.memref_slice %arg2[%dma_start3A_92, %dma_start3A_93] : memref<10000x128xf32, #tpu.memory_space<hbm>> -> memref<10000x128xf32, #tpu.memory_space<hbm>>
      tpu.enqueue_indirect_dma source(%dma_start3A_94 : memref<10000x128xf32, #tpu.memory_space<hbm>>) target(%arg10 : memref<128x128xf32, #tpu.memory_space<vmem>>) offsets(%dma_start3A_91 : memref<128xi32, #tpu.memory_space<vmem>>) semaphore(%arg13 : memref<!tpu.dma_semaphore, #tpu.memory_space<semaphore_mem>>)
      "tpu.region"() ({
        %run_scoped3A_109 = tpu.sem_alloc : memref<!tpu.dma_semaphore, #tpu.memory_space<semaphore_mem>>
        %dma_start3A_110 = arith.constant 0 : i32
        %dma_start3A_111 = tpu.memref_slice %arg8[%mul3A_78, %dma_start3A_110] : memref<40x128xi32, #tpu.memory_space<vmem>> -> memref<1x128xi32, #tpu.memory_space<vmem>>
        %dma_start3A_112 = tpu.memref_squeeze %dma_start3A_111 : memref<1x128xi32, #tpu.memory_space<vmem>> -> memref<128xi32, #tpu.memory_space<vmem>>
        %dma_start3A_113 = arith.constant 0 : i32
        %dma_start3A_114 = arith.constant 0 : i32
        %dma_start3A_115 = tpu.memref_slice %arg11[%dma_start3A_113, %dma_start3A_114] : memref<10112x128xf32, #tpu.memory_space<vmem_shared>> -> memref<10112x128xf32, #tpu.memory_space<vmem_shared>>
        tpu.enqueue_indirect_dma source(%arg9 : memref<128x128xf32, #tpu.memory_space<vmem>>) target(%dma_start3A_115 : memref<10112x128xf32, #tpu.memory_space<vmem_shared>>) offsets(%dma_start3A_112 : memref<128xi32, #tpu.memory_space<vmem>>) semaphore(%run_scoped3A_109 : memref<!tpu.dma_semaphore, #tpu.memory_space<semaphore_mem>>) {add = true}
        %dma_wait3A_116 = arith.constant 0 : i32
        %dma_wait3A_117 = tpu.memref_slice %arg8[%mul3A_78, %dma_wait3A_116] : memref<40x128xi32, #tpu.memory_space<vmem>> -> memref<1x128xi32, #tpu.memory_space<vmem>>
        %dma_wait3A_118 = tpu.memref_squeeze %dma_wait3A_117 : memref<1x128xi32, #tpu.memory_space<vmem>> -> memref<128xi32, #tpu.memory_space<vmem>>
        %dma_wait3A_119 = arith.constant 0 : i32
        %dma_wait3A_120 = arith.constant 0 : i32
        %dma_wait3A_121 = tpu.memref_slice %arg11[%dma_wait3A_119, %dma_wait3A_120] : memref<10112x128xf32, #tpu.memory_space<vmem_shared>> -> memref<10112x128xf32, #tpu.memory_space<vmem_shared>>
        tpu.wait_indirect_dma semaphore(%run_scoped3A_109 : memref<!tpu.dma_semaphore, #tpu.memory_space<semaphore_mem>>) src(%arg9 : memref<128x128xf32, #tpu.memory_space<vmem>>) dst(%dma_wait3A_121 : memref<10112x128xf32, #tpu.memory_space<vmem_shared>>)
        tpu.yield
      }) : () -> ()
      %dma_wait3A_95 = arith.constant 0 : i32
      %dma_wait3A_96 = tpu.memref_slice %arg7[%add3A_82, %dma_wait3A_95] : memref<40x128xi32, #tpu.memory_space<vmem>> -> memref<1x128xi32, #tpu.memory_space<vmem>>
      %dma_wait3A_97 = tpu.memref_squeeze %dma_wait3A_96 : memref<1x128xi32, #tpu.memory_space<vmem>> -> memref<128xi32, #tpu.memory_space<vmem>>
      %dma_wait3A_98 = arith.constant 0 : i32
      %dma_wait3A_99 = arith.constant 0 : i32
      %dma_wait3A_100 = tpu.memref_slice %arg2[%dma_wait3A_98, %dma_wait3A_99] : memref<10000x128xf32, #tpu.memory_space<hbm>> -> memref<10000x128xf32, #tpu.memory_space<hbm>>
      tpu.wait_indirect_dma semaphore(%arg13 : memref<!tpu.dma_semaphore, #tpu.memory_space<semaphore_mem>>) src(%dma_wait3A_100 : memref<10000x128xf32, #tpu.memory_space<hbm>>) dst(%arg10 : memref<128x128xf32, #tpu.memory_space<vmem>>)
      %add3A_101 = arith.constant 2 : i32
      %add3A_102 = arith.addi %mul3A_78, %add3A_101 : i32
      %dma_start3A_103 = arith.constant 0 : i32
      %dma_start3A_104 = tpu.memref_slice %arg7[%add3A_102, %dma_start3A_103] : memref<40x128xi32, #tpu.memory_space<vmem>> -> memref<1x128xi32, #tpu.memory_space<vmem>>
      %dma_start3A_105 = tpu.memref_squeeze %dma_start3A_104 : memref<1x128xi32, #tpu.memory_space<vmem>> -> memref<128xi32, #tpu.memory_space<vmem>>
      %dma_start3A_106 = arith.constant 0 : i32
      %dma_start3A_107 = arith.constant 0 : i32
      %dma_start3A_108 = tpu.memref_slice %arg2[%dma_start3A_106, %dma_start3A_107] : memref<10000x128xf32, #tpu.memory_space<hbm>> -> memref<10000x128xf32, #tpu.memory_space<hbm>>
      tpu.enqueue_indirect_dma source(%dma_start3A_108 : memref<10000x128xf32, #tpu.memory_space<hbm>>) target(%arg9 : memref<128x128xf32, #tpu.memory_space<vmem>>) offsets(%dma_start3A_105 : memref<128xi32, #tpu.memory_space<vmem>>) semaphore(%arg12 : memref<!tpu.dma_semaphore, #tpu.memory_space<semaphore_mem>>)
      "tpu.region"() ({
        %run_scoped3A_109 = tpu.sem_alloc : memref<!tpu.dma_semaphore, #tpu.memory_space<semaphore_mem>>
        %dma_start3A_110 = arith.constant 0 : i32
        %dma_start3A_111 = tpu.memref_slice %arg8[%add3A_82, %dma_start3A_110] : memref<40x128xi32, #tpu.memory_space<vmem>> -> memref<1x128xi32, #tpu.memory_space<vmem>>
        %dma_start3A_112 = tpu.memref_squeeze %dma_start3A_111 : memref<1x128xi32, #tpu.memory_space<vmem>> -> memref<128xi32, #tpu.memory_space<vmem>>
        %dma_start3A_113 = arith.constant 0 : i32
        %dma_start3A_114 = arith.constant 0 : i32
        %dma_start3A_115 = tpu.memref_slice %arg11[%dma_start3A_113, %dma_start3A_114] : memref<10112x128xf32, #tpu.memory_space<vmem_shared>> -> memref<10112x128xf32, #tpu.memory_space<vmem_shared>>
        tpu.enqueue_indirect_dma source(%arg10 : memref<128x128xf32, #tpu.memory_space<vmem>>) target(%dma_start3A_115 : memref<10112x128xf32, #tpu.memory_space<vmem_shared>>) offsets(%dma_start3A_112 : memref<128xi32, #tpu.memory_space<vmem>>) semaphore(%run_scoped3A_109 : memref<!tpu.dma_semaphore, #tpu.memory_space<semaphore_mem>>) {add = true}
        %dma_wait3A_116 = arith.constant 0 : i32
        %dma_wait3A_117 = tpu.memref_slice %arg8[%add3A_82, %dma_wait3A_116] : memref<40x128xi32, #tpu.memory_space<vmem>> -> memref<1x128xi32, #tpu.memory_space<vmem>>
        %dma_wait3A_118 = tpu.memref_squeeze %dma_wait3A_117 : memref<1x128xi32, #tpu.memory_space<vmem>> -> memref<128xi32, #tpu.memory_space<vmem>>
        %dma_wait3A_119 = arith.constant 0 : i32
        %dma_wait3A_120 = arith.constant 0 : i32
        %dma_wait3A_121 = tpu.memref_slice %arg11[%dma_wait3A_119, %dma_wait3A_120] : memref<10112x128xf32, #tpu.memory_space<vmem_shared>> -> memref<10112x128xf32, #tpu.memory_space<vmem_shared>>
        tpu.wait_indirect_dma semaphore(%run_scoped3A_109 : memref<!tpu.dma_semaphore, #tpu.memory_space<semaphore_mem>>) src(%arg10 : memref<128x128xf32, #tpu.memory_space<vmem>>) dst(%dma_wait3A_121 : memref<10112x128xf32, #tpu.memory_space<vmem_shared>>)
        tpu.yield
      }) : () -> ()
    }
    %scan3A_13 = arith.constant 19 : i32
    %dma_wait3A = arith.constant 38 : i32
    %dma_wait3A_14 = arith.constant 0 : i32
    %dma_wait3A_15 = tpu.memref_slice %arg7[%dma_wait3A, %dma_wait3A_14] : memref<40x128xi32, #tpu.memory_space<vmem>> -> memref<1x128xi32, #tpu.memory_space<vmem>>
    %dma_wait3A_16 = tpu.memref_squeeze %dma_wait3A_15 : memref<1x128xi32, #tpu.memory_space<vmem>> -> memref<128xi32, #tpu.memory_space<vmem>>
    %dma_wait3A_17 = arith.constant 0 : i32
    %dma_wait3A_18 = arith.constant 0 : i32
    %dma_wait3A_19 = tpu.memref_slice %arg2[%dma_wait3A_17, %dma_wait3A_18] : memref<10000x128xf32, #tpu.memory_space<hbm>> -> memref<10000x128xf32, #tpu.memory_space<hbm>>
    tpu.wait_indirect_dma semaphore(%arg12 : memref<!tpu.dma_semaphore, #tpu.memory_space<semaphore_mem>>) src(%dma_wait3A_19 : memref<10000x128xf32, #tpu.memory_space<hbm>>) dst(%arg9 : memref<128x128xf32, #tpu.memory_space<vmem>>)
    %dma_start3A_20 = arith.constant 39 : i32
    %dma_start3A_21 = arith.constant 0 : i32
    %dma_start3A_22 = tpu.memref_slice %arg7[%dma_start3A_20, %dma_start3A_21] : memref<40x128xi32, #tpu.memory_space<vmem>> -> memref<1x128xi32, #tpu.memory_space<vmem>>
    %dma_start3A_23 = tpu.memref_squeeze %dma_start3A_22 : memref<1x128xi32, #tpu.memory_space<vmem>> -> memref<128xi32, #tpu.memory_space<vmem>>
    %dma_start3A_24 = arith.constant 0 : i32
    %dma_start3A_25 = arith.constant 0 : i32
    %dma_start3A_26 = tpu.memref_slice %arg2[%dma_start3A_24, %dma_start3A_25] : memref<10000x128xf32, #tpu.memory_space<hbm>> -> memref<10000x128xf32, #tpu.memory_space<hbm>>
    tpu.enqueue_indirect_dma source(%dma_start3A_26 : memref<10000x128xf32, #tpu.memory_space<hbm>>) target(%arg10 : memref<128x128xf32, #tpu.memory_space<vmem>>) offsets(%dma_start3A_23 : memref<128xi32, #tpu.memory_space<vmem>>) semaphore(%arg13 : memref<!tpu.dma_semaphore, #tpu.memory_space<semaphore_mem>>)
    %run_scoped3A = arith.constant 38 : i32
    "tpu.region"() ({
      %run_scoped3A_76 = tpu.sem_alloc : memref<!tpu.dma_semaphore, #tpu.memory_space<semaphore_mem>>
      %dma_start3A_77 = arith.constant 0 : i32
      %dma_start3A_78 = tpu.memref_slice %arg8[%run_scoped3A, %dma_start3A_77] : memref<40x128xi32, #tpu.memory_space<vmem>> -> memref<1x128xi32, #tpu.memory_space<vmem>>
      %dma_start3A_79 = tpu.memref_squeeze %dma_start3A_78 : memref<1x128xi32, #tpu.memory_space<vmem>> -> memref<128xi32, #tpu.memory_space<vmem>>
      %dma_start3A_80 = arith.constant 0 : i32
      %dma_start3A_81 = arith.constant 0 : i32
      %dma_start3A_82 = tpu.memref_slice %arg11[%dma_start3A_80, %dma_start3A_81] : memref<10112x128xf32, #tpu.memory_space<vmem_shared>> -> memref<10112x128xf32, #tpu.memory_space<vmem_shared>>
      tpu.enqueue_indirect_dma source(%arg9 : memref<128x128xf32, #tpu.memory_space<vmem>>) target(%dma_start3A_82 : memref<10112x128xf32, #tpu.memory_space<vmem_shared>>) offsets(%dma_start3A_79 : memref<128xi32, #tpu.memory_space<vmem>>) semaphore(%run_scoped3A_76 : memref<!tpu.dma_semaphore, #tpu.memory_space<semaphore_mem>>) {add = true}
      %dma_wait3A_83 = arith.constant 0 : i32
      %dma_wait3A_84 = tpu.memref_slice %arg8[%run_scoped3A, %dma_wait3A_83] : memref<40x128xi32, #tpu.memory_space<vmem>> -> memref<1x128xi32, #tpu.memory_space<vmem>>
      %dma_wait3A_85 = tpu.memref_squeeze %dma_wait3A_84 : memref<1x128xi32, #tpu.memory_space<vmem>> -> memref<128xi32, #tpu.memory_space<vmem>>
      %dma_wait3A_86 = arith.constant 0 : i32
      %dma_wait3A_87 = arith.constant 0 : i32
      %dma_wait3A_88 = tpu.memref_slice %arg11[%dma_wait3A_86, %dma_wait3A_87] : memref<10112x128xf32, #tpu.memory_space<vmem_shared>> -> memref<10112x128xf32, #tpu.memory_space<vmem_shared>>
      tpu.wait_indirect_dma semaphore(%run_scoped3A_76 : memref<!tpu.dma_semaphore, #tpu.memory_space<semaphore_mem>>) src(%arg9 : memref<128x128xf32, #tpu.memory_space<vmem>>) dst(%dma_wait3A_88 : memref<10112x128xf32, #tpu.memory_space<vmem_shared>>)
      tpu.yield
    }) : () -> ()
    %dma_wait3A_27 = arith.constant 39 : i32
    %dma_wait3A_28 = arith.constant 0 : i32
    %dma_wait3A_29 = tpu.memref_slice %arg7[%dma_wait3A_27, %dma_wait3A_28] : memref<40x128xi32, #tpu.memory_space<vmem>> -> memref<1x128xi32, #tpu.memory_space<vmem>>
    %dma_wait3A_30 = tpu.memref_squeeze %dma_wait3A_29 : memref<1x128xi32, #tpu.memory_space<vmem>> -> memref<128xi32, #tpu.memory_space<vmem>>
    %dma_wait3A_31 = arith.constant 0 : i32
    %dma_wait3A_32 = arith.constant 0 : i32
    %dma_wait3A_33 = tpu.memref_slice %arg2[%dma_wait3A_31, %dma_wait3A_32] : memref<10000x128xf32, #tpu.memory_space<hbm>> -> memref<10000x128xf32, #tpu.memory_space<hbm>>
    tpu.wait_indirect_dma semaphore(%arg13 : memref<!tpu.dma_semaphore, #tpu.memory_space<semaphore_mem>>) src(%dma_wait3A_33 : memref<10000x128xf32, #tpu.memory_space<hbm>>) dst(%arg10 : memref<128x128xf32, #tpu.memory_space<vmem>>)
    %run_scoped3A_34 = arith.constant 39 : i32
    "tpu.region"() ({
      %run_scoped3A_76 = tpu.sem_alloc : memref<!tpu.dma_semaphore, #tpu.memory_space<semaphore_mem>>
      %dma_start3A_77 = arith.constant 0 : i32
      %dma_start3A_78 = tpu.memref_slice %arg8[%run_scoped3A_34, %dma_start3A_77] : memref<40x128xi32, #tpu.memory_space<vmem>> -> memref<1x128xi32, #tpu.memory_space<vmem>>
      %dma_start3A_79 = tpu.memref_squeeze %dma_start3A_78 : memref<1x128xi32, #tpu.memory_space<vmem>> -> memref<128xi32, #tpu.memory_space<vmem>>
      %dma_start3A_80 = arith.constant 0 : i32
      %dma_start3A_81 = arith.constant 0 : i32
      %dma_start3A_82 = tpu.memref_slice %arg11[%dma_start3A_80, %dma_start3A_81] : memref<10112x128xf32, #tpu.memory_space<vmem_shared>> -> memref<10112x128xf32, #tpu.memory_space<vmem_shared>>
      tpu.enqueue_indirect_dma source(%arg10 : memref<128x128xf32, #tpu.memory_space<vmem>>) target(%dma_start3A_82 : memref<10112x128xf32, #tpu.memory_space<vmem_shared>>) offsets(%dma_start3A_79 : memref<128xi32, #tpu.memory_space<vmem>>) semaphore(%run_scoped3A_76 : memref<!tpu.dma_semaphore, #tpu.memory_space<semaphore_mem>>) {add = true}
      %dma_wait3A_83 = arith.constant 0 : i32
      %dma_wait3A_84 = tpu.memref_slice %arg8[%run_scoped3A_34, %dma_wait3A_83] : memref<40x128xi32, #tpu.memory_space<vmem>> -> memref<1x128xi32, #tpu.memory_space<vmem>>
      %dma_wait3A_85 = tpu.memref_squeeze %dma_wait3A_84 : memref<1x128xi32, #tpu.memory_space<vmem>> -> memref<128xi32, #tpu.memory_space<vmem>>
      %dma_wait3A_86 = arith.constant 0 : i32
      %dma_wait3A_87 = arith.constant 0 : i32
      %dma_wait3A_88 = tpu.memref_slice %arg11[%dma_wait3A_86, %dma_wait3A_87] : memref<10112x128xf32, #tpu.memory_space<vmem_shared>> -> memref<10112x128xf32, #tpu.memory_space<vmem_shared>>
      tpu.wait_indirect_dma semaphore(%run_scoped3A_76 : memref<!tpu.dma_semaphore, #tpu.memory_space<semaphore_mem>>) src(%arg10 : memref<128x128xf32, #tpu.memory_space<vmem>>) dst(%dma_wait3A_88 : memref<10112x128xf32, #tpu.memory_space<vmem_shared>>)
      tpu.yield
    }) : () -> ()
    "tpu.region"() ({
      %run_scoped3A_76 = tpu.sem_alloc : memref<!tpu.dma_semaphore, #tpu.memory_space<semaphore_mem>>
      %dma_start3A_77 = arith.constant 40 : i32
      %dma_start3A_78 = arith.constant 0 : i32
      %dma_start3A_79 = tpu.memref_slice %arg3[%add3A, %dma_start3A_77, %dma_start3A_78] : memref<32x80x128xi32, #tpu.memory_space<hbm>> -> memref<1x40x128xi32, #tpu.memory_space<hbm>>
      %dma_start3A_80 = tpu.memref_squeeze %dma_start3A_79 : memref<1x40x128xi32, #tpu.memory_space<hbm>> -> memref<40x128xi32, #tpu.memory_space<hbm>>
      %dma_start3A_81 = arith.constant 40 : i32
      %dma_start3A_82 = arith.constant 0 : i32
      %dma_start3A_83 = tpu.memref_slice %arg3[%add3A, %dma_start3A_81, %dma_start3A_82] : memref<32x80x128xi32, #tpu.memory_space<hbm>> -> memref<1x40x128xi32, #tpu.memory_space<hbm>>
      %dma_start3A_84 = tpu.memref_squeeze %dma_start3A_83 : memref<1x40x128xi32, #tpu.memory_space<hbm>> -> memref<40x128xi32, #tpu.memory_space<hbm>>
      tpu.enqueue_dma source(%dma_start3A_84 : memref<40x128xi32, #tpu.memory_space<hbm>>) target(%arg7 : memref<40x128xi32, #tpu.memory_space<vmem>>) target_semaphore(%run_scoped3A_76 : memref<!tpu.dma_semaphore, #tpu.memory_space<semaphore_mem>>)
      %dma_wait3A_85 = arith.constant 40 : i32
      %dma_wait3A_86 = arith.constant 0 : i32
      %dma_wait3A_87 = tpu.memref_slice %arg3[%add3A, %dma_wait3A_85, %dma_wait3A_86] : memref<32x80x128xi32, #tpu.memory_space<hbm>> -> memref<1x40x128xi32, #tpu.memory_space<hbm>>
      %dma_wait3A_88 = tpu.memref_squeeze %dma_wait3A_87 : memref<1x40x128xi32, #tpu.memory_space<hbm>> -> memref<40x128xi32, #tpu.memory_space<hbm>>
      %dma_wait3A_89 = arith.constant 40 : i32
      %dma_wait3A_90 = arith.constant 0 : i32
      %dma_wait3A_91 = tpu.memref_slice %arg3[%add3A, %dma_wait3A_89, %dma_wait3A_90] : memref<32x80x128xi32, #tpu.memory_space<hbm>> -> memref<1x40x128xi32, #tpu.memory_space<hbm>>
      %dma_wait3A_92 = tpu.memref_squeeze %dma_wait3A_91 : memref<1x40x128xi32, #tpu.memory_space<hbm>> -> memref<40x128xi32, #tpu.memory_space<hbm>>
      tpu.wait_dma2 semaphore(%run_scoped3A_76 : memref<!tpu.dma_semaphore, #tpu.memory_space<semaphore_mem>>) src(%dma_wait3A_92 : memref<40x128xi32, #tpu.memory_space<hbm>>) dst(%arg7 : memref<40x128xi32, #tpu.memory_space<vmem>>)
      tpu.yield
    }) : () -> ()
    "tpu.region"() ({
      %run_scoped3A_76 = tpu.sem_alloc : memref<!tpu.dma_semaphore, #tpu.memory_space<semaphore_mem>>
      %dma_start3A_77 = arith.constant 40 : i32
      %dma_start3A_78 = arith.constant 0 : i32
      %dma_start3A_79 = tpu.memref_slice %arg4[%add3A, %dma_start3A_77, %dma_start3A_78] : memref<32x80x128xi32, #tpu.memory_space<hbm>> -> memref<1x40x128xi32, #tpu.memory_space<hbm>>
      %dma_start3A_80 = tpu.memref_squeeze %dma_start3A_79 : memref<1x40x128xi32, #tpu.memory_space<hbm>> -> memref<40x128xi32, #tpu.memory_space<hbm>>
      %dma_start3A_81 = arith.constant 40 : i32
      %dma_start3A_82 = arith.constant 0 : i32
      %dma_start3A_83 = tpu.memref_slice %arg4[%add3A, %dma_start3A_81, %dma_start3A_82] : memref<32x80x128xi32, #tpu.memory_space<hbm>> -> memref<1x40x128xi32, #tpu.memory_space<hbm>>
      %dma_start3A_84 = tpu.memref_squeeze %dma_start3A_83 : memref<1x40x128xi32, #tpu.memory_space<hbm>> -> memref<40x128xi32, #tpu.memory_space<hbm>>
      tpu.enqueue_dma source(%dma_start3A_84 : memref<40x128xi32, #tpu.memory_space<hbm>>) target(%arg8 : memref<40x128xi32, #tpu.memory_space<vmem>>) target_semaphore(%run_scoped3A_76 : memref<!tpu.dma_semaphore, #tpu.memory_space<semaphore_mem>>)
      %dma_wait3A_85 = arith.constant 40 : i32
      %dma_wait3A_86 = arith.constant 0 : i32
      %dma_wait3A_87 = tpu.memref_slice %arg4[%add3A, %dma_wait3A_85, %dma_wait3A_86] : memref<32x80x128xi32, #tpu.memory_space<hbm>> -> memref<1x40x128xi32, #tpu.memory_space<hbm>>
      %dma_wait3A_88 = tpu.memref_squeeze %dma_wait3A_87 : memref<1x40x128xi32, #tpu.memory_space<hbm>> -> memref<40x128xi32, #tpu.memory_space<hbm>>
      %dma_wait3A_89 = arith.constant 40 : i32
      %dma_wait3A_90 = arith.constant 0 : i32
      %dma_wait3A_91 = tpu.memref_slice %arg4[%add3A, %dma_wait3A_89, %dma_wait3A_90] : memref<32x80x128xi32, #tpu.memory_space<hbm>> -> memref<1x40x128xi32, #tpu.memory_space<hbm>>
      %dma_wait3A_92 = tpu.memref_squeeze %dma_wait3A_91 : memref<1x40x128xi32, #tpu.memory_space<hbm>> -> memref<40x128xi32, #tpu.memory_space<hbm>>
      tpu.wait_dma2 semaphore(%run_scoped3A_76 : memref<!tpu.dma_semaphore, #tpu.memory_space<semaphore_mem>>) src(%dma_wait3A_92 : memref<40x128xi32, #tpu.memory_space<hbm>>) dst(%arg8 : memref<40x128xi32, #tpu.memory_space<vmem>>)
      tpu.yield
    }) : () -> ()
    %dma_start3A_35 = arith.constant 0 : i32
    %dma_start3A_36 = arith.constant 0 : i32
    %dma_start3A_37 = tpu.memref_slice %arg7[%dma_start3A_35, %dma_start3A_36] : memref<40x128xi32, #tpu.memory_space<vmem>> -> memref<1x128xi32, #tpu.memory_space<vmem>>
    %dma_start3A_38 = tpu.memref_squeeze %dma_start3A_37 : memref<1x128xi32, #tpu.memory_space<vmem>> -> memref<128xi32, #tpu.memory_space<vmem>>
    %dma_start3A_39 = arith.constant 0 : i32
    %dma_start3A_40 = arith.constant 0 : i32
    %dma_start3A_41 = tpu.memref_slice %arg2[%dma_start3A_39, %dma_start3A_40] : memref<10000x128xf32, #tpu.memory_space<hbm>> -> memref<10000x128xf32, #tpu.memory_space<hbm>>
    tpu.enqueue_indirect_dma source(%dma_start3A_41 : memref<10000x128xf32, #tpu.memory_space<hbm>>) target(%arg9 : memref<128x128xf32, #tpu.memory_space<vmem>>) offsets(%dma_start3A_38 : memref<128xi32, #tpu.memory_space<vmem>>) semaphore(%arg12 : memref<!tpu.dma_semaphore, #tpu.memory_space<semaphore_mem>>)
    %scan3A_42 = arith.constant 0 : i32
    %scan3A_43 = arith.constant 0 : i32
    %scan3A_44 = arith.constant 19 : i32
    %scan3A_45 = arith.addi %scan3A_43, %scan3A_44 : i32
    %scan3A_46 = arith.constant 1 : i32
    scf.for %scan3A_76 = %scan3A_43 to %scan3A_45 step %scan3A_46  : i32 {
      %mul3A_77 = arith.constant 2 : i32
      %mul3A_78 = arith.muli %mul3A_77, %scan3A_76 : i32
      %mul3A_79 = arith.constant 2 : i32
      %mul3A_80 = arith.muli %mul3A_79, %scan3A_76 : i32
      %add3A_81 = arith.constant 1 : i32
      %add3A_82 = arith.addi %mul3A_80, %add3A_81 : i32
      %dma_wait3A_83 = arith.constant 0 : i32
      %dma_wait3A_84 = tpu.memref_slice %arg7[%mul3A_78, %dma_wait3A_83] : memref<40x128xi32, #tpu.memory_space<vmem>> -> memref<1x128xi32, #tpu.memory_space<vmem>>
      %dma_wait3A_85 = tpu.memref_squeeze %dma_wait3A_84 : memref<1x128xi32, #tpu.memory_space<vmem>> -> memref<128xi32, #tpu.memory_space<vmem>>
      %dma_wait3A_86 = arith.constant 0 : i32
      %dma_wait3A_87 = arith.constant 0 : i32
      %dma_wait3A_88 = tpu.memref_slice %arg2[%dma_wait3A_86, %dma_wait3A_87] : memref<10000x128xf32, #tpu.memory_space<hbm>> -> memref<10000x128xf32, #tpu.memory_space<hbm>>
      tpu.wait_indirect_dma semaphore(%arg12 : memref<!tpu.dma_semaphore, #tpu.memory_space<semaphore_mem>>) src(%dma_wait3A_88 : memref<10000x128xf32, #tpu.memory_space<hbm>>) dst(%arg9 : memref<128x128xf32, #tpu.memory_space<vmem>>)
      %dma_start3A_89 = arith.constant 0 : i32
      %dma_start3A_90 = tpu.memref_slice %arg7[%add3A_82, %dma_start3A_89] : memref<40x128xi32, #tpu.memory_space<vmem>> -> memref<1x128xi32, #tpu.memory_space<vmem>>
      %dma_start3A_91 = tpu.memref_squeeze %dma_start3A_90 : memref<1x128xi32, #tpu.memory_space<vmem>> -> memref<128xi32, #tpu.memory_space<vmem>>
      %dma_start3A_92 = arith.constant 0 : i32
      %dma_start3A_93 = arith.constant 0 : i32
      %dma_start3A_94 = tpu.memref_slice %arg2[%dma_start3A_92, %dma_start3A_93] : memref<10000x128xf32, #tpu.memory_space<hbm>> -> memref<10000x128xf32, #tpu.memory_space<hbm>>
      tpu.enqueue_indirect_dma source(%dma_start3A_94 : memref<10000x128xf32, #tpu.memory_space<hbm>>) target(%arg10 : memref<128x128xf32, #tpu.memory_space<vmem>>) offsets(%dma_start3A_91 : memref<128xi32, #tpu.memory_space<vmem>>) semaphore(%arg13 : memref<!tpu.dma_semaphore, #tpu.memory_space<semaphore_mem>>)
      "tpu.region"() ({
        %run_scoped3A_109 = tpu.sem_alloc : memref<!tpu.dma_semaphore, #tpu.memory_space<semaphore_mem>>
        %dma_start3A_110 = arith.constant 0 : i32
        %dma_start3A_111 = tpu.memref_slice %arg8[%mul3A_78, %dma_start3A_110] : memref<40x128xi32, #tpu.memory_space<vmem>> -> memref<1x128xi32, #tpu.memory_space<vmem>>
        %dma_start3A_112 = tpu.memref_squeeze %dma_start3A_111 : memref<1x128xi32, #tpu.memory_space<vmem>> -> memref<128xi32, #tpu.memory_space<vmem>>
        %dma_start3A_113 = arith.constant 0 : i32
        %dma_start3A_114 = arith.constant 0 : i32
        %dma_start3A_115 = tpu.memref_slice %arg11[%dma_start3A_113, %dma_start3A_114] : memref<10112x128xf32, #tpu.memory_space<vmem_shared>> -> memref<10112x128xf32, #tpu.memory_space<vmem_shared>>
        tpu.enqueue_indirect_dma source(%arg9 : memref<128x128xf32, #tpu.memory_space<vmem>>) target(%dma_start3A_115 : memref<10112x128xf32, #tpu.memory_space<vmem_shared>>) offsets(%dma_start3A_112 : memref<128xi32, #tpu.memory_space<vmem>>) semaphore(%run_scoped3A_109 : memref<!tpu.dma_semaphore, #tpu.memory_space<semaphore_mem>>) {add = true}
        %dma_wait3A_116 = arith.constant 0 : i32
        %dma_wait3A_117 = tpu.memref_slice %arg8[%mul3A_78, %dma_wait3A_116] : memref<40x128xi32, #tpu.memory_space<vmem>> -> memref<1x128xi32, #tpu.memory_space<vmem>>
        %dma_wait3A_118 = tpu.memref_squeeze %dma_wait3A_117 : memref<1x128xi32, #tpu.memory_space<vmem>> -> memref<128xi32, #tpu.memory_space<vmem>>
        %dma_wait3A_119 = arith.constant 0 : i32
        %dma_wait3A_120 = arith.constant 0 : i32
        %dma_wait3A_121 = tpu.memref_slice %arg11[%dma_wait3A_119, %dma_wait3A_120] : memref<10112x128xf32, #tpu.memory_space<vmem_shared>> -> memref<10112x128xf32, #tpu.memory_space<vmem_shared>>
        tpu.wait_indirect_dma semaphore(%run_scoped3A_109 : memref<!tpu.dma_semaphore, #tpu.memory_space<semaphore_mem>>) src(%arg9 : memref<128x128xf32, #tpu.memory_space<vmem>>) dst(%dma_wait3A_121 : memref<10112x128xf32, #tpu.memory_space<vmem_shared>>)
        tpu.yield
      }) : () -> ()
      %dma_wait3A_95 = arith.constant 0 : i32
      %dma_wait3A_96 = tpu.memref_slice %arg7[%add3A_82, %dma_wait3A_95] : memref<40x128xi32, #tpu.memory_space<vmem>> -> memref<1x128xi32, #tpu.memory_space<vmem>>
      %dma_wait3A_97 = tpu.memref_squeeze %dma_wait3A_96 : memref<1x128xi32, #tpu.memory_space<vmem>> -> memref<128xi32, #tpu.memory_space<vmem>>
      %dma_wait3A_98 = arith.constant 0 : i32
      %dma_wait3A_99 = arith.constant 0 : i32
      %dma_wait3A_100 = tpu.memref_slice %arg2[%dma_wait3A_98, %dma_wait3A_99] : memref<10000x128xf32, #tpu.memory_space<hbm>> -> memref<10000x128xf32, #tpu.memory_space<hbm>>
      tpu.wait_indirect_dma semaphore(%arg13 : memref<!tpu.dma_semaphore, #tpu.memory_space<semaphore_mem>>) src(%dma_wait3A_100 : memref<10000x128xf32, #tpu.memory_space<hbm>>) dst(%arg10 : memref<128x128xf32, #tpu.memory_space<vmem>>)
      %add3A_101 = arith.constant 2 : i32
      %add3A_102 = arith.addi %mul3A_78, %add3A_101 : i32
      %dma_start3A_103 = arith.constant 0 : i32
      %dma_start3A_104 = tpu.memref_slice %arg7[%add3A_102, %dma_start3A_103] : memref<40x128xi32, #tpu.memory_space<vmem>> -> memref<1x128xi32, #tpu.memory_space<vmem>>
      %dma_start3A_105 = tpu.memref_squeeze %dma_start3A_104 : memref<1x128xi32, #tpu.memory_space<vmem>> -> memref<128xi32, #tpu.memory_space<vmem>>
      %dma_start3A_106 = arith.constant 0 : i32
      %dma_start3A_107 = arith.constant 0 : i32
      %dma_start3A_108 = tpu.memref_slice %arg2[%dma_start3A_106, %dma_start3A_107] : memref<10000x128xf32, #tpu.memory_space<hbm>> -> memref<10000x128xf32, #tpu.memory_space<hbm>>
      tpu.enqueue_indirect_dma source(%dma_start3A_108 : memref<10000x128xf32, #tpu.memory_space<hbm>>) target(%arg9 : memref<128x128xf32, #tpu.memory_space<vmem>>) offsets(%dma_start3A_105 : memref<128xi32, #tpu.memory_space<vmem>>) semaphore(%arg12 : memref<!tpu.dma_semaphore, #tpu.memory_space<semaphore_mem>>)
      "tpu.region"() ({
        %run_scoped3A_109 = tpu.sem_alloc : memref<!tpu.dma_semaphore, #tpu.memory_space<semaphore_mem>>
        %dma_start3A_110 = arith.constant 0 : i32
        %dma_start3A_111 = tpu.memref_slice %arg8[%add3A_82, %dma_start3A_110] : memref<40x128xi32, #tpu.memory_space<vmem>> -> memref<1x128xi32, #tpu.memory_space<vmem>>
        %dma_start3A_112 = tpu.memref_squeeze %dma_start3A_111 : memref<1x128xi32, #tpu.memory_space<vmem>> -> memref<128xi32, #tpu.memory_space<vmem>>
        %dma_start3A_113 = arith.constant 0 : i32
        %dma_start3A_114 = arith.constant 0 : i32
        %dma_start3A_115 = tpu.memref_slice %arg11[%dma_start3A_113, %dma_start3A_114] : memref<10112x128xf32, #tpu.memory_space<vmem_shared>> -> memref<10112x128xf32, #tpu.memory_space<vmem_shared>>
        tpu.enqueue_indirect_dma source(%arg10 : memref<128x128xf32, #tpu.memory_space<vmem>>) target(%dma_start3A_115 : memref<10112x128xf32, #tpu.memory_space<vmem_shared>>) offsets(%dma_start3A_112 : memref<128xi32, #tpu.memory_space<vmem>>) semaphore(%run_scoped3A_109 : memref<!tpu.dma_semaphore, #tpu.memory_space<semaphore_mem>>) {add = true}
        %dma_wait3A_116 = arith.constant 0 : i32
        %dma_wait3A_117 = tpu.memref_slice %arg8[%add3A_82, %dma_wait3A_116] : memref<40x128xi32, #tpu.memory_space<vmem>> -> memref<1x128xi32, #tpu.memory_space<vmem>>
        %dma_wait3A_118 = tpu.memref_squeeze %dma_wait3A_117 : memref<1x128xi32, #tpu.memory_space<vmem>> -> memref<128xi32, #tpu.memory_space<vmem>>
        %dma_wait3A_119 = arith.constant 0 : i32
        %dma_wait3A_120 = arith.constant 0 : i32
        %dma_wait3A_121 = tpu.memref_slice %arg11[%dma_wait3A_119, %dma_wait3A_120] : memref<10112x128xf32, #tpu.memory_space<vmem_shared>> -> memref<10112x128xf32, #tpu.memory_space<vmem_shared>>
        tpu.wait_indirect_dma semaphore(%run_scoped3A_109 : memref<!tpu.dma_semaphore, #tpu.memory_space<semaphore_mem>>) src(%arg10 : memref<128x128xf32, #tpu.memory_space<vmem>>) dst(%dma_wait3A_121 : memref<10112x128xf32, #tpu.memory_space<vmem_shared>>)
        tpu.yield
      }) : () -> ()
    }
    %scan3A_47 = arith.constant 19 : i32
    %dma_wait3A_48 = arith.constant 38 : i32
    %dma_wait3A_49 = arith.constant 0 : i32
    %dma_wait3A_50 = tpu.memref_slice %arg7[%dma_wait3A_48, %dma_wait3A_49] : memref<40x128xi32, #tpu.memory_space<vmem>> -> memref<1x128xi32, #tpu.memory_space<vmem>>
    %dma_wait3A_51 = tpu.memref_squeeze %dma_wait3A_50 : memref<1x128xi32, #tpu.memory_space<vmem>> -> memref<128xi32, #tpu.memory_space<vmem>>
    %dma_wait3A_52 = arith.constant 0 : i32
    %dma_wait3A_53 = arith.constant 0 : i32
    %dma_wait3A_54 = tpu.memref_slice %arg2[%dma_wait3A_52, %dma_wait3A_53] : memref<10000x128xf32, #tpu.memory_space<hbm>> -> memref<10000x128xf32, #tpu.memory_space<hbm>>
    tpu.wait_indirect_dma semaphore(%arg12 : memref<!tpu.dma_semaphore, #tpu.memory_space<semaphore_mem>>) src(%dma_wait3A_54 : memref<10000x128xf32, #tpu.memory_space<hbm>>) dst(%arg9 : memref<128x128xf32, #tpu.memory_space<vmem>>)
    %dma_start3A_55 = arith.constant 39 : i32
    %dma_start3A_56 = arith.constant 0 : i32
    %dma_start3A_57 = tpu.memref_slice %arg7[%dma_start3A_55, %dma_start3A_56] : memref<40x128xi32, #tpu.memory_space<vmem>> -> memref<1x128xi32, #tpu.memory_space<vmem>>
    %dma_start3A_58 = tpu.memref_squeeze %dma_start3A_57 : memref<1x128xi32, #tpu.memory_space<vmem>> -> memref<128xi32, #tpu.memory_space<vmem>>
    %dma_start3A_59 = arith.constant 0 : i32
    %dma_start3A_60 = arith.constant 0 : i32
    %dma_start3A_61 = tpu.memref_slice %arg2[%dma_start3A_59, %dma_start3A_60] : memref<10000x128xf32, #tpu.memory_space<hbm>> -> memref<10000x128xf32, #tpu.memory_space<hbm>>
    tpu.enqueue_indirect_dma source(%dma_start3A_61 : memref<10000x128xf32, #tpu.memory_space<hbm>>) target(%arg10 : memref<128x128xf32, #tpu.memory_space<vmem>>) offsets(%dma_start3A_58 : memref<128xi32, #tpu.memory_space<vmem>>) semaphore(%arg13 : memref<!tpu.dma_semaphore, #tpu.memory_space<semaphore_mem>>)
    %run_scoped3A_62 = arith.constant 38 : i32
    "tpu.region"() ({
      %run_scoped3A_76 = tpu.sem_alloc : memref<!tpu.dma_semaphore, #tpu.memory_space<semaphore_mem>>
      %dma_start3A_77 = arith.constant 0 : i32
      %dma_start3A_78 = tpu.memref_slice %arg8[%run_scoped3A_62, %dma_start3A_77] : memref<40x128xi32, #tpu.memory_space<vmem>> -> memref<1x128xi32, #tpu.memory_space<vmem>>
      %dma_start3A_79 = tpu.memref_squeeze %dma_start3A_78 : memref<1x128xi32, #tpu.memory_space<vmem>> -> memref<128xi32, #tpu.memory_space<vmem>>
      %dma_start3A_80 = arith.constant 0 : i32
      %dma_start3A_81 = arith.constant 0 : i32
      %dma_start3A_82 = tpu.memref_slice %arg11[%dma_start3A_80, %dma_start3A_81] : memref<10112x128xf32, #tpu.memory_space<vmem_shared>> -> memref<10112x128xf32, #tpu.memory_space<vmem_shared>>
      tpu.enqueue_indirect_dma source(%arg9 : memref<128x128xf32, #tpu.memory_space<vmem>>) target(%dma_start3A_82 : memref<10112x128xf32, #tpu.memory_space<vmem_shared>>) offsets(%dma_start3A_79 : memref<128xi32, #tpu.memory_space<vmem>>) semaphore(%run_scoped3A_76 : memref<!tpu.dma_semaphore, #tpu.memory_space<semaphore_mem>>) {add = true}
      %dma_wait3A_83 = arith.constant 0 : i32
      %dma_wait3A_84 = tpu.memref_slice %arg8[%run_scoped3A_62, %dma_wait3A_83] : memref<40x128xi32, #tpu.memory_space<vmem>> -> memref<1x128xi32, #tpu.memory_space<vmem>>
      %dma_wait3A_85 = tpu.memref_squeeze %dma_wait3A_84 : memref<1x128xi32, #tpu.memory_space<vmem>> -> memref<128xi32, #tpu.memory_space<vmem>>
      %dma_wait3A_86 = arith.constant 0 : i32
      %dma_wait3A_87 = arith.constant 0 : i32
      %dma_wait3A_88 = tpu.memref_slice %arg11[%dma_wait3A_86, %dma_wait3A_87] : memref<10112x128xf32, #tpu.memory_space<vmem_shared>> -> memref<10112x128xf32, #tpu.memory_space<vmem_shared>>
      tpu.wait_indirect_dma semaphore(%run_scoped3A_76 : memref<!tpu.dma_semaphore, #tpu.memory_space<semaphore_mem>>) src(%arg9 : memref<128x128xf32, #tpu.memory_space<vmem>>) dst(%dma_wait3A_88 : memref<10112x128xf32, #tpu.memory_space<vmem_shared>>)
      tpu.yield
    }) : () -> ()
    %dma_wait3A_63 = arith.constant 39 : i32
    %dma_wait3A_64 = arith.constant 0 : i32
    %dma_wait3A_65 = tpu.memref_slice %arg7[%dma_wait3A_63, %dma_wait3A_64] : memref<40x128xi32, #tpu.memory_space<vmem>> -> memref<1x128xi32, #tpu.memory_space<vmem>>
    %dma_wait3A_66 = tpu.memref_squeeze %dma_wait3A_65 : memref<1x128xi32, #tpu.memory_space<vmem>> -> memref<128xi32, #tpu.memory_space<vmem>>
    %dma_wait3A_67 = arith.constant 0 : i32
    %dma_wait3A_68 = arith.constant 0 : i32
    %dma_wait3A_69 = tpu.memref_slice %arg2[%dma_wait3A_67, %dma_wait3A_68] : memref<10000x128xf32, #tpu.memory_space<hbm>> -> memref<10000x128xf32, #tpu.memory_space<hbm>>
    tpu.wait_indirect_dma semaphore(%arg13 : memref<!tpu.dma_semaphore, #tpu.memory_space<semaphore_mem>>) src(%dma_wait3A_69 : memref<10000x128xf32, #tpu.memory_space<hbm>>) dst(%arg10 : memref<128x128xf32, #tpu.memory_space<vmem>>)
    %run_scoped3A_70 = arith.constant 39 : i32
    "tpu.region"() ({
      %run_scoped3A_76 = tpu.sem_alloc : memref<!tpu.dma_semaphore, #tpu.memory_space<semaphore_mem>>
      %dma_start3A_77 = arith.constant 0 : i32
      %dma_start3A_78 = tpu.memref_slice %arg8[%run_scoped3A_70, %dma_start3A_77] : memref<40x128xi32, #tpu.memory_space<vmem>> -> memref<1x128xi32, #tpu.memory_space<vmem>>
      %dma_start3A_79 = tpu.memref_squeeze %dma_start3A_78 : memref<1x128xi32, #tpu.memory_space<vmem>> -> memref<128xi32, #tpu.memory_space<vmem>>
      %dma_start3A_80 = arith.constant 0 : i32
      %dma_start3A_81 = arith.constant 0 : i32
      %dma_start3A_82 = tpu.memref_slice %arg11[%dma_start3A_80, %dma_start3A_81] : memref<10112x128xf32, #tpu.memory_space<vmem_shared>> -> memref<10112x128xf32, #tpu.memory_space<vmem_shared>>
      tpu.enqueue_indirect_dma source(%arg10 : memref<128x128xf32, #tpu.memory_space<vmem>>) target(%dma_start3A_82 : memref<10112x128xf32, #tpu.memory_space<vmem_shared>>) offsets(%dma_start3A_79 : memref<128xi32, #tpu.memory_space<vmem>>) semaphore(%run_scoped3A_76 : memref<!tpu.dma_semaphore, #tpu.memory_space<semaphore_mem>>) {add = true}
      %dma_wait3A_83 = arith.constant 0 : i32
      %dma_wait3A_84 = tpu.memref_slice %arg8[%run_scoped3A_70, %dma_wait3A_83] : memref<40x128xi32, #tpu.memory_space<vmem>> -> memref<1x128xi32, #tpu.memory_space<vmem>>
      %dma_wait3A_85 = tpu.memref_squeeze %dma_wait3A_84 : memref<1x128xi32, #tpu.memory_space<vmem>> -> memref<128xi32, #tpu.memory_space<vmem>>
      %dma_wait3A_86 = arith.constant 0 : i32
      %dma_wait3A_87 = arith.constant 0 : i32
      %dma_wait3A_88 = tpu.memref_slice %arg11[%dma_wait3A_86, %dma_wait3A_87] : memref<10112x128xf32, #tpu.memory_space<vmem_shared>> -> memref<10112x128xf32, #tpu.memory_space<vmem_shared>>
      tpu.wait_indirect_dma semaphore(%run_scoped3A_76 : memref<!tpu.dma_semaphore, #tpu.memory_space<semaphore_mem>>) src(%arg10 : memref<128x128xf32, #tpu.memory_space<vmem>>) dst(%dma_wait3A_88 : memref<10112x128xf32, #tpu.memory_space<vmem_shared>>)
      tpu.yield
    }) : () -> ()
    %barrier3A_71 = arith.constant 0 : index
    tpu.barrier barrier_id(%barrier3A_71)
    %mul3A_72 = arith.constant 632 : i32
    %mul3A_73 = arith.muli %arg1, %mul3A_72 : i32
    %mul3A_74 = arith.constant 632 : i32
    %mul3A_75 = arith.muli %arg1, %mul3A_74 : i32
    "tpu.region"() ({
      %run_scoped3A_76 = tpu.sem_alloc : memref<!tpu.dma_semaphore, #tpu.memory_space<semaphore_mem>>
      %dma_start3A_77 = arith.constant 0 : i32
      %dma_start3A_78 = tpu.memref_slice %arg6[%arg0, %mul3A_75, %dma_start3A_77] : memref<2x10112x128xf32, #tpu.memory_space<hbm>> -> memref<1x632x128xf32, #tpu.memory_space<hbm>>
      %dma_start3A_79 = tpu.memref_squeeze %dma_start3A_78 : memref<1x632x128xf32, #tpu.memory_space<hbm>> -> memref<632x128xf32, #tpu.memory_space<hbm>>
      %dma_start3A_80 = arith.constant 0 : i32
      %dma_start3A_81 = tpu.memref_slice %arg11[%mul3A_73, %dma_start3A_80] : memref<10112x128xf32, #tpu.memory_space<vmem_shared>> -> memref<632x128xf32, #tpu.memory_space<vmem_shared>>
      tpu.enqueue_dma source(%dma_start3A_81 : memref<632x128xf32, #tpu.memory_space<vmem_shared>>) target(%dma_start3A_79 : memref<632x128xf32, #tpu.memory_space<hbm>>) target_semaphore(%run_scoped3A_76 : memref<!tpu.dma_semaphore, #tpu.memory_space<semaphore_mem>>)
      %dma_wait3A_82 = arith.constant 0 : i32
      %dma_wait3A_83 = tpu.memref_slice %arg6[%arg0, %mul3A_75, %dma_wait3A_82] : memref<2x10112x128xf32, #tpu.memory_space<hbm>> -> memref<1x632x128xf32, #tpu.memory_space<hbm>>
      %dma_wait3A_84 = tpu.memref_squeeze %dma_wait3A_83 : memref<1x632x128xf32, #tpu.memory_space<hbm>> -> memref<632x128xf32, #tpu.memory_space<hbm>>
      %dma_wait3A_85 = arith.constant 0 : i32
      %dma_wait3A_86 = tpu.memref_slice %arg11[%mul3A_73, %dma_wait3A_85] : memref<10112x128xf32, #tpu.memory_space<vmem_shared>> -> memref<632x128xf32, #tpu.memory_space<vmem_shared>>
      tpu.wait_dma2 semaphore(%run_scoped3A_76 : memref<!tpu.dma_semaphore, #tpu.memory_space<semaphore_mem>>) src(%dma_wait3A_86 : memref<632x128xf32, #tpu.memory_space<vmem_shared>>) dst(%dma_wait3A_84 : memref<632x128xf32, #tpu.memory_space<hbm>>)
      tpu.yield
    }) : () -> ()
    return
  }
}

#map = affine_map<(d0, d1) -> (0, 0)>
#map1 = affine_map<(d0, d1) -> (0, 0, 0)>
module attributes {stable_mosaic.version = 14 : i64} {
  func.func @agg(%arg0: i32, %arg1: i32, %arg2: memref<10000x128xf32, #tpu.memory_space<hbm>>, %arg3: memref<32x80x128xi32, #tpu.memory_space<hbm>>, %arg4: memref<32x80x128xi32, #tpu.memory_space<hbm>>, %arg5: memref<632x128xf32, #tpu.memory_space<hbm>>, %arg6: memref<2x10112x128xf32, #tpu.memory_space<hbm>>, %arg7: memref<40x128xi32, #tpu.memory_space<vmem>>, %arg8: memref<40x128xi32, #tpu.memory_space<vmem>>, %arg9: memref<128x128xf32, #tpu.memory_space<vmem>>, %arg10: memref<128x128xf32, #tpu.memory_space<vmem>>, %arg11: memref<10112x128xf32, #tpu.memory_space<vmem_shared>>, %arg12: memref<!tpu.dma_semaphore, #tpu.memory_space<semaphore_mem>>, %arg13: memref<!tpu.dma_semaphore, #tpu.memory_space<semaphore_mem>>) attributes {dimension_semantics = [#tpu.dimension_semantics<core_parallel>, #tpu.dimension_semantics<subcore_parallel>], iteration_bounds = array<i64: 2, 16>, scalar_prefetch = 0 : i64, scratch_operands = 7 : i64, tpu.core_type = #tpu.core_type<sc_vector_subcore>, window_params = [{transform_indices = #map}, {transform_indices = #map1}, {transform_indices = #map1}, {transform_indices = #map}, {transform_indices = #map1}]} {
    %mul3A = arith.constant 16 : i32
    %mul3A_0 = arith.muli %arg0, %mul3A : i32
    %add3A = arith.addi %mul3A_0, %arg1 : i32
    %mul3A_1 = arith.constant 632 : i32
    %mul3A_2 = arith.muli %arg1, %mul3A_1 : i32
    "tpu.region"() ({
      %run_scoped3A_76 = tpu.sem_alloc : memref<!tpu.dma_semaphore, #tpu.memory_space<semaphore_mem>>
      %dma_start3A_77 = arith.constant 0 : i32
      %dma_start3A_78 = tpu.memref_slice %arg11[%mul3A_2, %dma_start3A_77] : memref<10112x128xf32, #tpu.memory_space<vmem_shared>> -> memref<632x128xf32, #tpu.memory_space<vmem_shared>>
      tpu.enqueue_dma source(%arg5 : memref<632x128xf32, #tpu.memory_space<hbm>>) target(%dma_start3A_78 : memref<632x128xf32, #tpu.memory_space<vmem_shared>>) target_semaphore(%run_scoped3A_76 : memref<!tpu.dma_semaphore, #tpu.memory_space<semaphore_mem>>)
      %dma_wait3A_79 = arith.constant 0 : i32
      %dma_wait3A_80 = tpu.memref_slice %arg11[%mul3A_2, %dma_wait3A_79] : memref<10112x128xf32, #tpu.memory_space<vmem_shared>> -> memref<632x128xf32, #tpu.memory_space<vmem_shared>>
      tpu.wait_dma2 semaphore(%run_scoped3A_76 : memref<!tpu.dma_semaphore, #tpu.memory_space<semaphore_mem>>) src(%arg5 : memref<632x128xf32, #tpu.memory_space<hbm>>) dst(%dma_wait3A_80 : memref<632x128xf32, #tpu.memory_space<vmem_shared>>)
      tpu.yield
    }) : () -> ()
    "tpu.region"() ({
      %run_scoped3A_76 = tpu.sem_alloc : memref<!tpu.dma_semaphore, #tpu.memory_space<semaphore_mem>>
      %dma_start3A_77 = arith.constant 0 : i32
      %dma_start3A_78 = arith.constant 0 : i32
      %dma_start3A_79 = tpu.memref_slice %arg3[%add3A, %dma_start3A_77, %dma_start3A_78] : memref<32x80x128xi32, #tpu.memory_space<hbm>> -> memref<1x40x128xi32, #tpu.memory_space<hbm>>
      %dma_start3A_80 = tpu.memref_squeeze %dma_start3A_79 : memref<1x40x128xi32, #tpu.memory_space<hbm>> -> memref<40x128xi32, #tpu.memory_space<hbm>>
      %dma_start3A_81 = arith.constant 0 : i32
      %dma_start3A_82 = arith.constant 0 : i32
      %dma_start3A_83 = tpu.memref_slice %arg3[%add3A, %dma_start3A_81, %dma_start3A_82] : memref<32x80x128xi32, #tpu.memory_space<hbm>> -> memref<1x40x128xi32, #tpu.memory_space<hbm>>
      %dma_start3A_84 = tpu.memref_squeeze %dma_start3A_83 : memref<1x40x128xi32, #tpu.memory_space<hbm>> -> memref<40x128xi32, #tpu.memory_space<hbm>>
      tpu.enqueue_dma source(%dma_start3A_84 : memref<40x128xi32, #tpu.memory_space<hbm>>) target(%arg7 : memref<40x128xi32, #tpu.memory_space<vmem>>) target_semaphore(%run_scoped3A_76 : memref<!tpu.dma_semaphore, #tpu.memory_space<semaphore_mem>>)
      %dma_wait3A_85 = arith.constant 0 : i32
      %dma_wait3A_86 = arith.constant 0 : i32
      %dma_wait3A_87 = tpu.memref_slice %arg3[%add3A, %dma_wait3A_85, %dma_wait3A_86] : memref<32x80x128xi32, #tpu.memory_space<hbm>> -> memref<1x40x128xi32, #tpu.memory_space<hbm>>
      %dma_wait3A_88 = tpu.memref_squeeze %dma_wait3A_87 : memref<1x40x128xi32, #tpu.memory_space<hbm>> -> memref<40x128xi32, #tpu.memory_space<hbm>>
      %dma_wait3A_89 = arith.constant 0 : i32
      %dma_wait3A_90 = arith.constant 0 : i32
      %dma_wait3A_91 = tpu.memref_slice %arg3[%add3A, %dma_wait3A_89, %dma_wait3A_90] : memref<32x80x128xi32, #tpu.memory_space<hbm>> -> memref<1x40x128xi32, #tpu.memory_space<hbm>>
      %dma_wait3A_92 = tpu.memref_squeeze %dma_wait3A_91 : memref<1x40x128xi32, #tpu.memory_space<hbm>> -> memref<40x128xi32, #tpu.memory_space<hbm>>
      tpu.wait_dma2 semaphore(%run_scoped3A_76 : memref<!tpu.dma_semaphore, #tpu.memory_space<semaphore_mem>>) src(%dma_wait3A_92 : memref<40x128xi32, #tpu.memory_space<hbm>>) dst(%arg7 : memref<40x128xi32, #tpu.memory_space<vmem>>)
      tpu.yield
    }) : () -> ()
    "tpu.region"() ({
      %run_scoped3A_76 = tpu.sem_alloc : memref<!tpu.dma_semaphore, #tpu.memory_space<semaphore_mem>>
      %dma_start3A_77 = arith.constant 0 : i32
      %dma_start3A_78 = arith.constant 0 : i32
      %dma_start3A_79 = tpu.memref_slice %arg4[%add3A, %dma_start3A_77, %dma_start3A_78] : memref<32x80x128xi32, #tpu.memory_space<hbm>> -> memref<1x40x128xi32, #tpu.memory_space<hbm>>
      %dma_start3A_80 = tpu.memref_squeeze %dma_start3A_79 : memref<1x40x128xi32, #tpu.memory_space<hbm>> -> memref<40x128xi32, #tpu.memory_space<hbm>>
      %dma_start3A_81 = arith.constant 0 : i32
      %dma_start3A_82 = arith.constant 0 : i32
      %dma_start3A_83 = tpu.memref_slice %arg4[%add3A, %dma_start3A_81, %dma_start3A_82] : memref<32x80x128xi32, #tpu.memory_space<hbm>> -> memref<1x40x128xi32, #tpu.memory_space<hbm>>
      %dma_start3A_84 = tpu.memref_squeeze %dma_start3A_83 : memref<1x40x128xi32, #tpu.memory_space<hbm>> -> memref<40x128xi32, #tpu.memory_space<hbm>>
      tpu.enqueue_dma source(%dma_start3A_84 : memref<40x128xi32, #tpu.memory_space<hbm>>) target(%arg8 : memref<40x128xi32, #tpu.memory_space<vmem>>) target_semaphore(%run_scoped3A_76 : memref<!tpu.dma_semaphore, #tpu.memory_space<semaphore_mem>>)
      %dma_wait3A_85 = arith.constant 0 : i32
      %dma_wait3A_86 = arith.constant 0 : i32
      %dma_wait3A_87 = tpu.memref_slice %arg4[%add3A, %dma_wait3A_85, %dma_wait3A_86] : memref<32x80x128xi32, #tpu.memory_space<hbm>> -> memref<1x40x128xi32, #tpu.memory_space<hbm>>
      %dma_wait3A_88 = tpu.memref_squeeze %dma_wait3A_87 : memref<1x40x128xi32, #tpu.memory_space<hbm>> -> memref<40x128xi32, #tpu.memory_space<hbm>>
      %dma_wait3A_89 = arith.constant 0 : i32
      %dma_wait3A_90 = arith.constant 0 : i32
      %dma_wait3A_91 = tpu.memref_slice %arg4[%add3A, %dma_wait3A_89, %dma_wait3A_90] : memref<32x80x128xi32, #tpu.memory_space<hbm>> -> memref<1x40x128xi32, #tpu.memory_space<hbm>>
      %dma_wait3A_92 = tpu.memref_squeeze %dma_wait3A_91 : memref<1x40x128xi32, #tpu.memory_space<hbm>> -> memref<40x128xi32, #tpu.memory_space<hbm>>
      tpu.wait_dma2 semaphore(%run_scoped3A_76 : memref<!tpu.dma_semaphore, #tpu.memory_space<semaphore_mem>>) src(%dma_wait3A_92 : memref<40x128xi32, #tpu.memory_space<hbm>>) dst(%arg8 : memref<40x128xi32, #tpu.memory_space<vmem>>)
      tpu.yield
    }) : () -> ()
    %barrier3A = arith.constant 0 : index
    tpu.barrier barrier_id(%barrier3A)
    %dma_start3A = arith.constant 0 : i32
    %dma_start3A_3 = arith.constant 0 : i32
    %dma_start3A_4 = tpu.memref_slice %arg7[%dma_start3A, %dma_start3A_3] : memref<40x128xi32, #tpu.memory_space<vmem>> -> memref<1x128xi32, #tpu.memory_space<vmem>>
    %dma_start3A_5 = tpu.memref_squeeze %dma_start3A_4 : memref<1x128xi32, #tpu.memory_space<vmem>> -> memref<128xi32, #tpu.memory_space<vmem>>
    %dma_start3A_6 = arith.constant 0 : i32
    %dma_start3A_7 = arith.constant 0 : i32
    %dma_start3A_8 = tpu.memref_slice %arg2[%dma_start3A_6, %dma_start3A_7] : memref<10000x128xf32, #tpu.memory_space<hbm>> -> memref<10000x128xf32, #tpu.memory_space<hbm>>
    tpu.enqueue_indirect_dma source(%dma_start3A_8 : memref<10000x128xf32, #tpu.memory_space<hbm>>) target(%arg9 : memref<128x128xf32, #tpu.memory_space<vmem>>) offsets(%dma_start3A_5 : memref<128xi32, #tpu.memory_space<vmem>>) semaphore(%arg12 : memref<!tpu.dma_semaphore, #tpu.memory_space<semaphore_mem>>)
    %scan3A = arith.constant 0 : i32
    %scan3A_9 = arith.constant 0 : i32
    %scan3A_10 = arith.constant 19 : i32
    %scan3A_11 = arith.addi %scan3A_9, %scan3A_10 : i32
    %scan3A_12 = arith.constant 1 : i32
    scf.for %scan3A_76 = %scan3A_9 to %scan3A_11 step %scan3A_12  : i32 {
      %mul3A_77 = arith.constant 2 : i32
      %mul3A_78 = arith.muli %mul3A_77, %scan3A_76 : i32
      %mul3A_79 = arith.constant 2 : i32
      %mul3A_80 = arith.muli %mul3A_79, %scan3A_76 : i32
      %add3A_81 = arith.constant 1 : i32
      %add3A_82 = arith.addi %mul3A_80, %add3A_81 : i32
      %dma_wait3A_83 = arith.constant 0 : i32
      %dma_wait3A_84 = tpu.memref_slice %arg7[%mul3A_78, %dma_wait3A_83] : memref<40x128xi32, #tpu.memory_space<vmem>> -> memref<1x128xi32, #tpu.memory_space<vmem>>
      %dma_wait3A_85 = tpu.memref_squeeze %dma_wait3A_84 : memref<1x128xi32, #tpu.memory_space<vmem>> -> memref<128xi32, #tpu.memory_space<vmem>>
      %dma_wait3A_86 = arith.constant 0 : i32
      %dma_wait3A_87 = arith.constant 0 : i32
      %dma_wait3A_88 = tpu.memref_slice %arg2[%dma_wait3A_86, %dma_wait3A_87] : memref<10000x128xf32, #tpu.memory_space<hbm>> -> memref<10000x128xf32, #tpu.memory_space<hbm>>
      tpu.wait_indirect_dma semaphore(%arg12 : memref<!tpu.dma_semaphore, #tpu.memory_space<semaphore_mem>>) src(%dma_wait3A_88 : memref<10000x128xf32, #tpu.memory_space<hbm>>) dst(%arg9 : memref<128x128xf32, #tpu.memory_space<vmem>>)
      %dma_start3A_89 = arith.constant 0 : i32
      %dma_start3A_90 = tpu.memref_slice %arg7[%add3A_82, %dma_start3A_89] : memref<40x128xi32, #tpu.memory_space<vmem>> -> memref<1x128xi32, #tpu.memory_space<vmem>>
      %dma_start3A_91 = tpu.memref_squeeze %dma_start3A_90 : memref<1x128xi32, #tpu.memory_space<vmem>> -> memref<128xi32, #tpu.memory_space<vmem>>
      %dma_start3A_92 = arith.constant 0 : i32
      %dma_start3A_93 = arith.constant 0 : i32
      %dma_start3A_94 = tpu.memref_slice %arg2[%dma_start3A_92, %dma_start3A_93] : memref<10000x128xf32, #tpu.memory_space<hbm>> -> memref<10000x128xf32, #tpu.memory_space<hbm>>
      tpu.enqueue_indirect_dma source(%dma_start3A_94 : memref<10000x128xf32, #tpu.memory_space<hbm>>) target(%arg10 : memref<128x128xf32, #tpu.memory_space<vmem>>) offsets(%dma_start3A_91 : memref<128xi32, #tpu.memory_space<vmem>>) semaphore(%arg13 : memref<!tpu.dma_semaphore, #tpu.memory_space<semaphore_mem>>)
      "tpu.region"() ({
        %run_scoped3A_109 = tpu.sem_alloc : memref<!tpu.dma_semaphore, #tpu.memory_space<semaphore_mem>>
        %dma_start3A_110 = arith.constant 0 : i32
        %dma_start3A_111 = tpu.memref_slice %arg8[%mul3A_78, %dma_start3A_110] : memref<40x128xi32, #tpu.memory_space<vmem>> -> memref<1x128xi32, #tpu.memory_space<vmem>>
        %dma_start3A_112 = tpu.memref_squeeze %dma_start3A_111 : memref<1x128xi32, #tpu.memory_space<vmem>> -> memref<128xi32, #tpu.memory_space<vmem>>
        %dma_start3A_113 = arith.constant 0 : i32
        %dma_start3A_114 = arith.constant 0 : i32
        %dma_start3A_115 = tpu.memref_slice %arg11[%dma_start3A_113, %dma_start3A_114] : memref<10112x128xf32, #tpu.memory_space<vmem_shared>> -> memref<10112x128xf32, #tpu.memory_space<vmem_shared>>
        tpu.enqueue_indirect_dma source(%arg9 : memref<128x128xf32, #tpu.memory_space<vmem>>) target(%dma_start3A_115 : memref<10112x128xf32, #tpu.memory_space<vmem_shared>>) offsets(%dma_start3A_112 : memref<128xi32, #tpu.memory_space<vmem>>) semaphore(%run_scoped3A_109 : memref<!tpu.dma_semaphore, #tpu.memory_space<semaphore_mem>>) {add = true}
        %dma_wait3A_116 = arith.constant 0 : i32
        %dma_wait3A_117 = tpu.memref_slice %arg8[%mul3A_78, %dma_wait3A_116] : memref<40x128xi32, #tpu.memory_space<vmem>> -> memref<1x128xi32, #tpu.memory_space<vmem>>
        %dma_wait3A_118 = tpu.memref_squeeze %dma_wait3A_117 : memref<1x128xi32, #tpu.memory_space<vmem>> -> memref<128xi32, #tpu.memory_space<vmem>>
        %dma_wait3A_119 = arith.constant 0 : i32
        %dma_wait3A_120 = arith.constant 0 : i32
        %dma_wait3A_121 = tpu.memref_slice %arg11[%dma_wait3A_119, %dma_wait3A_120] : memref<10112x128xf32, #tpu.memory_space<vmem_shared>> -> memref<10112x128xf32, #tpu.memory_space<vmem_shared>>
        tpu.wait_indirect_dma semaphore(%run_scoped3A_109 : memref<!tpu.dma_semaphore, #tpu.memory_space<semaphore_mem>>) src(%arg9 : memref<128x128xf32, #tpu.memory_space<vmem>>) dst(%dma_wait3A_121 : memref<10112x128xf32, #tpu.memory_space<vmem_shared>>)
        tpu.yield
      }) : () -> ()
      %dma_wait3A_95 = arith.constant 0 : i32
      %dma_wait3A_96 = tpu.memref_slice %arg7[%add3A_82, %dma_wait3A_95] : memref<40x128xi32, #tpu.memory_space<vmem>> -> memref<1x128xi32, #tpu.memory_space<vmem>>
      %dma_wait3A_97 = tpu.memref_squeeze %dma_wait3A_96 : memref<1x128xi32, #tpu.memory_space<vmem>> -> memref<128xi32, #tpu.memory_space<vmem>>
      %dma_wait3A_98 = arith.constant 0 : i32
      %dma_wait3A_99 = arith.constant 0 : i32
      %dma_wait3A_100 = tpu.memref_slice %arg2[%dma_wait3A_98, %dma_wait3A_99] : memref<10000x128xf32, #tpu.memory_space<hbm>> -> memref<10000x128xf32, #tpu.memory_space<hbm>>
      tpu.wait_indirect_dma semaphore(%arg13 : memref<!tpu.dma_semaphore, #tpu.memory_space<semaphore_mem>>) src(%dma_wait3A_100 : memref<10000x128xf32, #tpu.memory_space<hbm>>) dst(%arg10 : memref<128x128xf32, #tpu.memory_space<vmem>>)
      %add3A_101 = arith.constant 2 : i32
      %add3A_102 = arith.addi %mul3A_78, %add3A_101 : i32
      %dma_start3A_103 = arith.constant 0 : i32
      %dma_start3A_104 = tpu.memref_slice %arg7[%add3A_102, %dma_start3A_103] : memref<40x128xi32, #tpu.memory_space<vmem>> -> memref<1x128xi32, #tpu.memory_space<vmem>>
      %dma_start3A_105 = tpu.memref_squeeze %dma_start3A_104 : memref<1x128xi32, #tpu.memory_space<vmem>> -> memref<128xi32, #tpu.memory_space<vmem>>
      %dma_start3A_106 = arith.constant 0 : i32
      %dma_start3A_107 = arith.constant 0 : i32
      %dma_start3A_108 = tpu.memref_slice %arg2[%dma_start3A_106, %dma_start3A_107] : memref<10000x128xf32, #tpu.memory_space<hbm>> -> memref<10000x128xf32, #tpu.memory_space<hbm>>
      tpu.enqueue_indirect_dma source(%dma_start3A_108 : memref<10000x128xf32, #tpu.memory_space<hbm>>) target(%arg9 : memref<128x128xf32, #tpu.memory_space<vmem>>) offsets(%dma_start3A_105 : memref<128xi32, #tpu.memory_space<vmem>>) semaphore(%arg12 : memref<!tpu.dma_semaphore, #tpu.memory_space<semaphore_mem>>)
      "tpu.region"() ({
        %run_scoped3A_109 = tpu.sem_alloc : memref<!tpu.dma_semaphore, #tpu.memory_space<semaphore_mem>>
        %dma_start3A_110 = arith.constant 0 : i32
        %dma_start3A_111 = tpu.memref_slice %arg8[%add3A_82, %dma_start3A_110] : memref<40x128xi32, #tpu.memory_space<vmem>> -> memref<1x128xi32, #tpu.memory_space<vmem>>
        %dma_start3A_112 = tpu.memref_squeeze %dma_start3A_111 : memref<1x128xi32, #tpu.memory_space<vmem>> -> memref<128xi32, #tpu.memory_space<vmem>>
        %dma_start3A_113 = arith.constant 0 : i32
        %dma_start3A_114 = arith.constant 0 : i32
        %dma_start3A_115 = tpu.memref_slice %arg11[%dma_start3A_113, %dma_start3A_114] : memref<10112x128xf32, #tpu.memory_space<vmem_shared>> -> memref<10112x128xf32, #tpu.memory_space<vmem_shared>>
        tpu.enqueue_indirect_dma source(%arg10 : memref<128x128xf32, #tpu.memory_space<vmem>>) target(%dma_start3A_115 : memref<10112x128xf32, #tpu.memory_space<vmem_shared>>) offsets(%dma_start3A_112 : memref<128xi32, #tpu.memory_space<vmem>>) semaphore(%run_scoped3A_109 : memref<!tpu.dma_semaphore, #tpu.memory_space<semaphore_mem>>) {add = true}
        %dma_wait3A_116 = arith.constant 0 : i32
        %dma_wait3A_117 = tpu.memref_slice %arg8[%add3A_82, %dma_wait3A_116] : memref<40x128xi32, #tpu.memory_space<vmem>> -> memref<1x128xi32, #tpu.memory_space<vmem>>
        %dma_wait3A_118 = tpu.memref_squeeze %dma_wait3A_117 : memref<1x128xi32, #tpu.memory_space<vmem>> -> memref<128xi32, #tpu.memory_space<vmem>>
        %dma_wait3A_119 = arith.constant 0 : i32
        %dma_wait3A_120 = arith.constant 0 : i32
        %dma_wait3A_121 = tpu.memref_slice %arg11[%dma_wait3A_119, %dma_wait3A_120] : memref<10112x128xf32, #tpu.memory_space<vmem_shared>> -> memref<10112x128xf32, #tpu.memory_space<vmem_shared>>
        tpu.wait_indirect_dma semaphore(%run_scoped3A_109 : memref<!tpu.dma_semaphore, #tpu.memory_space<semaphore_mem>>) src(%arg10 : memref<128x128xf32, #tpu.memory_space<vmem>>) dst(%dma_wait3A_121 : memref<10112x128xf32, #tpu.memory_space<vmem_shared>>)
        tpu.yield
      }) : () -> ()
    }
    %scan3A_13 = arith.constant 19 : i32
    %dma_wait3A = arith.constant 38 : i32
    %dma_wait3A_14 = arith.constant 0 : i32
    %dma_wait3A_15 = tpu.memref_slice %arg7[%dma_wait3A, %dma_wait3A_14] : memref<40x128xi32, #tpu.memory_space<vmem>> -> memref<1x128xi32, #tpu.memory_space<vmem>>
    %dma_wait3A_16 = tpu.memref_squeeze %dma_wait3A_15 : memref<1x128xi32, #tpu.memory_space<vmem>> -> memref<128xi32, #tpu.memory_space<vmem>>
    %dma_wait3A_17 = arith.constant 0 : i32
    %dma_wait3A_18 = arith.constant 0 : i32
    %dma_wait3A_19 = tpu.memref_slice %arg2[%dma_wait3A_17, %dma_wait3A_18] : memref<10000x128xf32, #tpu.memory_space<hbm>> -> memref<10000x128xf32, #tpu.memory_space<hbm>>
    tpu.wait_indirect_dma semaphore(%arg12 : memref<!tpu.dma_semaphore, #tpu.memory_space<semaphore_mem>>) src(%dma_wait3A_19 : memref<10000x128xf32, #tpu.memory_space<hbm>>) dst(%arg9 : memref<128x128xf32, #tpu.memory_space<vmem>>)
    %dma_start3A_20 = arith.constant 39 : i32
    %dma_start3A_21 = arith.constant 0 : i32
    %dma_start3A_22 = tpu.memref_slice %arg7[%dma_start3A_20, %dma_start3A_21] : memref<40x128xi32, #tpu.memory_space<vmem>> -> memref<1x128xi32, #tpu.memory_space<vmem>>
    %dma_start3A_23 = tpu.memref_squeeze %dma_start3A_22 : memref<1x128xi32, #tpu.memory_space<vmem>> -> memref<128xi32, #tpu.memory_space<vmem>>
    %dma_start3A_24 = arith.constant 0 : i32
    %dma_start3A_25 = arith.constant 0 : i32
    %dma_start3A_26 = tpu.memref_slice %arg2[%dma_start3A_24, %dma_start3A_25] : memref<10000x128xf32, #tpu.memory_space<hbm>> -> memref<10000x128xf32, #tpu.memory_space<hbm>>
    tpu.enqueue_indirect_dma source(%dma_start3A_26 : memref<10000x128xf32, #tpu.memory_space<hbm>>) target(%arg10 : memref<128x128xf32, #tpu.memory_space<vmem>>) offsets(%dma_start3A_23 : memref<128xi32, #tpu.memory_space<vmem>>) semaphore(%arg13 : memref<!tpu.dma_semaphore, #tpu.memory_space<semaphore_mem>>)
    %run_scoped3A = arith.constant 38 : i32
    "tpu.region"() ({
      %run_scoped3A_76 = tpu.sem_alloc : memref<!tpu.dma_semaphore, #tpu.memory_space<semaphore_mem>>
      %dma_start3A_77 = arith.constant 0 : i32
      %dma_start3A_78 = tpu.memref_slice %arg8[%run_scoped3A, %dma_start3A_77] : memref<40x128xi32, #tpu.memory_space<vmem>> -> memref<1x128xi32, #tpu.memory_space<vmem>>
      %dma_start3A_79 = tpu.memref_squeeze %dma_start3A_78 : memref<1x128xi32, #tpu.memory_space<vmem>> -> memref<128xi32, #tpu.memory_space<vmem>>
      %dma_start3A_80 = arith.constant 0 : i32
      %dma_start3A_81 = arith.constant 0 : i32
      %dma_start3A_82 = tpu.memref_slice %arg11[%dma_start3A_80, %dma_start3A_81] : memref<10112x128xf32, #tpu.memory_space<vmem_shared>> -> memref<10112x128xf32, #tpu.memory_space<vmem_shared>>
      tpu.enqueue_indirect_dma source(%arg9 : memref<128x128xf32, #tpu.memory_space<vmem>>) target(%dma_start3A_82 : memref<10112x128xf32, #tpu.memory_space<vmem_shared>>) offsets(%dma_start3A_79 : memref<128xi32, #tpu.memory_space<vmem>>) semaphore(%run_scoped3A_76 : memref<!tpu.dma_semaphore, #tpu.memory_space<semaphore_mem>>) {add = true}
      %dma_wait3A_83 = arith.constant 0 : i32
      %dma_wait3A_84 = tpu.memref_slice %arg8[%run_scoped3A, %dma_wait3A_83] : memref<40x128xi32, #tpu.memory_space<vmem>> -> memref<1x128xi32, #tpu.memory_space<vmem>>
      %dma_wait3A_85 = tpu.memref_squeeze %dma_wait3A_84 : memref<1x128xi32, #tpu.memory_space<vmem>> -> memref<128xi32, #tpu.memory_space<vmem>>
      %dma_wait3A_86 = arith.constant 0 : i32
      %dma_wait3A_87 = arith.constant 0 : i32
      %dma_wait3A_88 = tpu.memref_slice %arg11[%dma_wait3A_86, %dma_wait3A_87] : memref<10112x128xf32, #tpu.memory_space<vmem_shared>> -> memref<10112x128xf32, #tpu.memory_space<vmem_shared>>
      tpu.wait_indirect_dma semaphore(%run_scoped3A_76 : memref<!tpu.dma_semaphore, #tpu.memory_space<semaphore_mem>>) src(%arg9 : memref<128x128xf32, #tpu.memory_space<vmem>>) dst(%dma_wait3A_88 : memref<10112x128xf32, #tpu.memory_space<vmem_shared>>)
      tpu.yield
    }) : () -> ()
    %dma_wait3A_27 = arith.constant 39 : i32
    %dma_wait3A_28 = arith.constant 0 : i32
    %dma_wait3A_29 = tpu.memref_slice %arg7[%dma_wait3A_27, %dma_wait3A_28] : memref<40x128xi32, #tpu.memory_space<vmem>> -> memref<1x128xi32, #tpu.memory_space<vmem>>
    %dma_wait3A_30 = tpu.memref_squeeze %dma_wait3A_29 : memref<1x128xi32, #tpu.memory_space<vmem>> -> memref<128xi32, #tpu.memory_space<vmem>>
    %dma_wait3A_31 = arith.constant 0 : i32
    %dma_wait3A_32 = arith.constant 0 : i32
    %dma_wait3A_33 = tpu.memref_slice %arg2[%dma_wait3A_31, %dma_wait3A_32] : memref<10000x128xf32, #tpu.memory_space<hbm>> -> memref<10000x128xf32, #tpu.memory_space<hbm>>
    tpu.wait_indirect_dma semaphore(%arg13 : memref<!tpu.dma_semaphore, #tpu.memory_space<semaphore_mem>>) src(%dma_wait3A_33 : memref<10000x128xf32, #tpu.memory_space<hbm>>) dst(%arg10 : memref<128x128xf32, #tpu.memory_space<vmem>>)
    %run_scoped3A_34 = arith.constant 39 : i32
    "tpu.region"() ({
      %run_scoped3A_76 = tpu.sem_alloc : memref<!tpu.dma_semaphore, #tpu.memory_space<semaphore_mem>>
      %dma_start3A_77 = arith.constant 0 : i32
      %dma_start3A_78 = tpu.memref_slice %arg8[%run_scoped3A_34, %dma_start3A_77] : memref<40x128xi32, #tpu.memory_space<vmem>> -> memref<1x128xi32, #tpu.memory_space<vmem>>
      %dma_start3A_79 = tpu.memref_squeeze %dma_start3A_78 : memref<1x128xi32, #tpu.memory_space<vmem>> -> memref<128xi32, #tpu.memory_space<vmem>>
      %dma_start3A_80 = arith.constant 0 : i32
      %dma_start3A_81 = arith.constant 0 : i32
      %dma_start3A_82 = tpu.memref_slice %arg11[%dma_start3A_80, %dma_start3A_81] : memref<10112x128xf32, #tpu.memory_space<vmem_shared>> -> memref<10112x128xf32, #tpu.memory_space<vmem_shared>>
      tpu.enqueue_indirect_dma source(%arg10 : memref<128x128xf32, #tpu.memory_space<vmem>>) target(%dma_start3A_82 : memref<10112x128xf32, #tpu.memory_space<vmem_shared>>) offsets(%dma_start3A_79 : memref<128xi32, #tpu.memory_space<vmem>>) semaphore(%run_scoped3A_76 : memref<!tpu.dma_semaphore, #tpu.memory_space<semaphore_mem>>) {add = true}
      %dma_wait3A_83 = arith.constant 0 : i32
      %dma_wait3A_84 = tpu.memref_slice %arg8[%run_scoped3A_34, %dma_wait3A_83] : memref<40x128xi32, #tpu.memory_space<vmem>> -> memref<1x128xi32, #tpu.memory_space<vmem>>
      %dma_wait3A_85 = tpu.memref_squeeze %dma_wait3A_84 : memref<1x128xi32, #tpu.memory_space<vmem>> -> memref<128xi32, #tpu.memory_space<vmem>>
      %dma_wait3A_86 = arith.constant 0 : i32
      %dma_wait3A_87 = arith.constant 0 : i32
      %dma_wait3A_88 = tpu.memref_slice %arg11[%dma_wait3A_86, %dma_wait3A_87] : memref<10112x128xf32, #tpu.memory_space<vmem_shared>> -> memref<10112x128xf32, #tpu.memory_space<vmem_shared>>
      tpu.wait_indirect_dma semaphore(%run_scoped3A_76 : memref<!tpu.dma_semaphore, #tpu.memory_space<semaphore_mem>>) src(%arg10 : memref<128x128xf32, #tpu.memory_space<vmem>>) dst(%dma_wait3A_88 : memref<10112x128xf32, #tpu.memory_space<vmem_shared>>)
      tpu.yield
    }) : () -> ()
    "tpu.region"() ({
      %run_scoped3A_76 = tpu.sem_alloc : memref<!tpu.dma_semaphore, #tpu.memory_space<semaphore_mem>>
      %dma_start3A_77 = arith.constant 40 : i32
      %dma_start3A_78 = arith.constant 0 : i32
      %dma_start3A_79 = tpu.memref_slice %arg3[%add3A, %dma_start3A_77, %dma_start3A_78] : memref<32x80x128xi32, #tpu.memory_space<hbm>> -> memref<1x40x128xi32, #tpu.memory_space<hbm>>
      %dma_start3A_80 = tpu.memref_squeeze %dma_start3A_79 : memref<1x40x128xi32, #tpu.memory_space<hbm>> -> memref<40x128xi32, #tpu.memory_space<hbm>>
      %dma_start3A_81 = arith.constant 40 : i32
      %dma_start3A_82 = arith.constant 0 : i32
      %dma_start3A_83 = tpu.memref_slice %arg3[%add3A, %dma_start3A_81, %dma_start3A_82] : memref<32x80x128xi32, #tpu.memory_space<hbm>> -> memref<1x40x128xi32, #tpu.memory_space<hbm>>
      %dma_start3A_84 = tpu.memref_squeeze %dma_start3A_83 : memref<1x40x128xi32, #tpu.memory_space<hbm>> -> memref<40x128xi32, #tpu.memory_space<hbm>>
      tpu.enqueue_dma source(%dma_start3A_84 : memref<40x128xi32, #tpu.memory_space<hbm>>) target(%arg7 : memref<40x128xi32, #tpu.memory_space<vmem>>) target_semaphore(%run_scoped3A_76 : memref<!tpu.dma_semaphore, #tpu.memory_space<semaphore_mem>>)
      %dma_wait3A_85 = arith.constant 40 : i32
      %dma_wait3A_86 = arith.constant 0 : i32
      %dma_wait3A_87 = tpu.memref_slice %arg3[%add3A, %dma_wait3A_85, %dma_wait3A_86] : memref<32x80x128xi32, #tpu.memory_space<hbm>> -> memref<1x40x128xi32, #tpu.memory_space<hbm>>
      %dma_wait3A_88 = tpu.memref_squeeze %dma_wait3A_87 : memref<1x40x128xi32, #tpu.memory_space<hbm>> -> memref<40x128xi32, #tpu.memory_space<hbm>>
      %dma_wait3A_89 = arith.constant 40 : i32
      %dma_wait3A_90 = arith.constant 0 : i32
      %dma_wait3A_91 = tpu.memref_slice %arg3[%add3A, %dma_wait3A_89, %dma_wait3A_90] : memref<32x80x128xi32, #tpu.memory_space<hbm>> -> memref<1x40x128xi32, #tpu.memory_space<hbm>>
      %dma_wait3A_92 = tpu.memref_squeeze %dma_wait3A_91 : memref<1x40x128xi32, #tpu.memory_space<hbm>> -> memref<40x128xi32, #tpu.memory_space<hbm>>
      tpu.wait_dma2 semaphore(%run_scoped3A_76 : memref<!tpu.dma_semaphore, #tpu.memory_space<semaphore_mem>>) src(%dma_wait3A_92 : memref<40x128xi32, #tpu.memory_space<hbm>>) dst(%arg7 : memref<40x128xi32, #tpu.memory_space<vmem>>)
      tpu.yield
    }) : () -> ()
    "tpu.region"() ({
      %run_scoped3A_76 = tpu.sem_alloc : memref<!tpu.dma_semaphore, #tpu.memory_space<semaphore_mem>>
      %dma_start3A_77 = arith.constant 40 : i32
      %dma_start3A_78 = arith.constant 0 : i32
      %dma_start3A_79 = tpu.memref_slice %arg4[%add3A, %dma_start3A_77, %dma_start3A_78] : memref<32x80x128xi32, #tpu.memory_space<hbm>> -> memref<1x40x128xi32, #tpu.memory_space<hbm>>
      %dma_start3A_80 = tpu.memref_squeeze %dma_start3A_79 : memref<1x40x128xi32, #tpu.memory_space<hbm>> -> memref<40x128xi32, #tpu.memory_space<hbm>>
      %dma_start3A_81 = arith.constant 40 : i32
      %dma_start3A_82 = arith.constant 0 : i32
      %dma_start3A_83 = tpu.memref_slice %arg4[%add3A, %dma_start3A_81, %dma_start3A_82] : memref<32x80x128xi32, #tpu.memory_space<hbm>> -> memref<1x40x128xi32, #tpu.memory_space<hbm>>
      %dma_start3A_84 = tpu.memref_squeeze %dma_start3A_83 : memref<1x40x128xi32, #tpu.memory_space<hbm>> -> memref<40x128xi32, #tpu.memory_space<hbm>>
      tpu.enqueue_dma source(%dma_start3A_84 : memref<40x128xi32, #tpu.memory_space<hbm>>) target(%arg8 : memref<40x128xi32, #tpu.memory_space<vmem>>) target_semaphore(%run_scoped3A_76 : memref<!tpu.dma_semaphore, #tpu.memory_space<semaphore_mem>>)
      %dma_wait3A_85 = arith.constant 40 : i32
      %dma_wait3A_86 = arith.constant 0 : i32
      %dma_wait3A_87 = tpu.memref_slice %arg4[%add3A, %dma_wait3A_85, %dma_wait3A_86] : memref<32x80x128xi32, #tpu.memory_space<hbm>> -> memref<1x40x128xi32, #tpu.memory_space<hbm>>
      %dma_wait3A_88 = tpu.memref_squeeze %dma_wait3A_87 : memref<1x40x128xi32, #tpu.memory_space<hbm>> -> memref<40x128xi32, #tpu.memory_space<hbm>>
      %dma_wait3A_89 = arith.constant 40 : i32
      %dma_wait3A_90 = arith.constant 0 : i32
      %dma_wait3A_91 = tpu.memref_slice %arg4[%add3A, %dma_wait3A_89, %dma_wait3A_90] : memref<32x80x128xi32, #tpu.memory_space<hbm>> -> memref<1x40x128xi32, #tpu.memory_space<hbm>>
      %dma_wait3A_92 = tpu.memref_squeeze %dma_wait3A_91 : memref<1x40x128xi32, #tpu.memory_space<hbm>> -> memref<40x128xi32, #tpu.memory_space<hbm>>
      tpu.wait_dma2 semaphore(%run_scoped3A_76 : memref<!tpu.dma_semaphore, #tpu.memory_space<semaphore_mem>>) src(%dma_wait3A_92 : memref<40x128xi32, #tpu.memory_space<hbm>>) dst(%arg8 : memref<40x128xi32, #tpu.memory_space<vmem>>)
      tpu.yield
    }) : () -> ()
    %dma_start3A_35 = arith.constant 0 : i32
    %dma_start3A_36 = arith.constant 0 : i32
    %dma_start3A_37 = tpu.memref_slice %arg7[%dma_start3A_35, %dma_start3A_36] : memref<40x128xi32, #tpu.memory_space<vmem>> -> memref<1x128xi32, #tpu.memory_space<vmem>>
    %dma_start3A_38 = tpu.memref_squeeze %dma_start3A_37 : memref<1x128xi32, #tpu.memory_space<vmem>> -> memref<128xi32, #tpu.memory_space<vmem>>
    %dma_start3A_39 = arith.constant 0 : i32
    %dma_start3A_40 = arith.constant 0 : i32
    %dma_start3A_41 = tpu.memref_slice %arg2[%dma_start3A_39, %dma_start3A_40] : memref<10000x128xf32, #tpu.memory_space<hbm>> -> memref<10000x128xf32, #tpu.memory_space<hbm>>
    tpu.enqueue_indirect_dma source(%dma_start3A_41 : memref<10000x128xf32, #tpu.memory_space<hbm>>) target(%arg9 : memref<128x128xf32, #tpu.memory_space<vmem>>) offsets(%dma_start3A_38 : memref<128xi32, #tpu.memory_space<vmem>>) semaphore(%arg12 : memref<!tpu.dma_semaphore, #tpu.memory_space<semaphore_mem>>)
    %scan3A_42 = arith.constant 0 : i32
    %scan3A_43 = arith.constant 0 : i32
    %scan3A_44 = arith.constant 19 : i32
    %scan3A_45 = arith.addi %scan3A_43, %scan3A_44 : i32
    %scan3A_46 = arith.constant 1 : i32
    scf.for %scan3A_76 = %scan3A_43 to %scan3A_45 step %scan3A_46  : i32 {
      %mul3A_77 = arith.constant 2 : i32
      %mul3A_78 = arith.muli %mul3A_77, %scan3A_76 : i32
      %mul3A_79 = arith.constant 2 : i32
      %mul3A_80 = arith.muli %mul3A_79, %scan3A_76 : i32
      %add3A_81 = arith.constant 1 : i32
      %add3A_82 = arith.addi %mul3A_80, %add3A_81 : i32
      %dma_wait3A_83 = arith.constant 0 : i32
      %dma_wait3A_84 = tpu.memref_slice %arg7[%mul3A_78, %dma_wait3A_83] : memref<40x128xi32, #tpu.memory_space<vmem>> -> memref<1x128xi32, #tpu.memory_space<vmem>>
      %dma_wait3A_85 = tpu.memref_squeeze %dma_wait3A_84 : memref<1x128xi32, #tpu.memory_space<vmem>> -> memref<128xi32, #tpu.memory_space<vmem>>
      %dma_wait3A_86 = arith.constant 0 : i32
      %dma_wait3A_87 = arith.constant 0 : i32
      %dma_wait3A_88 = tpu.memref_slice %arg2[%dma_wait3A_86, %dma_wait3A_87] : memref<10000x128xf32, #tpu.memory_space<hbm>> -> memref<10000x128xf32, #tpu.memory_space<hbm>>
      tpu.wait_indirect_dma semaphore(%arg12 : memref<!tpu.dma_semaphore, #tpu.memory_space<semaphore_mem>>) src(%dma_wait3A_88 : memref<10000x128xf32, #tpu.memory_space<hbm>>) dst(%arg9 : memref<128x128xf32, #tpu.memory_space<vmem>>)
      %dma_start3A_89 = arith.constant 0 : i32
      %dma_start3A_90 = tpu.memref_slice %arg7[%add3A_82, %dma_start3A_89] : memref<40x128xi32, #tpu.memory_space<vmem>> -> memref<1x128xi32, #tpu.memory_space<vmem>>
      %dma_start3A_91 = tpu.memref_squeeze %dma_start3A_90 : memref<1x128xi32, #tpu.memory_space<vmem>> -> memref<128xi32, #tpu.memory_space<vmem>>
      %dma_start3A_92 = arith.constant 0 : i32
      %dma_start3A_93 = arith.constant 0 : i32
      %dma_start3A_94 = tpu.memref_slice %arg2[%dma_start3A_92, %dma_start3A_93] : memref<10000x128xf32, #tpu.memory_space<hbm>> -> memref<10000x128xf32, #tpu.memory_space<hbm>>
      tpu.enqueue_indirect_dma source(%dma_start3A_94 : memref<10000x128xf32, #tpu.memory_space<hbm>>) target(%arg10 : memref<128x128xf32, #tpu.memory_space<vmem>>) offsets(%dma_start3A_91 : memref<128xi32, #tpu.memory_space<vmem>>) semaphore(%arg13 : memref<!tpu.dma_semaphore, #tpu.memory_space<semaphore_mem>>)
      "tpu.region"() ({
        %run_scoped3A_109 = tpu.sem_alloc : memref<!tpu.dma_semaphore, #tpu.memory_space<semaphore_mem>>
        %dma_start3A_110 = arith.constant 0 : i32
        %dma_start3A_111 = tpu.memref_slice %arg8[%mul3A_78, %dma_start3A_110] : memref<40x128xi32, #tpu.memory_space<vmem>> -> memref<1x128xi32, #tpu.memory_space<vmem>>
        %dma_start3A_112 = tpu.memref_squeeze %dma_start3A_111 : memref<1x128xi32, #tpu.memory_space<vmem>> -> memref<128xi32, #tpu.memory_space<vmem>>
        %dma_start3A_113 = arith.constant 0 : i32
        %dma_start3A_114 = arith.constant 0 : i32
        %dma_start3A_115 = tpu.memref_slice %arg11[%dma_start3A_113, %dma_start3A_114] : memref<10112x128xf32, #tpu.memory_space<vmem_shared>> -> memref<10112x128xf32, #tpu.memory_space<vmem_shared>>
        tpu.enqueue_indirect_dma source(%arg9 : memref<128x128xf32, #tpu.memory_space<vmem>>) target(%dma_start3A_115 : memref<10112x128xf32, #tpu.memory_space<vmem_shared>>) offsets(%dma_start3A_112 : memref<128xi32, #tpu.memory_space<vmem>>) semaphore(%run_scoped3A_109 : memref<!tpu.dma_semaphore, #tpu.memory_space<semaphore_mem>>) {add = true}
        %dma_wait3A_116 = arith.constant 0 : i32
        %dma_wait3A_117 = tpu.memref_slice %arg8[%mul3A_78, %dma_wait3A_116] : memref<40x128xi32, #tpu.memory_space<vmem>> -> memref<1x128xi32, #tpu.memory_space<vmem>>
        %dma_wait3A_118 = tpu.memref_squeeze %dma_wait3A_117 : memref<1x128xi32, #tpu.memory_space<vmem>> -> memref<128xi32, #tpu.memory_space<vmem>>
        %dma_wait3A_119 = arith.constant 0 : i32
        %dma_wait3A_120 = arith.constant 0 : i32
        %dma_wait3A_121 = tpu.memref_slice %arg11[%dma_wait3A_119, %dma_wait3A_120] : memref<10112x128xf32, #tpu.memory_space<vmem_shared>> -> memref<10112x128xf32, #tpu.memory_space<vmem_shared>>
        tpu.wait_indirect_dma semaphore(%run_scoped3A_109 : memref<!tpu.dma_semaphore, #tpu.memory_space<semaphore_mem>>) src(%arg9 : memref<128x128xf32, #tpu.memory_space<vmem>>) dst(%dma_wait3A_121 : memref<10112x128xf32, #tpu.memory_space<vmem_shared>>)
        tpu.yield
      }) : () -> ()
      %dma_wait3A_95 = arith.constant 0 : i32
      %dma_wait3A_96 = tpu.memref_slice %arg7[%add3A_82, %dma_wait3A_95] : memref<40x128xi32, #tpu.memory_space<vmem>> -> memref<1x128xi32, #tpu.memory_space<vmem>>
      %dma_wait3A_97 = tpu.memref_squeeze %dma_wait3A_96 : memref<1x128xi32, #tpu.memory_space<vmem>> -> memref<128xi32, #tpu.memory_space<vmem>>
      %dma_wait3A_98 = arith.constant 0 : i32
      %dma_wait3A_99 = arith.constant 0 : i32
      %dma_wait3A_100 = tpu.memref_slice %arg2[%dma_wait3A_98, %dma_wait3A_99] : memref<10000x128xf32, #tpu.memory_space<hbm>> -> memref<10000x128xf32, #tpu.memory_space<hbm>>
      tpu.wait_indirect_dma semaphore(%arg13 : memref<!tpu.dma_semaphore, #tpu.memory_space<semaphore_mem>>) src(%dma_wait3A_100 : memref<10000x128xf32, #tpu.memory_space<hbm>>) dst(%arg10 : memref<128x128xf32, #tpu.memory_space<vmem>>)
      %add3A_101 = arith.constant 2 : i32
      %add3A_102 = arith.addi %mul3A_78, %add3A_101 : i32
      %dma_start3A_103 = arith.constant 0 : i32
      %dma_start3A_104 = tpu.memref_slice %arg7[%add3A_102, %dma_start3A_103] : memref<40x128xi32, #tpu.memory_space<vmem>> -> memref<1x128xi32, #tpu.memory_space<vmem>>
      %dma_start3A_105 = tpu.memref_squeeze %dma_start3A_104 : memref<1x128xi32, #tpu.memory_space<vmem>> -> memref<128xi32, #tpu.memory_space<vmem>>
      %dma_start3A_106 = arith.constant 0 : i32
      %dma_start3A_107 = arith.constant 0 : i32
      %dma_start3A_108 = tpu.memref_slice %arg2[%dma_start3A_106, %dma_start3A_107] : memref<10000x128xf32, #tpu.memory_space<hbm>> -> memref<10000x128xf32, #tpu.memory_space<hbm>>
      tpu.enqueue_indirect_dma source(%dma_start3A_108 : memref<10000x128xf32, #tpu.memory_space<hbm>>) target(%arg9 : memref<128x128xf32, #tpu.memory_space<vmem>>) offsets(%dma_start3A_105 : memref<128xi32, #tpu.memory_space<vmem>>) semaphore(%arg12 : memref<!tpu.dma_semaphore, #tpu.memory_space<semaphore_mem>>)
      "tpu.region"() ({
        %run_scoped3A_109 = tpu.sem_alloc : memref<!tpu.dma_semaphore, #tpu.memory_space<semaphore_mem>>
        %dma_start3A_110 = arith.constant 0 : i32
        %dma_start3A_111 = tpu.memref_slice %arg8[%add3A_82, %dma_start3A_110] : memref<40x128xi32, #tpu.memory_space<vmem>> -> memref<1x128xi32, #tpu.memory_space<vmem>>
        %dma_start3A_112 = tpu.memref_squeeze %dma_start3A_111 : memref<1x128xi32, #tpu.memory_space<vmem>> -> memref<128xi32, #tpu.memory_space<vmem>>
        %dma_start3A_113 = arith.constant 0 : i32
        %dma_start3A_114 = arith.constant 0 : i32
        %dma_start3A_115 = tpu.memref_slice %arg11[%dma_start3A_113, %dma_start3A_114] : memref<10112x128xf32, #tpu.memory_space<vmem_shared>> -> memref<10112x128xf32, #tpu.memory_space<vmem_shared>>
        tpu.enqueue_indirect_dma source(%arg10 : memref<128x128xf32, #tpu.memory_space<vmem>>) target(%dma_start3A_115 : memref<10112x128xf32, #tpu.memory_space<vmem_shared>>) offsets(%dma_start3A_112 : memref<128xi32, #tpu.memory_space<vmem>>) semaphore(%run_scoped3A_109 : memref<!tpu.dma_semaphore, #tpu.memory_space<semaphore_mem>>) {add = true}
        %dma_wait3A_116 = arith.constant 0 : i32
        %dma_wait3A_117 = tpu.memref_slice %arg8[%add3A_82, %dma_wait3A_116] : memref<40x128xi32, #tpu.memory_space<vmem>> -> memref<1x128xi32, #tpu.memory_space<vmem>>
        %dma_wait3A_118 = tpu.memref_squeeze %dma_wait3A_117 : memref<1x128xi32, #tpu.memory_space<vmem>> -> memref<128xi32, #tpu.memory_space<vmem>>
        %dma_wait3A_119 = arith.constant 0 : i32
        %dma_wait3A_120 = arith.constant 0 : i32
        %dma_wait3A_121 = tpu.memref_slice %arg11[%dma_wait3A_119, %dma_wait3A_120] : memref<10112x128xf32, #tpu.memory_space<vmem_shared>> -> memref<10112x128xf32, #tpu.memory_space<vmem_shared>>
        tpu.wait_indirect_dma semaphore(%run_scoped3A_109 : memref<!tpu.dma_semaphore, #tpu.memory_space<semaphore_mem>>) src(%arg10 : memref<128x128xf32, #tpu.memory_space<vmem>>) dst(%dma_wait3A_121 : memref<10112x128xf32, #tpu.memory_space<vmem_shared>>)
        tpu.yield
      }) : () -> ()
    }
    %scan3A_47 = arith.constant 19 : i32
    %dma_wait3A_48 = arith.constant 38 : i32
    %dma_wait3A_49 = arith.constant 0 : i32
    %dma_wait3A_50 = tpu.memref_slice %arg7[%dma_wait3A_48, %dma_wait3A_49] : memref<40x128xi32, #tpu.memory_space<vmem>> -> memref<1x128xi32, #tpu.memory_space<vmem>>
    %dma_wait3A_51 = tpu.memref_squeeze %dma_wait3A_50 : memref<1x128xi32, #tpu.memory_space<vmem>> -> memref<128xi32, #tpu.memory_space<vmem>>
    %dma_wait3A_52 = arith.constant 0 : i32
    %dma_wait3A_53 = arith.constant 0 : i32
    %dma_wait3A_54 = tpu.memref_slice %arg2[%dma_wait3A_52, %dma_wait3A_53] : memref<10000x128xf32, #tpu.memory_space<hbm>> -> memref<10000x128xf32, #tpu.memory_space<hbm>>
    tpu.wait_indirect_dma semaphore(%arg12 : memref<!tpu.dma_semaphore, #tpu.memory_space<semaphore_mem>>) src(%dma_wait3A_54 : memref<10000x128xf32, #tpu.memory_space<hbm>>) dst(%arg9 : memref<128x128xf32, #tpu.memory_space<vmem>>)
    %dma_start3A_55 = arith.constant 39 : i32
    %dma_start3A_56 = arith.constant 0 : i32
    %dma_start3A_57 = tpu.memref_slice %arg7[%dma_start3A_55, %dma_start3A_56] : memref<40x128xi32, #tpu.memory_space<vmem>> -> memref<1x128xi32, #tpu.memory_space<vmem>>
    %dma_start3A_58 = tpu.memref_squeeze %dma_start3A_57 : memref<1x128xi32, #tpu.memory_space<vmem>> -> memref<128xi32, #tpu.memory_space<vmem>>
    %dma_start3A_59 = arith.constant 0 : i32
    %dma_start3A_60 = arith.constant 0 : i32
    %dma_start3A_61 = tpu.memref_slice %arg2[%dma_start3A_59, %dma_start3A_60] : memref<10000x128xf32, #tpu.memory_space<hbm>> -> memref<10000x128xf32, #tpu.memory_space<hbm>>
    tpu.enqueue_indirect_dma source(%dma_start3A_61 : memref<10000x128xf32, #tpu.memory_space<hbm>>) target(%arg10 : memref<128x128xf32, #tpu.memory_space<vmem>>) offsets(%dma_start3A_58 : memref<128xi32, #tpu.memory_space<vmem>>) semaphore(%arg13 : memref<!tpu.dma_semaphore, #tpu.memory_space<semaphore_mem>>)
    %run_scoped3A_62 = arith.constant 38 : i32
    "tpu.region"() ({
      %run_scoped3A_76 = tpu.sem_alloc : memref<!tpu.dma_semaphore, #tpu.memory_space<semaphore_mem>>
      %dma_start3A_77 = arith.constant 0 : i32
      %dma_start3A_78 = tpu.memref_slice %arg8[%run_scoped3A_62, %dma_start3A_77] : memref<40x128xi32, #tpu.memory_space<vmem>> -> memref<1x128xi32, #tpu.memory_space<vmem>>
      %dma_start3A_79 = tpu.memref_squeeze %dma_start3A_78 : memref<1x128xi32, #tpu.memory_space<vmem>> -> memref<128xi32, #tpu.memory_space<vmem>>
      %dma_start3A_80 = arith.constant 0 : i32
      %dma_start3A_81 = arith.constant 0 : i32
      %dma_start3A_82 = tpu.memref_slice %arg11[%dma_start3A_80, %dma_start3A_81] : memref<10112x128xf32, #tpu.memory_space<vmem_shared>> -> memref<10112x128xf32, #tpu.memory_space<vmem_shared>>
      tpu.enqueue_indirect_dma source(%arg9 : memref<128x128xf32, #tpu.memory_space<vmem>>) target(%dma_start3A_82 : memref<10112x128xf32, #tpu.memory_space<vmem_shared>>) offsets(%dma_start3A_79 : memref<128xi32, #tpu.memory_space<vmem>>) semaphore(%run_scoped3A_76 : memref<!tpu.dma_semaphore, #tpu.memory_space<semaphore_mem>>) {add = true}
      %dma_wait3A_83 = arith.constant 0 : i32
      %dma_wait3A_84 = tpu.memref_slice %arg8[%run_scoped3A_62, %dma_wait3A_83] : memref<40x128xi32, #tpu.memory_space<vmem>> -> memref<1x128xi32, #tpu.memory_space<vmem>>
      %dma_wait3A_85 = tpu.memref_squeeze %dma_wait3A_84 : memref<1x128xi32, #tpu.memory_space<vmem>> -> memref<128xi32, #tpu.memory_space<vmem>>
      %dma_wait3A_86 = arith.constant 0 : i32
      %dma_wait3A_87 = arith.constant 0 : i32
      %dma_wait3A_88 = tpu.memref_slice %arg11[%dma_wait3A_86, %dma_wait3A_87] : memref<10112x128xf32, #tpu.memory_space<vmem_shared>> -> memref<10112x128xf32, #tpu.memory_space<vmem_shared>>
      tpu.wait_indirect_dma semaphore(%run_scoped3A_76 : memref<!tpu.dma_semaphore, #tpu.memory_space<semaphore_mem>>) src(%arg9 : memref<128x128xf32, #tpu.memory_space<vmem>>) dst(%dma_wait3A_88 : memref<10112x128xf32, #tpu.memory_space<vmem_shared>>)
      tpu.yield
    }) : () -> ()
    %dma_wait3A_63 = arith.constant 39 : i32
    %dma_wait3A_64 = arith.constant 0 : i32
    %dma_wait3A_65 = tpu.memref_slice %arg7[%dma_wait3A_63, %dma_wait3A_64] : memref<40x128xi32, #tpu.memory_space<vmem>> -> memref<1x128xi32, #tpu.memory_space<vmem>>
    %dma_wait3A_66 = tpu.memref_squeeze %dma_wait3A_65 : memref<1x128xi32, #tpu.memory_space<vmem>> -> memref<128xi32, #tpu.memory_space<vmem>>
    %dma_wait3A_67 = arith.constant 0 : i32
    %dma_wait3A_68 = arith.constant 0 : i32
    %dma_wait3A_69 = tpu.memref_slice %arg2[%dma_wait3A_67, %dma_wait3A_68] : memref<10000x128xf32, #tpu.memory_space<hbm>> -> memref<10000x128xf32, #tpu.memory_space<hbm>>
    tpu.wait_indirect_dma semaphore(%arg13 : memref<!tpu.dma_semaphore, #tpu.memory_space<semaphore_mem>>) src(%dma_wait3A_69 : memref<10000x128xf32, #tpu.memory_space<hbm>>) dst(%arg10 : memref<128x128xf32, #tpu.memory_space<vmem>>)
    %run_scoped3A_70 = arith.constant 39 : i32
    "tpu.region"() ({
      %run_scoped3A_76 = tpu.sem_alloc : memref<!tpu.dma_semaphore, #tpu.memory_space<semaphore_mem>>
      %dma_start3A_77 = arith.constant 0 : i32
      %dma_start3A_78 = tpu.memref_slice %arg8[%run_scoped3A_70, %dma_start3A_77] : memref<40x128xi32, #tpu.memory_space<vmem>> -> memref<1x128xi32, #tpu.memory_space<vmem>>
      %dma_start3A_79 = tpu.memref_squeeze %dma_start3A_78 : memref<1x128xi32, #tpu.memory_space<vmem>> -> memref<128xi32, #tpu.memory_space<vmem>>
      %dma_start3A_80 = arith.constant 0 : i32
      %dma_start3A_81 = arith.constant 0 : i32
      %dma_start3A_82 = tpu.memref_slice %arg11[%dma_start3A_80, %dma_start3A_81] : memref<10112x128xf32, #tpu.memory_space<vmem_shared>> -> memref<10112x128xf32, #tpu.memory_space<vmem_shared>>
      tpu.enqueue_indirect_dma source(%arg10 : memref<128x128xf32, #tpu.memory_space<vmem>>) target(%dma_start3A_82 : memref<10112x128xf32, #tpu.memory_space<vmem_shared>>) offsets(%dma_start3A_79 : memref<128xi32, #tpu.memory_space<vmem>>) semaphore(%run_scoped3A_76 : memref<!tpu.dma_semaphore, #tpu.memory_space<semaphore_mem>>) {add = true}
      %dma_wait3A_83 = arith.constant 0 : i32
      %dma_wait3A_84 = tpu.memref_slice %arg8[%run_scoped3A_70, %dma_wait3A_83] : memref<40x128xi32, #tpu.memory_space<vmem>> -> memref<1x128xi32, #tpu.memory_space<vmem>>
      %dma_wait3A_85 = tpu.memref_squeeze %dma_wait3A_84 : memref<1x128xi32, #tpu.memory_space<vmem>> -> memref<128xi32, #tpu.memory_space<vmem>>
      %dma_wait3A_86 = arith.constant 0 : i32
      %dma_wait3A_87 = arith.constant 0 : i32
      %dma_wait3A_88 = tpu.memref_slice %arg11[%dma_wait3A_86, %dma_wait3A_87] : memref<10112x128xf32, #tpu.memory_space<vmem_shared>> -> memref<10112x128xf32, #tpu.memory_space<vmem_shared>>
      tpu.wait_indirect_dma semaphore(%run_scoped3A_76 : memref<!tpu.dma_semaphore, #tpu.memory_space<semaphore_mem>>) src(%arg10 : memref<128x128xf32, #tpu.memory_space<vmem>>) dst(%dma_wait3A_88 : memref<10112x128xf32, #tpu.memory_space<vmem_shared>>)
      tpu.yield
    }) : () -> ()
    %barrier3A_71 = arith.constant 0 : index
    tpu.barrier barrier_id(%barrier3A_71)
    %mul3A_72 = arith.constant 632 : i32
    %mul3A_73 = arith.muli %arg1, %mul3A_72 : i32
    %mul3A_74 = arith.constant 632 : i32
    %mul3A_75 = arith.muli %arg1, %mul3A_74 : i32
    "tpu.region"() ({
      %run_scoped3A_76 = tpu.sem_alloc : memref<!tpu.dma_semaphore, #tpu.memory_space<semaphore_mem>>
      %dma_start3A_77 = arith.constant 0 : i32
      %dma_start3A_78 = tpu.memref_slice %arg6[%arg0, %mul3A_75, %dma_start3A_77] : memref<2x10112x128xf32, #tpu.memory_space<hbm>> -> memref<1x632x128xf32, #tpu.memory_space<hbm>>
      %dma_start3A_79 = tpu.memref_squeeze %dma_start3A_78 : memref<1x632x128xf32, #tpu.memory_space<hbm>> -> memref<632x128xf32, #tpu.memory_space<hbm>>
      %dma_start3A_80 = arith.constant 0 : i32
      %dma_start3A_81 = tpu.memref_slice %arg11[%mul3A_73, %dma_start3A_80] : memref<10112x128xf32, #tpu.memory_space<vmem_shared>> -> memref<632x128xf32, #tpu.memory_space<vmem_shared>>
      tpu.enqueue_dma source(%dma_start3A_81 : memref<632x128xf32, #tpu.memory_space<vmem_shared>>) target(%dma_start3A_79 : memref<632x128xf32, #tpu.memory_space<hbm>>) target_semaphore(%run_scoped3A_76 : memref<!tpu.dma_semaphore, #tpu.memory_space<semaphore_mem>>)
      %dma_wait3A_82 = arith.constant 0 : i32
      %dma_wait3A_83 = tpu.memref_slice %arg6[%arg0, %mul3A_75, %dma_wait3A_82] : memref<2x10112x128xf32, #tpu.memory_space<hbm>> -> memref<1x632x128xf32, #tpu.memory_space<hbm>>
      %dma_wait3A_84 = tpu.memref_squeeze %dma_wait3A_83 : memref<1x632x128xf32, #tpu.memory_space<hbm>> -> memref<632x128xf32, #tpu.memory_space<hbm>>
      %dma_wait3A_85 = arith.constant 0 : i32
      %dma_wait3A_86 = tpu.memref_slice %arg11[%mul3A_73, %dma_wait3A_85] : memref<10112x128xf32, #tpu.memory_space<vmem_shared>> -> memref<632x128xf32, #tpu.memory_space<vmem_shared>>
      tpu.wait_dma2 semaphore(%run_scoped3A_76 : memref<!tpu.dma_semaphore, #tpu.memory_space<semaphore_mem>>) src(%dma_wait3A_86 : memref<632x128xf32, #tpu.memory_space<vmem_shared>>) dst(%dma_wait3A_84 : memref<632x128xf32, #tpu.memory_space<hbm>>)
      tpu.yield
    }) : () -> ()
    return
  }
}

#map = affine_map<(d0, d1) -> (0, 0)>
#map1 = affine_map<(d0, d1) -> (0, 0, 0)>
module attributes {stable_mosaic.version = 14 : i64} {
  func.func @agg(%arg0: i32, %arg1: i32, %arg2: memref<10000x128xf32, #tpu.memory_space<hbm>>, %arg3: memref<32x80x128xi32, #tpu.memory_space<hbm>>, %arg4: memref<32x80x128xi32, #tpu.memory_space<hbm>>, %arg5: memref<632x128xf32, #tpu.memory_space<hbm>>, %arg6: memref<2x10112x128xf32, #tpu.memory_space<hbm>>, %arg7: memref<40x128xi32, #tpu.memory_space<vmem>>, %arg8: memref<40x128xi32, #tpu.memory_space<vmem>>, %arg9: memref<128x128xf32, #tpu.memory_space<vmem>>, %arg10: memref<128x128xf32, #tpu.memory_space<vmem>>, %arg11: memref<10112x128xf32, #tpu.memory_space<vmem_shared>>, %arg12: memref<!tpu.dma_semaphore, #tpu.memory_space<semaphore_mem>>, %arg13: memref<!tpu.dma_semaphore, #tpu.memory_space<semaphore_mem>>) attributes {dimension_semantics = [#tpu.dimension_semantics<core_parallel>, #tpu.dimension_semantics<subcore_parallel>], iteration_bounds = array<i64: 2, 16>, scalar_prefetch = 0 : i64, scratch_operands = 7 : i64, tpu.core_type = #tpu.core_type<sc_vector_subcore>, window_params = [{transform_indices = #map}, {transform_indices = #map1}, {transform_indices = #map1}, {transform_indices = #map}, {transform_indices = #map1}]} {
    %mul3A = arith.constant 16 : i32
    %mul3A_0 = arith.muli %arg0, %mul3A : i32
    %add3A = arith.addi %mul3A_0, %arg1 : i32
    %mul3A_1 = arith.constant 632 : i32
    %mul3A_2 = arith.muli %arg1, %mul3A_1 : i32
    "tpu.region"() ({
      %run_scoped3A_76 = tpu.sem_alloc : memref<!tpu.dma_semaphore, #tpu.memory_space<semaphore_mem>>
      %dma_start3A_77 = arith.constant 0 : i32
      %dma_start3A_78 = tpu.memref_slice %arg11[%mul3A_2, %dma_start3A_77] : memref<10112x128xf32, #tpu.memory_space<vmem_shared>> -> memref<632x128xf32, #tpu.memory_space<vmem_shared>>
      tpu.enqueue_dma source(%arg5 : memref<632x128xf32, #tpu.memory_space<hbm>>) target(%dma_start3A_78 : memref<632x128xf32, #tpu.memory_space<vmem_shared>>) target_semaphore(%run_scoped3A_76 : memref<!tpu.dma_semaphore, #tpu.memory_space<semaphore_mem>>)
      %dma_wait3A_79 = arith.constant 0 : i32
      %dma_wait3A_80 = tpu.memref_slice %arg11[%mul3A_2, %dma_wait3A_79] : memref<10112x128xf32, #tpu.memory_space<vmem_shared>> -> memref<632x128xf32, #tpu.memory_space<vmem_shared>>
      tpu.wait_dma2 semaphore(%run_scoped3A_76 : memref<!tpu.dma_semaphore, #tpu.memory_space<semaphore_mem>>) src(%arg5 : memref<632x128xf32, #tpu.memory_space<hbm>>) dst(%dma_wait3A_80 : memref<632x128xf32, #tpu.memory_space<vmem_shared>>)
      tpu.yield
    }) : () -> ()
    "tpu.region"() ({
      %run_scoped3A_76 = tpu.sem_alloc : memref<!tpu.dma_semaphore, #tpu.memory_space<semaphore_mem>>
      %dma_start3A_77 = arith.constant 0 : i32
      %dma_start3A_78 = arith.constant 0 : i32
      %dma_start3A_79 = tpu.memref_slice %arg3[%add3A, %dma_start3A_77, %dma_start3A_78] : memref<32x80x128xi32, #tpu.memory_space<hbm>> -> memref<1x40x128xi32, #tpu.memory_space<hbm>>
      %dma_start3A_80 = tpu.memref_squeeze %dma_start3A_79 : memref<1x40x128xi32, #tpu.memory_space<hbm>> -> memref<40x128xi32, #tpu.memory_space<hbm>>
      %dma_start3A_81 = arith.constant 0 : i32
      %dma_start3A_82 = arith.constant 0 : i32
      %dma_start3A_83 = tpu.memref_slice %arg3[%add3A, %dma_start3A_81, %dma_start3A_82] : memref<32x80x128xi32, #tpu.memory_space<hbm>> -> memref<1x40x128xi32, #tpu.memory_space<hbm>>
      %dma_start3A_84 = tpu.memref_squeeze %dma_start3A_83 : memref<1x40x128xi32, #tpu.memory_space<hbm>> -> memref<40x128xi32, #tpu.memory_space<hbm>>
      tpu.enqueue_dma source(%dma_start3A_84 : memref<40x128xi32, #tpu.memory_space<hbm>>) target(%arg7 : memref<40x128xi32, #tpu.memory_space<vmem>>) target_semaphore(%run_scoped3A_76 : memref<!tpu.dma_semaphore, #tpu.memory_space<semaphore_mem>>)
      %dma_wait3A_85 = arith.constant 0 : i32
      %dma_wait3A_86 = arith.constant 0 : i32
      %dma_wait3A_87 = tpu.memref_slice %arg3[%add3A, %dma_wait3A_85, %dma_wait3A_86] : memref<32x80x128xi32, #tpu.memory_space<hbm>> -> memref<1x40x128xi32, #tpu.memory_space<hbm>>
      %dma_wait3A_88 = tpu.memref_squeeze %dma_wait3A_87 : memref<1x40x128xi32, #tpu.memory_space<hbm>> -> memref<40x128xi32, #tpu.memory_space<hbm>>
      %dma_wait3A_89 = arith.constant 0 : i32
      %dma_wait3A_90 = arith.constant 0 : i32
      %dma_wait3A_91 = tpu.memref_slice %arg3[%add3A, %dma_wait3A_89, %dma_wait3A_90] : memref<32x80x128xi32, #tpu.memory_space<hbm>> -> memref<1x40x128xi32, #tpu.memory_space<hbm>>
      %dma_wait3A_92 = tpu.memref_squeeze %dma_wait3A_91 : memref<1x40x128xi32, #tpu.memory_space<hbm>> -> memref<40x128xi32, #tpu.memory_space<hbm>>
      tpu.wait_dma2 semaphore(%run_scoped3A_76 : memref<!tpu.dma_semaphore, #tpu.memory_space<semaphore_mem>>) src(%dma_wait3A_92 : memref<40x128xi32, #tpu.memory_space<hbm>>) dst(%arg7 : memref<40x128xi32, #tpu.memory_space<vmem>>)
      tpu.yield
    }) : () -> ()
    "tpu.region"() ({
      %run_scoped3A_76 = tpu.sem_alloc : memref<!tpu.dma_semaphore, #tpu.memory_space<semaphore_mem>>
      %dma_start3A_77 = arith.constant 0 : i32
      %dma_start3A_78 = arith.constant 0 : i32
      %dma_start3A_79 = tpu.memref_slice %arg4[%add3A, %dma_start3A_77, %dma_start3A_78] : memref<32x80x128xi32, #tpu.memory_space<hbm>> -> memref<1x40x128xi32, #tpu.memory_space<hbm>>
      %dma_start3A_80 = tpu.memref_squeeze %dma_start3A_79 : memref<1x40x128xi32, #tpu.memory_space<hbm>> -> memref<40x128xi32, #tpu.memory_space<hbm>>
      %dma_start3A_81 = arith.constant 0 : i32
      %dma_start3A_82 = arith.constant 0 : i32
      %dma_start3A_83 = tpu.memref_slice %arg4[%add3A, %dma_start3A_81, %dma_start3A_82] : memref<32x80x128xi32, #tpu.memory_space<hbm>> -> memref<1x40x128xi32, #tpu.memory_space<hbm>>
      %dma_start3A_84 = tpu.memref_squeeze %dma_start3A_83 : memref<1x40x128xi32, #tpu.memory_space<hbm>> -> memref<40x128xi32, #tpu.memory_space<hbm>>
      tpu.enqueue_dma source(%dma_start3A_84 : memref<40x128xi32, #tpu.memory_space<hbm>>) target(%arg8 : memref<40x128xi32, #tpu.memory_space<vmem>>) target_semaphore(%run_scoped3A_76 : memref<!tpu.dma_semaphore, #tpu.memory_space<semaphore_mem>>)
      %dma_wait3A_85 = arith.constant 0 : i32
      %dma_wait3A_86 = arith.constant 0 : i32
      %dma_wait3A_87 = tpu.memref_slice %arg4[%add3A, %dma_wait3A_85, %dma_wait3A_86] : memref<32x80x128xi32, #tpu.memory_space<hbm>> -> memref<1x40x128xi32, #tpu.memory_space<hbm>>
      %dma_wait3A_88 = tpu.memref_squeeze %dma_wait3A_87 : memref<1x40x128xi32, #tpu.memory_space<hbm>> -> memref<40x128xi32, #tpu.memory_space<hbm>>
      %dma_wait3A_89 = arith.constant 0 : i32
      %dma_wait3A_90 = arith.constant 0 : i32
      %dma_wait3A_91 = tpu.memref_slice %arg4[%add3A, %dma_wait3A_89, %dma_wait3A_90] : memref<32x80x128xi32, #tpu.memory_space<hbm>> -> memref<1x40x128xi32, #tpu.memory_space<hbm>>
      %dma_wait3A_92 = tpu.memref_squeeze %dma_wait3A_91 : memref<1x40x128xi32, #tpu.memory_space<hbm>> -> memref<40x128xi32, #tpu.memory_space<hbm>>
      tpu.wait_dma2 semaphore(%run_scoped3A_76 : memref<!tpu.dma_semaphore, #tpu.memory_space<semaphore_mem>>) src(%dma_wait3A_92 : memref<40x128xi32, #tpu.memory_space<hbm>>) dst(%arg8 : memref<40x128xi32, #tpu.memory_space<vmem>>)
      tpu.yield
    }) : () -> ()
    %barrier3A = arith.constant 0 : index
    tpu.barrier barrier_id(%barrier3A)
    %dma_start3A = arith.constant 0 : i32
    %dma_start3A_3 = arith.constant 0 : i32
    %dma_start3A_4 = tpu.memref_slice %arg7[%dma_start3A, %dma_start3A_3] : memref<40x128xi32, #tpu.memory_space<vmem>> -> memref<1x128xi32, #tpu.memory_space<vmem>>
    %dma_start3A_5 = tpu.memref_squeeze %dma_start3A_4 : memref<1x128xi32, #tpu.memory_space<vmem>> -> memref<128xi32, #tpu.memory_space<vmem>>
    %dma_start3A_6 = arith.constant 0 : i32
    %dma_start3A_7 = arith.constant 0 : i32
    %dma_start3A_8 = tpu.memref_slice %arg2[%dma_start3A_6, %dma_start3A_7] : memref<10000x128xf32, #tpu.memory_space<hbm>> -> memref<10000x128xf32, #tpu.memory_space<hbm>>
    tpu.enqueue_indirect_dma source(%dma_start3A_8 : memref<10000x128xf32, #tpu.memory_space<hbm>>) target(%arg9 : memref<128x128xf32, #tpu.memory_space<vmem>>) offsets(%dma_start3A_5 : memref<128xi32, #tpu.memory_space<vmem>>) semaphore(%arg12 : memref<!tpu.dma_semaphore, #tpu.memory_space<semaphore_mem>>)
    %scan3A = arith.constant 0 : i32
    %scan3A_9 = arith.constant 0 : i32
    %scan3A_10 = arith.constant 19 : i32
    %scan3A_11 = arith.addi %scan3A_9, %scan3A_10 : i32
    %scan3A_12 = arith.constant 1 : i32
    scf.for %scan3A_76 = %scan3A_9 to %scan3A_11 step %scan3A_12  : i32 {
      %mul3A_77 = arith.constant 2 : i32
      %mul3A_78 = arith.muli %mul3A_77, %scan3A_76 : i32
      %mul3A_79 = arith.constant 2 : i32
      %mul3A_80 = arith.muli %mul3A_79, %scan3A_76 : i32
      %add3A_81 = arith.constant 1 : i32
      %add3A_82 = arith.addi %mul3A_80, %add3A_81 : i32
      %dma_wait3A_83 = arith.constant 0 : i32
      %dma_wait3A_84 = tpu.memref_slice %arg7[%mul3A_78, %dma_wait3A_83] : memref<40x128xi32, #tpu.memory_space<vmem>> -> memref<1x128xi32, #tpu.memory_space<vmem>>
      %dma_wait3A_85 = tpu.memref_squeeze %dma_wait3A_84 : memref<1x128xi32, #tpu.memory_space<vmem>> -> memref<128xi32, #tpu.memory_space<vmem>>
      %dma_wait3A_86 = arith.constant 0 : i32
      %dma_wait3A_87 = arith.constant 0 : i32
      %dma_wait3A_88 = tpu.memref_slice %arg2[%dma_wait3A_86, %dma_wait3A_87] : memref<10000x128xf32, #tpu.memory_space<hbm>> -> memref<10000x128xf32, #tpu.memory_space<hbm>>
      tpu.wait_indirect_dma semaphore(%arg12 : memref<!tpu.dma_semaphore, #tpu.memory_space<semaphore_mem>>) src(%dma_wait3A_88 : memref<10000x128xf32, #tpu.memory_space<hbm>>) dst(%arg9 : memref<128x128xf32, #tpu.memory_space<vmem>>)
      %dma_start3A_89 = arith.constant 0 : i32
      %dma_start3A_90 = tpu.memref_slice %arg7[%add3A_82, %dma_start3A_89] : memref<40x128xi32, #tpu.memory_space<vmem>> -> memref<1x128xi32, #tpu.memory_space<vmem>>
      %dma_start3A_91 = tpu.memref_squeeze %dma_start3A_90 : memref<1x128xi32, #tpu.memory_space<vmem>> -> memref<128xi32, #tpu.memory_space<vmem>>
      %dma_start3A_92 = arith.constant 0 : i32
      %dma_start3A_93 = arith.constant 0 : i32
      %dma_start3A_94 = tpu.memref_slice %arg2[%dma_start3A_92, %dma_start3A_93] : memref<10000x128xf32, #tpu.memory_space<hbm>> -> memref<10000x128xf32, #tpu.memory_space<hbm>>
      tpu.enqueue_indirect_dma source(%dma_start3A_94 : memref<10000x128xf32, #tpu.memory_space<hbm>>) target(%arg10 : memref<128x128xf32, #tpu.memory_space<vmem>>) offsets(%dma_start3A_91 : memref<128xi32, #tpu.memory_space<vmem>>) semaphore(%arg13 : memref<!tpu.dma_semaphore, #tpu.memory_space<semaphore_mem>>)
      "tpu.region"() ({
        %run_scoped3A_109 = tpu.sem_alloc : memref<!tpu.dma_semaphore, #tpu.memory_space<semaphore_mem>>
        %dma_start3A_110 = arith.constant 0 : i32
        %dma_start3A_111 = tpu.memref_slice %arg8[%mul3A_78, %dma_start3A_110] : memref<40x128xi32, #tpu.memory_space<vmem>> -> memref<1x128xi32, #tpu.memory_space<vmem>>
        %dma_start3A_112 = tpu.memref_squeeze %dma_start3A_111 : memref<1x128xi32, #tpu.memory_space<vmem>> -> memref<128xi32, #tpu.memory_space<vmem>>
        %dma_start3A_113 = arith.constant 0 : i32
        %dma_start3A_114 = arith.constant 0 : i32
        %dma_start3A_115 = tpu.memref_slice %arg11[%dma_start3A_113, %dma_start3A_114] : memref<10112x128xf32, #tpu.memory_space<vmem_shared>> -> memref<10112x128xf32, #tpu.memory_space<vmem_shared>>
        tpu.enqueue_indirect_dma source(%arg9 : memref<128x128xf32, #tpu.memory_space<vmem>>) target(%dma_start3A_115 : memref<10112x128xf32, #tpu.memory_space<vmem_shared>>) offsets(%dma_start3A_112 : memref<128xi32, #tpu.memory_space<vmem>>) semaphore(%run_scoped3A_109 : memref<!tpu.dma_semaphore, #tpu.memory_space<semaphore_mem>>) {add = true}
        %dma_wait3A_116 = arith.constant 0 : i32
        %dma_wait3A_117 = tpu.memref_slice %arg8[%mul3A_78, %dma_wait3A_116] : memref<40x128xi32, #tpu.memory_space<vmem>> -> memref<1x128xi32, #tpu.memory_space<vmem>>
        %dma_wait3A_118 = tpu.memref_squeeze %dma_wait3A_117 : memref<1x128xi32, #tpu.memory_space<vmem>> -> memref<128xi32, #tpu.memory_space<vmem>>
        %dma_wait3A_119 = arith.constant 0 : i32
        %dma_wait3A_120 = arith.constant 0 : i32
        %dma_wait3A_121 = tpu.memref_slice %arg11[%dma_wait3A_119, %dma_wait3A_120] : memref<10112x128xf32, #tpu.memory_space<vmem_shared>> -> memref<10112x128xf32, #tpu.memory_space<vmem_shared>>
        tpu.wait_indirect_dma semaphore(%run_scoped3A_109 : memref<!tpu.dma_semaphore, #tpu.memory_space<semaphore_mem>>) src(%arg9 : memref<128x128xf32, #tpu.memory_space<vmem>>) dst(%dma_wait3A_121 : memref<10112x128xf32, #tpu.memory_space<vmem_shared>>)
        tpu.yield
      }) : () -> ()
      %dma_wait3A_95 = arith.constant 0 : i32
      %dma_wait3A_96 = tpu.memref_slice %arg7[%add3A_82, %dma_wait3A_95] : memref<40x128xi32, #tpu.memory_space<vmem>> -> memref<1x128xi32, #tpu.memory_space<vmem>>
      %dma_wait3A_97 = tpu.memref_squeeze %dma_wait3A_96 : memref<1x128xi32, #tpu.memory_space<vmem>> -> memref<128xi32, #tpu.memory_space<vmem>>
      %dma_wait3A_98 = arith.constant 0 : i32
      %dma_wait3A_99 = arith.constant 0 : i32
      %dma_wait3A_100 = tpu.memref_slice %arg2[%dma_wait3A_98, %dma_wait3A_99] : memref<10000x128xf32, #tpu.memory_space<hbm>> -> memref<10000x128xf32, #tpu.memory_space<hbm>>
      tpu.wait_indirect_dma semaphore(%arg13 : memref<!tpu.dma_semaphore, #tpu.memory_space<semaphore_mem>>) src(%dma_wait3A_100 : memref<10000x128xf32, #tpu.memory_space<hbm>>) dst(%arg10 : memref<128x128xf32, #tpu.memory_space<vmem>>)
      %add3A_101 = arith.constant 2 : i32
      %add3A_102 = arith.addi %mul3A_78, %add3A_101 : i32
      %dma_start3A_103 = arith.constant 0 : i32
      %dma_start3A_104 = tpu.memref_slice %arg7[%add3A_102, %dma_start3A_103] : memref<40x128xi32, #tpu.memory_space<vmem>> -> memref<1x128xi32, #tpu.memory_space<vmem>>
      %dma_start3A_105 = tpu.memref_squeeze %dma_start3A_104 : memref<1x128xi32, #tpu.memory_space<vmem>> -> memref<128xi32, #tpu.memory_space<vmem>>
      %dma_start3A_106 = arith.constant 0 : i32
      %dma_start3A_107 = arith.constant 0 : i32
      %dma_start3A_108 = tpu.memref_slice %arg2[%dma_start3A_106, %dma_start3A_107] : memref<10000x128xf32, #tpu.memory_space<hbm>> -> memref<10000x128xf32, #tpu.memory_space<hbm>>
      tpu.enqueue_indirect_dma source(%dma_start3A_108 : memref<10000x128xf32, #tpu.memory_space<hbm>>) target(%arg9 : memref<128x128xf32, #tpu.memory_space<vmem>>) offsets(%dma_start3A_105 : memref<128xi32, #tpu.memory_space<vmem>>) semaphore(%arg12 : memref<!tpu.dma_semaphore, #tpu.memory_space<semaphore_mem>>)
      "tpu.region"() ({
        %run_scoped3A_109 = tpu.sem_alloc : memref<!tpu.dma_semaphore, #tpu.memory_space<semaphore_mem>>
        %dma_start3A_110 = arith.constant 0 : i32
        %dma_start3A_111 = tpu.memref_slice %arg8[%add3A_82, %dma_start3A_110] : memref<40x128xi32, #tpu.memory_space<vmem>> -> memref<1x128xi32, #tpu.memory_space<vmem>>
        %dma_start3A_112 = tpu.memref_squeeze %dma_start3A_111 : memref<1x128xi32, #tpu.memory_space<vmem>> -> memref<128xi32, #tpu.memory_space<vmem>>
        %dma_start3A_113 = arith.constant 0 : i32
        %dma_start3A_114 = arith.constant 0 : i32
        %dma_start3A_115 = tpu.memref_slice %arg11[%dma_start3A_113, %dma_start3A_114] : memref<10112x128xf32, #tpu.memory_space<vmem_shared>> -> memref<10112x128xf32, #tpu.memory_space<vmem_shared>>
        tpu.enqueue_indirect_dma source(%arg10 : memref<128x128xf32, #tpu.memory_space<vmem>>) target(%dma_start3A_115 : memref<10112x128xf32, #tpu.memory_space<vmem_shared>>) offsets(%dma_start3A_112 : memref<128xi32, #tpu.memory_space<vmem>>) semaphore(%run_scoped3A_109 : memref<!tpu.dma_semaphore, #tpu.memory_space<semaphore_mem>>) {add = true}
        %dma_wait3A_116 = arith.constant 0 : i32
        %dma_wait3A_117 = tpu.memref_slice %arg8[%add3A_82, %dma_wait3A_116] : memref<40x128xi32, #tpu.memory_space<vmem>> -> memref<1x128xi32, #tpu.memory_space<vmem>>
        %dma_wait3A_118 = tpu.memref_squeeze %dma_wait3A_117 : memref<1x128xi32, #tpu.memory_space<vmem>> -> memref<128xi32, #tpu.memory_space<vmem>>
        %dma_wait3A_119 = arith.constant 0 : i32
        %dma_wait3A_120 = arith.constant 0 : i32
        %dma_wait3A_121 = tpu.memref_slice %arg11[%dma_wait3A_119, %dma_wait3A_120] : memref<10112x128xf32, #tpu.memory_space<vmem_shared>> -> memref<10112x128xf32, #tpu.memory_space<vmem_shared>>
        tpu.wait_indirect_dma semaphore(%run_scoped3A_109 : memref<!tpu.dma_semaphore, #tpu.memory_space<semaphore_mem>>) src(%arg10 : memref<128x128xf32, #tpu.memory_space<vmem>>) dst(%dma_wait3A_121 : memref<10112x128xf32, #tpu.memory_space<vmem_shared>>)
        tpu.yield
      }) : () -> ()
    }
    %scan3A_13 = arith.constant 19 : i32
    %dma_wait3A = arith.constant 38 : i32
    %dma_wait3A_14 = arith.constant 0 : i32
    %dma_wait3A_15 = tpu.memref_slice %arg7[%dma_wait3A, %dma_wait3A_14] : memref<40x128xi32, #tpu.memory_space<vmem>> -> memref<1x128xi32, #tpu.memory_space<vmem>>
    %dma_wait3A_16 = tpu.memref_squeeze %dma_wait3A_15 : memref<1x128xi32, #tpu.memory_space<vmem>> -> memref<128xi32, #tpu.memory_space<vmem>>
    %dma_wait3A_17 = arith.constant 0 : i32
    %dma_wait3A_18 = arith.constant 0 : i32
    %dma_wait3A_19 = tpu.memref_slice %arg2[%dma_wait3A_17, %dma_wait3A_18] : memref<10000x128xf32, #tpu.memory_space<hbm>> -> memref<10000x128xf32, #tpu.memory_space<hbm>>
    tpu.wait_indirect_dma semaphore(%arg12 : memref<!tpu.dma_semaphore, #tpu.memory_space<semaphore_mem>>) src(%dma_wait3A_19 : memref<10000x128xf32, #tpu.memory_space<hbm>>) dst(%arg9 : memref<128x128xf32, #tpu.memory_space<vmem>>)
    %dma_start3A_20 = arith.constant 39 : i32
    %dma_start3A_21 = arith.constant 0 : i32
    %dma_start3A_22 = tpu.memref_slice %arg7[%dma_start3A_20, %dma_start3A_21] : memref<40x128xi32, #tpu.memory_space<vmem>> -> memref<1x128xi32, #tpu.memory_space<vmem>>
    %dma_start3A_23 = tpu.memref_squeeze %dma_start3A_22 : memref<1x128xi32, #tpu.memory_space<vmem>> -> memref<128xi32, #tpu.memory_space<vmem>>
    %dma_start3A_24 = arith.constant 0 : i32
    %dma_start3A_25 = arith.constant 0 : i32
    %dma_start3A_26 = tpu.memref_slice %arg2[%dma_start3A_24, %dma_start3A_25] : memref<10000x128xf32, #tpu.memory_space<hbm>> -> memref<10000x128xf32, #tpu.memory_space<hbm>>
    tpu.enqueue_indirect_dma source(%dma_start3A_26 : memref<10000x128xf32, #tpu.memory_space<hbm>>) target(%arg10 : memref<128x128xf32, #tpu.memory_space<vmem>>) offsets(%dma_start3A_23 : memref<128xi32, #tpu.memory_space<vmem>>) semaphore(%arg13 : memref<!tpu.dma_semaphore, #tpu.memory_space<semaphore_mem>>)
    %run_scoped3A = arith.constant 38 : i32
    "tpu.region"() ({
      %run_scoped3A_76 = tpu.sem_alloc : memref<!tpu.dma_semaphore, #tpu.memory_space<semaphore_mem>>
      %dma_start3A_77 = arith.constant 0 : i32
      %dma_start3A_78 = tpu.memref_slice %arg8[%run_scoped3A, %dma_start3A_77] : memref<40x128xi32, #tpu.memory_space<vmem>> -> memref<1x128xi32, #tpu.memory_space<vmem>>
      %dma_start3A_79 = tpu.memref_squeeze %dma_start3A_78 : memref<1x128xi32, #tpu.memory_space<vmem>> -> memref<128xi32, #tpu.memory_space<vmem>>
      %dma_start3A_80 = arith.constant 0 : i32
      %dma_start3A_81 = arith.constant 0 : i32
      %dma_start3A_82 = tpu.memref_slice %arg11[%dma_start3A_80, %dma_start3A_81] : memref<10112x128xf32, #tpu.memory_space<vmem_shared>> -> memref<10112x128xf32, #tpu.memory_space<vmem_shared>>
      tpu.enqueue_indirect_dma source(%arg9 : memref<128x128xf32, #tpu.memory_space<vmem>>) target(%dma_start3A_82 : memref<10112x128xf32, #tpu.memory_space<vmem_shared>>) offsets(%dma_start3A_79 : memref<128xi32, #tpu.memory_space<vmem>>) semaphore(%run_scoped3A_76 : memref<!tpu.dma_semaphore, #tpu.memory_space<semaphore_mem>>) {add = true}
      %dma_wait3A_83 = arith.constant 0 : i32
      %dma_wait3A_84 = tpu.memref_slice %arg8[%run_scoped3A, %dma_wait3A_83] : memref<40x128xi32, #tpu.memory_space<vmem>> -> memref<1x128xi32, #tpu.memory_space<vmem>>
      %dma_wait3A_85 = tpu.memref_squeeze %dma_wait3A_84 : memref<1x128xi32, #tpu.memory_space<vmem>> -> memref<128xi32, #tpu.memory_space<vmem>>
      %dma_wait3A_86 = arith.constant 0 : i32
      %dma_wait3A_87 = arith.constant 0 : i32
      %dma_wait3A_88 = tpu.memref_slice %arg11[%dma_wait3A_86, %dma_wait3A_87] : memref<10112x128xf32, #tpu.memory_space<vmem_shared>> -> memref<10112x128xf32, #tpu.memory_space<vmem_shared>>
      tpu.wait_indirect_dma semaphore(%run_scoped3A_76 : memref<!tpu.dma_semaphore, #tpu.memory_space<semaphore_mem>>) src(%arg9 : memref<128x128xf32, #tpu.memory_space<vmem>>) dst(%dma_wait3A_88 : memref<10112x128xf32, #tpu.memory_space<vmem_shared>>)
      tpu.yield
    }) : () -> ()
    %dma_wait3A_27 = arith.constant 39 : i32
    %dma_wait3A_28 = arith.constant 0 : i32
    %dma_wait3A_29 = tpu.memref_slice %arg7[%dma_wait3A_27, %dma_wait3A_28] : memref<40x128xi32, #tpu.memory_space<vmem>> -> memref<1x128xi32, #tpu.memory_space<vmem>>
    %dma_wait3A_30 = tpu.memref_squeeze %dma_wait3A_29 : memref<1x128xi32, #tpu.memory_space<vmem>> -> memref<128xi32, #tpu.memory_space<vmem>>
    %dma_wait3A_31 = arith.constant 0 : i32
    %dma_wait3A_32 = arith.constant 0 : i32
    %dma_wait3A_33 = tpu.memref_slice %arg2[%dma_wait3A_31, %dma_wait3A_32] : memref<10000x128xf32, #tpu.memory_space<hbm>> -> memref<10000x128xf32, #tpu.memory_space<hbm>>
    tpu.wait_indirect_dma semaphore(%arg13 : memref<!tpu.dma_semaphore, #tpu.memory_space<semaphore_mem>>) src(%dma_wait3A_33 : memref<10000x128xf32, #tpu.memory_space<hbm>>) dst(%arg10 : memref<128x128xf32, #tpu.memory_space<vmem>>)
    %run_scoped3A_34 = arith.constant 39 : i32
    "tpu.region"() ({
      %run_scoped3A_76 = tpu.sem_alloc : memref<!tpu.dma_semaphore, #tpu.memory_space<semaphore_mem>>
      %dma_start3A_77 = arith.constant 0 : i32
      %dma_start3A_78 = tpu.memref_slice %arg8[%run_scoped3A_34, %dma_start3A_77] : memref<40x128xi32, #tpu.memory_space<vmem>> -> memref<1x128xi32, #tpu.memory_space<vmem>>
      %dma_start3A_79 = tpu.memref_squeeze %dma_start3A_78 : memref<1x128xi32, #tpu.memory_space<vmem>> -> memref<128xi32, #tpu.memory_space<vmem>>
      %dma_start3A_80 = arith.constant 0 : i32
      %dma_start3A_81 = arith.constant 0 : i32
      %dma_start3A_82 = tpu.memref_slice %arg11[%dma_start3A_80, %dma_start3A_81] : memref<10112x128xf32, #tpu.memory_space<vmem_shared>> -> memref<10112x128xf32, #tpu.memory_space<vmem_shared>>
      tpu.enqueue_indirect_dma source(%arg10 : memref<128x128xf32, #tpu.memory_space<vmem>>) target(%dma_start3A_82 : memref<10112x128xf32, #tpu.memory_space<vmem_shared>>) offsets(%dma_start3A_79 : memref<128xi32, #tpu.memory_space<vmem>>) semaphore(%run_scoped3A_76 : memref<!tpu.dma_semaphore, #tpu.memory_space<semaphore_mem>>) {add = true}
      %dma_wait3A_83 = arith.constant 0 : i32
      %dma_wait3A_84 = tpu.memref_slice %arg8[%run_scoped3A_34, %dma_wait3A_83] : memref<40x128xi32, #tpu.memory_space<vmem>> -> memref<1x128xi32, #tpu.memory_space<vmem>>
      %dma_wait3A_85 = tpu.memref_squeeze %dma_wait3A_84 : memref<1x128xi32, #tpu.memory_space<vmem>> -> memref<128xi32, #tpu.memory_space<vmem>>
      %dma_wait3A_86 = arith.constant 0 : i32
      %dma_wait3A_87 = arith.constant 0 : i32
      %dma_wait3A_88 = tpu.memref_slice %arg11[%dma_wait3A_86, %dma_wait3A_87] : memref<10112x128xf32, #tpu.memory_space<vmem_shared>> -> memref<10112x128xf32, #tpu.memory_space<vmem_shared>>
      tpu.wait_indirect_dma semaphore(%run_scoped3A_76 : memref<!tpu.dma_semaphore, #tpu.memory_space<semaphore_mem>>) src(%arg10 : memref<128x128xf32, #tpu.memory_space<vmem>>) dst(%dma_wait3A_88 : memref<10112x128xf32, #tpu.memory_space<vmem_shared>>)
      tpu.yield
    }) : () -> ()
    "tpu.region"() ({
      %run_scoped3A_76 = tpu.sem_alloc : memref<!tpu.dma_semaphore, #tpu.memory_space<semaphore_mem>>
      %dma_start3A_77 = arith.constant 40 : i32
      %dma_start3A_78 = arith.constant 0 : i32
      %dma_start3A_79 = tpu.memref_slice %arg3[%add3A, %dma_start3A_77, %dma_start3A_78] : memref<32x80x128xi32, #tpu.memory_space<hbm>> -> memref<1x40x128xi32, #tpu.memory_space<hbm>>
      %dma_start3A_80 = tpu.memref_squeeze %dma_start3A_79 : memref<1x40x128xi32, #tpu.memory_space<hbm>> -> memref<40x128xi32, #tpu.memory_space<hbm>>
      %dma_start3A_81 = arith.constant 40 : i32
      %dma_start3A_82 = arith.constant 0 : i32
      %dma_start3A_83 = tpu.memref_slice %arg3[%add3A, %dma_start3A_81, %dma_start3A_82] : memref<32x80x128xi32, #tpu.memory_space<hbm>> -> memref<1x40x128xi32, #tpu.memory_space<hbm>>
      %dma_start3A_84 = tpu.memref_squeeze %dma_start3A_83 : memref<1x40x128xi32, #tpu.memory_space<hbm>> -> memref<40x128xi32, #tpu.memory_space<hbm>>
      tpu.enqueue_dma source(%dma_start3A_84 : memref<40x128xi32, #tpu.memory_space<hbm>>) target(%arg7 : memref<40x128xi32, #tpu.memory_space<vmem>>) target_semaphore(%run_scoped3A_76 : memref<!tpu.dma_semaphore, #tpu.memory_space<semaphore_mem>>)
      %dma_wait3A_85 = arith.constant 40 : i32
      %dma_wait3A_86 = arith.constant 0 : i32
      %dma_wait3A_87 = tpu.memref_slice %arg3[%add3A, %dma_wait3A_85, %dma_wait3A_86] : memref<32x80x128xi32, #tpu.memory_space<hbm>> -> memref<1x40x128xi32, #tpu.memory_space<hbm>>
      %dma_wait3A_88 = tpu.memref_squeeze %dma_wait3A_87 : memref<1x40x128xi32, #tpu.memory_space<hbm>> -> memref<40x128xi32, #tpu.memory_space<hbm>>
      %dma_wait3A_89 = arith.constant 40 : i32
      %dma_wait3A_90 = arith.constant 0 : i32
      %dma_wait3A_91 = tpu.memref_slice %arg3[%add3A, %dma_wait3A_89, %dma_wait3A_90] : memref<32x80x128xi32, #tpu.memory_space<hbm>> -> memref<1x40x128xi32, #tpu.memory_space<hbm>>
      %dma_wait3A_92 = tpu.memref_squeeze %dma_wait3A_91 : memref<1x40x128xi32, #tpu.memory_space<hbm>> -> memref<40x128xi32, #tpu.memory_space<hbm>>
      tpu.wait_dma2 semaphore(%run_scoped3A_76 : memref<!tpu.dma_semaphore, #tpu.memory_space<semaphore_mem>>) src(%dma_wait3A_92 : memref<40x128xi32, #tpu.memory_space<hbm>>) dst(%arg7 : memref<40x128xi32, #tpu.memory_space<vmem>>)
      tpu.yield
    }) : () -> ()
    "tpu.region"() ({
      %run_scoped3A_76 = tpu.sem_alloc : memref<!tpu.dma_semaphore, #tpu.memory_space<semaphore_mem>>
      %dma_start3A_77 = arith.constant 40 : i32
      %dma_start3A_78 = arith.constant 0 : i32
      %dma_start3A_79 = tpu.memref_slice %arg4[%add3A, %dma_start3A_77, %dma_start3A_78] : memref<32x80x128xi32, #tpu.memory_space<hbm>> -> memref<1x40x128xi32, #tpu.memory_space<hbm>>
      %dma_start3A_80 = tpu.memref_squeeze %dma_start3A_79 : memref<1x40x128xi32, #tpu.memory_space<hbm>> -> memref<40x128xi32, #tpu.memory_space<hbm>>
      %dma_start3A_81 = arith.constant 40 : i32
      %dma_start3A_82 = arith.constant 0 : i32
      %dma_start3A_83 = tpu.memref_slice %arg4[%add3A, %dma_start3A_81, %dma_start3A_82] : memref<32x80x128xi32, #tpu.memory_space<hbm>> -> memref<1x40x128xi32, #tpu.memory_space<hbm>>
      %dma_start3A_84 = tpu.memref_squeeze %dma_start3A_83 : memref<1x40x128xi32, #tpu.memory_space<hbm>> -> memref<40x128xi32, #tpu.memory_space<hbm>>
      tpu.enqueue_dma source(%dma_start3A_84 : memref<40x128xi32, #tpu.memory_space<hbm>>) target(%arg8 : memref<40x128xi32, #tpu.memory_space<vmem>>) target_semaphore(%run_scoped3A_76 : memref<!tpu.dma_semaphore, #tpu.memory_space<semaphore_mem>>)
      %dma_wait3A_85 = arith.constant 40 : i32
      %dma_wait3A_86 = arith.constant 0 : i32
      %dma_wait3A_87 = tpu.memref_slice %arg4[%add3A, %dma_wait3A_85, %dma_wait3A_86] : memref<32x80x128xi32, #tpu.memory_space<hbm>> -> memref<1x40x128xi32, #tpu.memory_space<hbm>>
      %dma_wait3A_88 = tpu.memref_squeeze %dma_wait3A_87 : memref<1x40x128xi32, #tpu.memory_space<hbm>> -> memref<40x128xi32, #tpu.memory_space<hbm>>
      %dma_wait3A_89 = arith.constant 40 : i32
      %dma_wait3A_90 = arith.constant 0 : i32
      %dma_wait3A_91 = tpu.memref_slice %arg4[%add3A, %dma_wait3A_89, %dma_wait3A_90] : memref<32x80x128xi32, #tpu.memory_space<hbm>> -> memref<1x40x128xi32, #tpu.memory_space<hbm>>
      %dma_wait3A_92 = tpu.memref_squeeze %dma_wait3A_91 : memref<1x40x128xi32, #tpu.memory_space<hbm>> -> memref<40x128xi32, #tpu.memory_space<hbm>>
      tpu.wait_dma2 semaphore(%run_scoped3A_76 : memref<!tpu.dma_semaphore, #tpu.memory_space<semaphore_mem>>) src(%dma_wait3A_92 : memref<40x128xi32, #tpu.memory_space<hbm>>) dst(%arg8 : memref<40x128xi32, #tpu.memory_space<vmem>>)
      tpu.yield
    }) : () -> ()
    %dma_start3A_35 = arith.constant 0 : i32
    %dma_start3A_36 = arith.constant 0 : i32
    %dma_start3A_37 = tpu.memref_slice %arg7[%dma_start3A_35, %dma_start3A_36] : memref<40x128xi32, #tpu.memory_space<vmem>> -> memref<1x128xi32, #tpu.memory_space<vmem>>
    %dma_start3A_38 = tpu.memref_squeeze %dma_start3A_37 : memref<1x128xi32, #tpu.memory_space<vmem>> -> memref<128xi32, #tpu.memory_space<vmem>>
    %dma_start3A_39 = arith.constant 0 : i32
    %dma_start3A_40 = arith.constant 0 : i32
    %dma_start3A_41 = tpu.memref_slice %arg2[%dma_start3A_39, %dma_start3A_40] : memref<10000x128xf32, #tpu.memory_space<hbm>> -> memref<10000x128xf32, #tpu.memory_space<hbm>>
    tpu.enqueue_indirect_dma source(%dma_start3A_41 : memref<10000x128xf32, #tpu.memory_space<hbm>>) target(%arg9 : memref<128x128xf32, #tpu.memory_space<vmem>>) offsets(%dma_start3A_38 : memref<128xi32, #tpu.memory_space<vmem>>) semaphore(%arg12 : memref<!tpu.dma_semaphore, #tpu.memory_space<semaphore_mem>>)
    %scan3A_42 = arith.constant 0 : i32
    %scan3A_43 = arith.constant 0 : i32
    %scan3A_44 = arith.constant 19 : i32
    %scan3A_45 = arith.addi %scan3A_43, %scan3A_44 : i32
    %scan3A_46 = arith.constant 1 : i32
    scf.for %scan3A_76 = %scan3A_43 to %scan3A_45 step %scan3A_46  : i32 {
      %mul3A_77 = arith.constant 2 : i32
      %mul3A_78 = arith.muli %mul3A_77, %scan3A_76 : i32
      %mul3A_79 = arith.constant 2 : i32
      %mul3A_80 = arith.muli %mul3A_79, %scan3A_76 : i32
      %add3A_81 = arith.constant 1 : i32
      %add3A_82 = arith.addi %mul3A_80, %add3A_81 : i32
      %dma_wait3A_83 = arith.constant 0 : i32
      %dma_wait3A_84 = tpu.memref_slice %arg7[%mul3A_78, %dma_wait3A_83] : memref<40x128xi32, #tpu.memory_space<vmem>> -> memref<1x128xi32, #tpu.memory_space<vmem>>
      %dma_wait3A_85 = tpu.memref_squeeze %dma_wait3A_84 : memref<1x128xi32, #tpu.memory_space<vmem>> -> memref<128xi32, #tpu.memory_space<vmem>>
      %dma_wait3A_86 = arith.constant 0 : i32
      %dma_wait3A_87 = arith.constant 0 : i32
      %dma_wait3A_88 = tpu.memref_slice %arg2[%dma_wait3A_86, %dma_wait3A_87] : memref<10000x128xf32, #tpu.memory_space<hbm>> -> memref<10000x128xf32, #tpu.memory_space<hbm>>
      tpu.wait_indirect_dma semaphore(%arg12 : memref<!tpu.dma_semaphore, #tpu.memory_space<semaphore_mem>>) src(%dma_wait3A_88 : memref<10000x128xf32, #tpu.memory_space<hbm>>) dst(%arg9 : memref<128x128xf32, #tpu.memory_space<vmem>>)
      %dma_start3A_89 = arith.constant 0 : i32
      %dma_start3A_90 = tpu.memref_slice %arg7[%add3A_82, %dma_start3A_89] : memref<40x128xi32, #tpu.memory_space<vmem>> -> memref<1x128xi32, #tpu.memory_space<vmem>>
      %dma_start3A_91 = tpu.memref_squeeze %dma_start3A_90 : memref<1x128xi32, #tpu.memory_space<vmem>> -> memref<128xi32, #tpu.memory_space<vmem>>
      %dma_start3A_92 = arith.constant 0 : i32
      %dma_start3A_93 = arith.constant 0 : i32
      %dma_start3A_94 = tpu.memref_slice %arg2[%dma_start3A_92, %dma_start3A_93] : memref<10000x128xf32, #tpu.memory_space<hbm>> -> memref<10000x128xf32, #tpu.memory_space<hbm>>
      tpu.enqueue_indirect_dma source(%dma_start3A_94 : memref<10000x128xf32, #tpu.memory_space<hbm>>) target(%arg10 : memref<128x128xf32, #tpu.memory_space<vmem>>) offsets(%dma_start3A_91 : memref<128xi32, #tpu.memory_space<vmem>>) semaphore(%arg13 : memref<!tpu.dma_semaphore, #tpu.memory_space<semaphore_mem>>)
      "tpu.region"() ({
        %run_scoped3A_109 = tpu.sem_alloc : memref<!tpu.dma_semaphore, #tpu.memory_space<semaphore_mem>>
        %dma_start3A_110 = arith.constant 0 : i32
        %dma_start3A_111 = tpu.memref_slice %arg8[%mul3A_78, %dma_start3A_110] : memref<40x128xi32, #tpu.memory_space<vmem>> -> memref<1x128xi32, #tpu.memory_space<vmem>>
        %dma_start3A_112 = tpu.memref_squeeze %dma_start3A_111 : memref<1x128xi32, #tpu.memory_space<vmem>> -> memref<128xi32, #tpu.memory_space<vmem>>
        %dma_start3A_113 = arith.constant 0 : i32
        %dma_start3A_114 = arith.constant 0 : i32
        %dma_start3A_115 = tpu.memref_slice %arg11[%dma_start3A_113, %dma_start3A_114] : memref<10112x128xf32, #tpu.memory_space<vmem_shared>> -> memref<10112x128xf32, #tpu.memory_space<vmem_shared>>
        tpu.enqueue_indirect_dma source(%arg9 : memref<128x128xf32, #tpu.memory_space<vmem>>) target(%dma_start3A_115 : memref<10112x128xf32, #tpu.memory_space<vmem_shared>>) offsets(%dma_start3A_112 : memref<128xi32, #tpu.memory_space<vmem>>) semaphore(%run_scoped3A_109 : memref<!tpu.dma_semaphore, #tpu.memory_space<semaphore_mem>>) {add = true}
        %dma_wait3A_116 = arith.constant 0 : i32
        %dma_wait3A_117 = tpu.memref_slice %arg8[%mul3A_78, %dma_wait3A_116] : memref<40x128xi32, #tpu.memory_space<vmem>> -> memref<1x128xi32, #tpu.memory_space<vmem>>
        %dma_wait3A_118 = tpu.memref_squeeze %dma_wait3A_117 : memref<1x128xi32, #tpu.memory_space<vmem>> -> memref<128xi32, #tpu.memory_space<vmem>>
        %dma_wait3A_119 = arith.constant 0 : i32
        %dma_wait3A_120 = arith.constant 0 : i32
        %dma_wait3A_121 = tpu.memref_slice %arg11[%dma_wait3A_119, %dma_wait3A_120] : memref<10112x128xf32, #tpu.memory_space<vmem_shared>> -> memref<10112x128xf32, #tpu.memory_space<vmem_shared>>
        tpu.wait_indirect_dma semaphore(%run_scoped3A_109 : memref<!tpu.dma_semaphore, #tpu.memory_space<semaphore_mem>>) src(%arg9 : memref<128x128xf32, #tpu.memory_space<vmem>>) dst(%dma_wait3A_121 : memref<10112x128xf32, #tpu.memory_space<vmem_shared>>)
        tpu.yield
      }) : () -> ()
      %dma_wait3A_95 = arith.constant 0 : i32
      %dma_wait3A_96 = tpu.memref_slice %arg7[%add3A_82, %dma_wait3A_95] : memref<40x128xi32, #tpu.memory_space<vmem>> -> memref<1x128xi32, #tpu.memory_space<vmem>>
      %dma_wait3A_97 = tpu.memref_squeeze %dma_wait3A_96 : memref<1x128xi32, #tpu.memory_space<vmem>> -> memref<128xi32, #tpu.memory_space<vmem>>
      %dma_wait3A_98 = arith.constant 0 : i32
      %dma_wait3A_99 = arith.constant 0 : i32
      %dma_wait3A_100 = tpu.memref_slice %arg2[%dma_wait3A_98, %dma_wait3A_99] : memref<10000x128xf32, #tpu.memory_space<hbm>> -> memref<10000x128xf32, #tpu.memory_space<hbm>>
      tpu.wait_indirect_dma semaphore(%arg13 : memref<!tpu.dma_semaphore, #tpu.memory_space<semaphore_mem>>) src(%dma_wait3A_100 : memref<10000x128xf32, #tpu.memory_space<hbm>>) dst(%arg10 : memref<128x128xf32, #tpu.memory_space<vmem>>)
      %add3A_101 = arith.constant 2 : i32
      %add3A_102 = arith.addi %mul3A_78, %add3A_101 : i32
      %dma_start3A_103 = arith.constant 0 : i32
      %dma_start3A_104 = tpu.memref_slice %arg7[%add3A_102, %dma_start3A_103] : memref<40x128xi32, #tpu.memory_space<vmem>> -> memref<1x128xi32, #tpu.memory_space<vmem>>
      %dma_start3A_105 = tpu.memref_squeeze %dma_start3A_104 : memref<1x128xi32, #tpu.memory_space<vmem>> -> memref<128xi32, #tpu.memory_space<vmem>>
      %dma_start3A_106 = arith.constant 0 : i32
      %dma_start3A_107 = arith.constant 0 : i32
      %dma_start3A_108 = tpu.memref_slice %arg2[%dma_start3A_106, %dma_start3A_107] : memref<10000x128xf32, #tpu.memory_space<hbm>> -> memref<10000x128xf32, #tpu.memory_space<hbm>>
      tpu.enqueue_indirect_dma source(%dma_start3A_108 : memref<10000x128xf32, #tpu.memory_space<hbm>>) target(%arg9 : memref<128x128xf32, #tpu.memory_space<vmem>>) offsets(%dma_start3A_105 : memref<128xi32, #tpu.memory_space<vmem>>) semaphore(%arg12 : memref<!tpu.dma_semaphore, #tpu.memory_space<semaphore_mem>>)
      "tpu.region"() ({
        %run_scoped3A_109 = tpu.sem_alloc : memref<!tpu.dma_semaphore, #tpu.memory_space<semaphore_mem>>
        %dma_start3A_110 = arith.constant 0 : i32
        %dma_start3A_111 = tpu.memref_slice %arg8[%add3A_82, %dma_start3A_110] : memref<40x128xi32, #tpu.memory_space<vmem>> -> memref<1x128xi32, #tpu.memory_space<vmem>>
        %dma_start3A_112 = tpu.memref_squeeze %dma_start3A_111 : memref<1x128xi32, #tpu.memory_space<vmem>> -> memref<128xi32, #tpu.memory_space<vmem>>
        %dma_start3A_113 = arith.constant 0 : i32
        %dma_start3A_114 = arith.constant 0 : i32
        %dma_start3A_115 = tpu.memref_slice %arg11[%dma_start3A_113, %dma_start3A_114] : memref<10112x128xf32, #tpu.memory_space<vmem_shared>> -> memref<10112x128xf32, #tpu.memory_space<vmem_shared>>
        tpu.enqueue_indirect_dma source(%arg10 : memref<128x128xf32, #tpu.memory_space<vmem>>) target(%dma_start3A_115 : memref<10112x128xf32, #tpu.memory_space<vmem_shared>>) offsets(%dma_start3A_112 : memref<128xi32, #tpu.memory_space<vmem>>) semaphore(%run_scoped3A_109 : memref<!tpu.dma_semaphore, #tpu.memory_space<semaphore_mem>>) {add = true}
        %dma_wait3A_116 = arith.constant 0 : i32
        %dma_wait3A_117 = tpu.memref_slice %arg8[%add3A_82, %dma_wait3A_116] : memref<40x128xi32, #tpu.memory_space<vmem>> -> memref<1x128xi32, #tpu.memory_space<vmem>>
        %dma_wait3A_118 = tpu.memref_squeeze %dma_wait3A_117 : memref<1x128xi32, #tpu.memory_space<vmem>> -> memref<128xi32, #tpu.memory_space<vmem>>
        %dma_wait3A_119 = arith.constant 0 : i32
        %dma_wait3A_120 = arith.constant 0 : i32
        %dma_wait3A_121 = tpu.memref_slice %arg11[%dma_wait3A_119, %dma_wait3A_120] : memref<10112x128xf32, #tpu.memory_space<vmem_shared>> -> memref<10112x128xf32, #tpu.memory_space<vmem_shared>>
        tpu.wait_indirect_dma semaphore(%run_scoped3A_109 : memref<!tpu.dma_semaphore, #tpu.memory_space<semaphore_mem>>) src(%arg10 : memref<128x128xf32, #tpu.memory_space<vmem>>) dst(%dma_wait3A_121 : memref<10112x128xf32, #tpu.memory_space<vmem_shared>>)
        tpu.yield
      }) : () -> ()
    }
    %scan3A_47 = arith.constant 19 : i32
    %dma_wait3A_48 = arith.constant 38 : i32
    %dma_wait3A_49 = arith.constant 0 : i32
    %dma_wait3A_50 = tpu.memref_slice %arg7[%dma_wait3A_48, %dma_wait3A_49] : memref<40x128xi32, #tpu.memory_space<vmem>> -> memref<1x128xi32, #tpu.memory_space<vmem>>
    %dma_wait3A_51 = tpu.memref_squeeze %dma_wait3A_50 : memref<1x128xi32, #tpu.memory_space<vmem>> -> memref<128xi32, #tpu.memory_space<vmem>>
    %dma_wait3A_52 = arith.constant 0 : i32
    %dma_wait3A_53 = arith.constant 0 : i32
    %dma_wait3A_54 = tpu.memref_slice %arg2[%dma_wait3A_52, %dma_wait3A_53] : memref<10000x128xf32, #tpu.memory_space<hbm>> -> memref<10000x128xf32, #tpu.memory_space<hbm>>
    tpu.wait_indirect_dma semaphore(%arg12 : memref<!tpu.dma_semaphore, #tpu.memory_space<semaphore_mem>>) src(%dma_wait3A_54 : memref<10000x128xf32, #tpu.memory_space<hbm>>) dst(%arg9 : memref<128x128xf32, #tpu.memory_space<vmem>>)
    %dma_start3A_55 = arith.constant 39 : i32
    %dma_start3A_56 = arith.constant 0 : i32
    %dma_start3A_57 = tpu.memref_slice %arg7[%dma_start3A_55, %dma_start3A_56] : memref<40x128xi32, #tpu.memory_space<vmem>> -> memref<1x128xi32, #tpu.memory_space<vmem>>
    %dma_start3A_58 = tpu.memref_squeeze %dma_start3A_57 : memref<1x128xi32, #tpu.memory_space<vmem>> -> memref<128xi32, #tpu.memory_space<vmem>>
    %dma_start3A_59 = arith.constant 0 : i32
    %dma_start3A_60 = arith.constant 0 : i32
    %dma_start3A_61 = tpu.memref_slice %arg2[%dma_start3A_59, %dma_start3A_60] : memref<10000x128xf32, #tpu.memory_space<hbm>> -> memref<10000x128xf32, #tpu.memory_space<hbm>>
    tpu.enqueue_indirect_dma source(%dma_start3A_61 : memref<10000x128xf32, #tpu.memory_space<hbm>>) target(%arg10 : memref<128x128xf32, #tpu.memory_space<vmem>>) offsets(%dma_start3A_58 : memref<128xi32, #tpu.memory_space<vmem>>) semaphore(%arg13 : memref<!tpu.dma_semaphore, #tpu.memory_space<semaphore_mem>>)
    %run_scoped3A_62 = arith.constant 38 : i32
    "tpu.region"() ({
      %run_scoped3A_76 = tpu.sem_alloc : memref<!tpu.dma_semaphore, #tpu.memory_space<semaphore_mem>>
      %dma_start3A_77 = arith.constant 0 : i32
      %dma_start3A_78 = tpu.memref_slice %arg8[%run_scoped3A_62, %dma_start3A_77] : memref<40x128xi32, #tpu.memory_space<vmem>> -> memref<1x128xi32, #tpu.memory_space<vmem>>
      %dma_start3A_79 = tpu.memref_squeeze %dma_start3A_78 : memref<1x128xi32, #tpu.memory_space<vmem>> -> memref<128xi32, #tpu.memory_space<vmem>>
      %dma_start3A_80 = arith.constant 0 : i32
      %dma_start3A_81 = arith.constant 0 : i32
      %dma_start3A_82 = tpu.memref_slice %arg11[%dma_start3A_80, %dma_start3A_81] : memref<10112x128xf32, #tpu.memory_space<vmem_shared>> -> memref<10112x128xf32, #tpu.memory_space<vmem_shared>>
      tpu.enqueue_indirect_dma source(%arg9 : memref<128x128xf32, #tpu.memory_space<vmem>>) target(%dma_start3A_82 : memref<10112x128xf32, #tpu.memory_space<vmem_shared>>) offsets(%dma_start3A_79 : memref<128xi32, #tpu.memory_space<vmem>>) semaphore(%run_scoped3A_76 : memref<!tpu.dma_semaphore, #tpu.memory_space<semaphore_mem>>) {add = true}
      %dma_wait3A_83 = arith.constant 0 : i32
      %dma_wait3A_84 = tpu.memref_slice %arg8[%run_scoped3A_62, %dma_wait3A_83] : memref<40x128xi32, #tpu.memory_space<vmem>> -> memref<1x128xi32, #tpu.memory_space<vmem>>
      %dma_wait3A_85 = tpu.memref_squeeze %dma_wait3A_84 : memref<1x128xi32, #tpu.memory_space<vmem>> -> memref<128xi32, #tpu.memory_space<vmem>>
      %dma_wait3A_86 = arith.constant 0 : i32
      %dma_wait3A_87 = arith.constant 0 : i32
      %dma_wait3A_88 = tpu.memref_slice %arg11[%dma_wait3A_86, %dma_wait3A_87] : memref<10112x128xf32, #tpu.memory_space<vmem_shared>> -> memref<10112x128xf32, #tpu.memory_space<vmem_shared>>
      tpu.wait_indirect_dma semaphore(%run_scoped3A_76 : memref<!tpu.dma_semaphore, #tpu.memory_space<semaphore_mem>>) src(%arg9 : memref<128x128xf32, #tpu.memory_space<vmem>>) dst(%dma_wait3A_88 : memref<10112x128xf32, #tpu.memory_space<vmem_shared>>)
      tpu.yield
    }) : () -> ()
    %dma_wait3A_63 = arith.constant 39 : i32
    %dma_wait3A_64 = arith.constant 0 : i32
    %dma_wait3A_65 = tpu.memref_slice %arg7[%dma_wait3A_63, %dma_wait3A_64] : memref<40x128xi32, #tpu.memory_space<vmem>> -> memref<1x128xi32, #tpu.memory_space<vmem>>
    %dma_wait3A_66 = tpu.memref_squeeze %dma_wait3A_65 : memref<1x128xi32, #tpu.memory_space<vmem>> -> memref<128xi32, #tpu.memory_space<vmem>>
    %dma_wait3A_67 = arith.constant 0 : i32
    %dma_wait3A_68 = arith.constant 0 : i32
    %dma_wait3A_69 = tpu.memref_slice %arg2[%dma_wait3A_67, %dma_wait3A_68] : memref<10000x128xf32, #tpu.memory_space<hbm>> -> memref<10000x128xf32, #tpu.memory_space<hbm>>
    tpu.wait_indirect_dma semaphore(%arg13 : memref<!tpu.dma_semaphore, #tpu.memory_space<semaphore_mem>>) src(%dma_wait3A_69 : memref<10000x128xf32, #tpu.memory_space<hbm>>) dst(%arg10 : memref<128x128xf32, #tpu.memory_space<vmem>>)
    %run_scoped3A_70 = arith.constant 39 : i32
    "tpu.region"() ({
      %run_scoped3A_76 = tpu.sem_alloc : memref<!tpu.dma_semaphore, #tpu.memory_space<semaphore_mem>>
      %dma_start3A_77 = arith.constant 0 : i32
      %dma_start3A_78 = tpu.memref_slice %arg8[%run_scoped3A_70, %dma_start3A_77] : memref<40x128xi32, #tpu.memory_space<vmem>> -> memref<1x128xi32, #tpu.memory_space<vmem>>
      %dma_start3A_79 = tpu.memref_squeeze %dma_start3A_78 : memref<1x128xi32, #tpu.memory_space<vmem>> -> memref<128xi32, #tpu.memory_space<vmem>>
      %dma_start3A_80 = arith.constant 0 : i32
      %dma_start3A_81 = arith.constant 0 : i32
      %dma_start3A_82 = tpu.memref_slice %arg11[%dma_start3A_80, %dma_start3A_81] : memref<10112x128xf32, #tpu.memory_space<vmem_shared>> -> memref<10112x128xf32, #tpu.memory_space<vmem_shared>>
      tpu.enqueue_indirect_dma source(%arg10 : memref<128x128xf32, #tpu.memory_space<vmem>>) target(%dma_start3A_82 : memref<10112x128xf32, #tpu.memory_space<vmem_shared>>) offsets(%dma_start3A_79 : memref<128xi32, #tpu.memory_space<vmem>>) semaphore(%run_scoped3A_76 : memref<!tpu.dma_semaphore, #tpu.memory_space<semaphore_mem>>) {add = true}
      %dma_wait3A_83 = arith.constant 0 : i32
      %dma_wait3A_84 = tpu.memref_slice %arg8[%run_scoped3A_70, %dma_wait3A_83] : memref<40x128xi32, #tpu.memory_space<vmem>> -> memref<1x128xi32, #tpu.memory_space<vmem>>
      %dma_wait3A_85 = tpu.memref_squeeze %dma_wait3A_84 : memref<1x128xi32, #tpu.memory_space<vmem>> -> memref<128xi32, #tpu.memory_space<vmem>>
      %dma_wait3A_86 = arith.constant 0 : i32
      %dma_wait3A_87 = arith.constant 0 : i32
      %dma_wait3A_88 = tpu.memref_slice %arg11[%dma_wait3A_86, %dma_wait3A_87] : memref<10112x128xf32, #tpu.memory_space<vmem_shared>> -> memref<10112x128xf32, #tpu.memory_space<vmem_shared>>
      tpu.wait_indirect_dma semaphore(%run_scoped3A_76 : memref<!tpu.dma_semaphore, #tpu.memory_space<semaphore_mem>>) src(%arg10 : memref<128x128xf32, #tpu.memory_space<vmem>>) dst(%dma_wait3A_88 : memref<10112x128xf32, #tpu.memory_space<vmem_shared>>)
      tpu.yield
    }) : () -> ()
    %barrier3A_71 = arith.constant 0 : index
    tpu.barrier barrier_id(%barrier3A_71)
    %mul3A_72 = arith.constant 632 : i32
    %mul3A_73 = arith.muli %arg1, %mul3A_72 : i32
    %mul3A_74 = arith.constant 632 : i32
    %mul3A_75 = arith.muli %arg1, %mul3A_74 : i32
    "tpu.region"() ({
      %run_scoped3A_76 = tpu.sem_alloc : memref<!tpu.dma_semaphore, #tpu.memory_space<semaphore_mem>>
      %dma_start3A_77 = arith.constant 0 : i32
      %dma_start3A_78 = tpu.memref_slice %arg6[%arg0, %mul3A_75, %dma_start3A_77] : memref<2x10112x128xf32, #tpu.memory_space<hbm>> -> memref<1x632x128xf32, #tpu.memory_space<hbm>>
      %dma_start3A_79 = tpu.memref_squeeze %dma_start3A_78 : memref<1x632x128xf32, #tpu.memory_space<hbm>> -> memref<632x128xf32, #tpu.memory_space<hbm>>
      %dma_start3A_80 = arith.constant 0 : i32
      %dma_start3A_81 = tpu.memref_slice %arg11[%mul3A_73, %dma_start3A_80] : memref<10112x128xf32, #tpu.memory_space<vmem_shared>> -> memref<632x128xf32, #tpu.memory_space<vmem_shared>>
      tpu.enqueue_dma source(%dma_start3A_81 : memref<632x128xf32, #tpu.memory_space<vmem_shared>>) target(%dma_start3A_79 : memref<632x128xf32, #tpu.memory_space<hbm>>) target_semaphore(%run_scoped3A_76 : memref<!tpu.dma_semaphore, #tpu.memory_space<semaphore_mem>>)
      %dma_wait3A_82 = arith.constant 0 : i32
      %dma_wait3A_83 = tpu.memref_slice %arg6[%arg0, %mul3A_75, %dma_wait3A_82] : memref<2x10112x128xf32, #tpu.memory_space<hbm>> -> memref<1x632x128xf32, #tpu.memory_space<hbm>>
      %dma_wait3A_84 = tpu.memref_squeeze %dma_wait3A_83 : memref<1x632x128xf32, #tpu.memory_space<hbm>> -> memref<632x128xf32, #tpu.memory_space<hbm>>
      %dma_wait3A_85 = arith.constant 0 : i32
      %dma_wait3A_86 = tpu.memref_slice %arg11[%mul3A_73, %dma_wait3A_85] : memref<10112x128xf32, #tpu.memory_space<vmem_shared>> -> memref<632x128xf32, #tpu.memory_space<vmem_shared>>
      tpu.wait_dma2 semaphore(%run_scoped3A_76 : memref<!tpu.dma_semaphore, #tpu.memory_space<semaphore_mem>>) src(%dma_wait3A_86 : memref<632x128xf32, #tpu.memory_space<vmem_shared>>) dst(%dma_wait3A_84 : memref<632x128xf32, #tpu.memory_space<hbm>>)
      tpu.yield
    }) : () -> ()
    return
  }
}

module attributes {stable_mosaic.version = 14 : i64} {
  func.func @k(%arg0: i32, %arg1: memref<2000x128xf32, #tpu.memory_space<vmem>>, %arg2: memref<1x128xf32, #tpu.memory_space<vmem>>) attributes {dimension_semantics = [#tpu.dimension_semantics<arbitrary>], iteration_bounds = array<i64: 5>, scalar_prefetch = 0 : i64, scratch_operands = 0 : i64, tpu.core_type = #tpu.core_type<tc>, window_params = [{transform_indices = @transform_0, window_bounds = array<i64: 2000, 128>}, {pipeline_mode = #tpu.pipeline_mode<synchronous>, transform_indices = @transform_1, window_bounds = array<i64: 1, 128>}]} {
    %eq3A = arith.constant 0 : i32
    %eq3A_0 = arith.cmpi eq, %arg0, %eq3A : i32
    %convert_element_type3A = arith.extui %eq3A_0 : i1 to i32
    %cond3A = arith.constant 0 : i32
    %cond3A_1 = arith.cmpi ne, %convert_element_type3A, %cond3A : i32
    scf.if %cond3A_1 {
      %broadcast_in_dim3A_10 = arith.constant 0.000000e+00 : f32
      %broadcast_in_dim3A_11 = vector.broadcast %broadcast_in_dim3A_10 : f32 to vector<1x128xf32>
      %swap3A_12 = arith.constant 0 : index
      %swap3A_13 = arith.constant 0 : index
      %swap3A_14 = vector.load %arg2[%swap3A_12, %swap3A_13] : memref<1x128xf32, #tpu.memory_space<vmem>>, vector<1x128xf32>
      tpu.vector_store %arg2[%swap3A_12, %swap3A_13], %broadcast_in_dim3A_11 {strides = array<i32>} : memref<1x128xf32, #tpu.memory_space<vmem>>, vector<1x128xf32>,
    } else {
    }
    %get3A = arith.constant 0 : index
    %get3A_2 = arith.constant 0 : index
    %get3A_3 = vector.load %arg2[%get3A, %get3A_2] : memref<1x128xf32, #tpu.memory_space<vmem>>, vector<1x128xf32>
    %get3A_4 = arith.constant 0 : index
    %get3A_5 = arith.constant 0 : index
    %get3A_6 = vector.load %arg1[%get3A_4, %get3A_5] : memref<2000x128xf32, #tpu.memory_space<vmem>>, vector<2000x128xf32>
    %reduce_sum3A = arith.constant dense<0.000000e+00> : vector<128xf32>
    %reduce_sum3A_7 = vector.multi_reduction <add>, %get3A_6, %reduce_sum3A [0] : vector<2000x128xf32> to vector<128xf32>
    %broadcast_in_dim3A = vector.shape_cast %reduce_sum3A_7 : vector<128xf32> to vector<1x128xf32>
    %add3A = arith.addf %get3A_3, %broadcast_in_dim3A : vector<1x128xf32>
    %swap3A = arith.constant 0 : index
    %swap3A_8 = arith.constant 0 : index
    %swap3A_9 = vector.load %arg2[%swap3A, %swap3A_8] : memref<1x128xf32, #tpu.memory_space<vmem>>, vector<1x128xf32>
    tpu.vector_store %arg2[%swap3A, %swap3A_8], %add3A {strides = array<i32>} : memref<1x128xf32, #tpu.memory_space<vmem>>, vector<1x128xf32>,
    return
  }
  func.func @transform_0(%arg0: i32) -> (i32, i32) {
    %c0_i32 = arith.constant 0 : i32
    %c0_i32_0 = arith.constant 0 : i32
    return %arg0, %c0_i32 : i32, i32
  }
  func.func @transform_1(%arg0: i32) -> (i32, i32) {
    %c0_i32 = arith.constant 0 : i32
    %c0_i32_0 = arith.constant 0 : i32
    %c0_i32_1 = arith.constant 0 : i32
    return %c0_i32, %c0_i32_0 : i32, i32
  }
}

module attributes {stable_mosaic.version = 14 : i64} {
  func.func @k(%arg0: i32, %arg1: memref<2000x128xf32, #tpu.memory_space<vmem>>, %arg2: memref<1x128xf32, #tpu.memory_space<vmem>>, %arg3: memref<128x128xf32, #tpu.memory_space<vmem>>, %arg4: memref<2000x128xf32, #tpu.memory_space<vmem>>) attributes {dimension_semantics = [#tpu.dimension_semantics<arbitrary>], iteration_bounds = array<i64: 5>, scalar_prefetch = 0 : i64, scratch_operands = 0 : i64, tpu.core_type = #tpu.core_type<tc>, window_params = [{transform_indices = @transform_0, window_bounds = array<i64: 2000, 128>}, {pipeline_mode = #tpu.pipeline_mode<synchronous>, transform_indices = @transform_1, window_bounds = array<i64: 1, 128>}, {pipeline_mode = #tpu.pipeline_mode<synchronous>, transform_indices = @transform_2, window_bounds = array<i64: 128, 128>}, {transform_indices = @transform_3, window_bounds = array<i64: 2000, 128>}]} {
    %get3A = arith.constant 0 : index
    %get3A_0 = arith.constant 0 : index
    %get3A_1 = vector.load %arg1[%get3A, %get3A_0] : memref<2000x128xf32, #tpu.memory_space<vmem>>, vector<2000x128xf32>
    %mul3A = arith.mulf %get3A_1, %get3A_1 : vector<2000x128xf32>
    %reduce_sum3A = arith.constant dense<0.000000e+00> : vector<2000xf32>
    %reduce_sum3A_2 = vector.multi_reduction <add>, %mul3A, %reduce_sum3A [1] : vector<2000x128xf32> to vector<2000xf32>
    %broadcast_in_dim3A = vector.shape_cast %reduce_sum3A_2 : vector<2000xf32> to vector<2000x1xf32>
    %add3A = arith.constant 9.99999997E-7 : f32
    %add3A_3 = vector.broadcast %add3A : f32 to vector<2000x1xf32>
    %add3A_4 = arith.addf %add3A_3, %broadcast_in_dim3A : vector<2000x1xf32>
    %sqrt3A = math.sqrt %add3A_4 : vector<2000x1xf32>
    %div3A = vector.broadcast %sqrt3A : vector<2000x1xf32> to vector<2000x128xf32>
    %div3A_5 = arith.divf %get3A_1, %div3A : vector<2000x128xf32>
    %get3A_6 = arith.constant 0 : index
    %get3A_7 = arith.constant 0 : index
    %get3A_8 = vector.load %arg2[%get3A_6, %get3A_7] : memref<1x128xf32, #tpu.memory_space<vmem>>, vector<1x128xf32>
    %mul3A_9 = arith.constant 9.99999974E-5 : f32
    %mul3A_10 = vector.broadcast %mul3A_9 : f32 to vector<1x128xf32>
    %mul3A_11 = arith.mulf %get3A_8, %mul3A_10 : vector<1x128xf32>
    %sub3A = vector.broadcast %mul3A_11 : vector<1x128xf32> to vector<2000x128xf32>
    %sub3A_12 = arith.subf %div3A_5, %sub3A : vector<2000x128xf32>
    %get3A_13 = arith.constant 0 : index
    %get3A_14 = arith.constant 0 : index
    %get3A_15 = vector.load %arg3[%get3A_13, %get3A_14] : memref<128x128xf32, #tpu.memory_space<vmem>>, vector<128x128xf32>
    %dot_general3A = arith.constant dense<0.000000e+00> : vector<2000x128xf32>
    %dot_general3A_16 = tpu.matmul %sub3A_12, %get3A_15, %dot_general3A {dimension_numbers = #tpu.dot_dimension_numbers<[1], [0], [0], [1], [0, 0, 1, 1], [], []>, transpose_lhs_hint = false} : vector<2000x128xf32>, vector<128x128xf32>, vector<2000x128xf32> -> vector<2000x128xf32>
    %swap3A = arith.constant 0 : index
    %swap3A_17 = arith.constant 0 : index
    %swap3A_18 = vector.load %arg4[%swap3A, %swap3A_17] : memref<2000x128xf32, #tpu.memory_space<vmem>>, vector<2000x128xf32>
    tpu.vector_store %arg4[%swap3A, %swap3A_17], %dot_general3A_16 {strides = array<i32>} : memref<2000x128xf32, #tpu.memory_space<vmem>>, vector<2000x128xf32>,
    return
  }
  func.func @transform_0(%arg0: i32) -> (i32, i32) {
    %c0_i32 = arith.constant 0 : i32
    %c0_i32_0 = arith.constant 0 : i32
    return %arg0, %c0_i32 : i32, i32
  }
  func.func @transform_1(%arg0: i32) -> (i32, i32) {
    %c0_i32 = arith.constant 0 : i32
    %c0_i32_0 = arith.constant 0 : i32
    %c0_i32_1 = arith.constant 0 : i32
    return %c0_i32, %c0_i32_0 : i32, i32
  }
  func.func @transform_2(%arg0: i32) -> (i32, i32) {
    %c0_i32 = arith.constant 0 : i32
    %c0_i32_0 = arith.constant 0 : i32
    %c0_i32_1 = arith.constant 0 : i32
    return %c0_i32, %c0_i32_0 : i32, i32
  }
  func.func @transform_3(%arg0: i32) -> (i32, i32) {
    %c0_i32 = arith.constant 0 : i32
    %c0_i32_0 = arith.constant 0 : i32
    return %arg0, %c0_i32 : i32, i32
  }
}

module attributes {stable_mosaic.version = 14 : i64} {
  func.func @k(%arg0: i32, %arg1: memref<2000x128xf32, #tpu.memory_space<vmem>>, %arg2: memref<2000x128xf32, #tpu.memory_space<vmem>>, %arg3: memref<2000x128xf32, #tpu.memory_space<vmem>>, %arg4: memref<1x128xf32, #tpu.memory_space<vmem>>, %arg5: memref<2000x128xf32, #tpu.memory_space<vmem>>, %arg6: memref<1x128xf32, #tpu.memory_space<vmem>>) attributes {dimension_semantics = [#tpu.dimension_semantics<arbitrary>], iteration_bounds = array<i64: 5>, scalar_prefetch = 0 : i64, scratch_operands = 0 : i64, tpu.core_type = #tpu.core_type<tc>, window_params = [{transform_indices = @transform_0, window_bounds = array<i64: 2000, 128>}, {transform_indices = @transform_1, window_bounds = array<i64: 2000, 128>}, {transform_indices = @transform_2, window_bounds = array<i64: 2000, 128>}, {pipeline_mode = #tpu.pipeline_mode<synchronous>, transform_indices = @transform_3, window_bounds = array<i64: 1, 128>}, {transform_indices = @transform_4, window_bounds = array<i64: 2000, 128>}, {pipeline_mode = #tpu.pipeline_mode<synchronous>, transform_indices = @transform_5, window_bounds = array<i64: 1, 128>}]} {
    %get3A = arith.constant 0 : index
    %get3A_0 = arith.constant 0 : index
    %get3A_1 = vector.load %arg1[%get3A, %get3A_0] : memref<2000x128xf32, #tpu.memory_space<vmem>>, vector<2000x128xf32>
    %get3A_2 = arith.constant 0 : index
    %get3A_3 = arith.constant 0 : index
    %get3A_4 = vector.load %arg2[%get3A_2, %get3A_3] : memref<2000x128xf32, #tpu.memory_space<vmem>>, vector<2000x128xf32>
    %add3A = arith.addf %get3A_1, %get3A_4 : vector<2000x128xf32>
    %get3A_5 = arith.constant 0 : index
    %get3A_6 = arith.constant 0 : index
    %get3A_7 = vector.load %arg3[%get3A_5, %get3A_6] : memref<2000x128xf32, #tpu.memory_space<vmem>>, vector<2000x128xf32>
    %add3A_8 = arith.addf %add3A, %get3A_7 : vector<2000x128xf32>
    %get3A_9 = arith.constant 0 : index
    %get3A_10 = arith.constant 0 : index
    %get3A_11 = vector.load %arg4[%get3A_9, %get3A_10] : memref<1x128xf32, #tpu.memory_space<vmem>>, vector<1x128xf32>
    %add3A_12 = vector.broadcast %get3A_11 : vector<1x128xf32> to vector<2000x128xf32>
    %add3A_13 = arith.addf %add3A_8, %add3A_12 : vector<2000x128xf32>
    %max3A = arith.constant 0.000000e+00 : f32
    %max3A_14 = vector.broadcast %max3A : f32 to vector<2000x128xf32>
    %max3A_15 = arith.maximumf %add3A_13, %max3A_14 : vector<2000x128xf32>
    %swap3A = arith.constant 0 : index
    %swap3A_16 = arith.constant 0 : index
    %swap3A_17 = vector.load %arg5[%swap3A, %swap3A_16] : memref<2000x128xf32, #tpu.memory_space<vmem>>, vector<2000x128xf32>
    tpu.vector_store %arg5[%swap3A, %swap3A_16], %max3A_15 {strides = array<i32>} : memref<2000x128xf32, #tpu.memory_space<vmem>>, vector<2000x128xf32>,
    %eq3A = arith.constant 0 : i32
    %eq3A_18 = arith.cmpi eq, %arg0, %eq3A : i32
    %convert_element_type3A = arith.extui %eq3A_18 : i1 to i32
    %cond3A = arith.constant 0 : i32
    %cond3A_19 = arith.cmpi ne, %convert_element_type3A, %cond3A : i32
    scf.if %cond3A_19 {
      %broadcast_in_dim3A_28 = arith.constant 0.000000e+00 : f32
      %broadcast_in_dim3A_29 = vector.broadcast %broadcast_in_dim3A_28 : f32 to vector<1x128xf32>
      %swap3A_30 = arith.constant 0 : index
      %swap3A_31 = arith.constant 0 : index
      %swap3A_32 = vector.load %arg6[%swap3A_30, %swap3A_31] : memref<1x128xf32, #tpu.memory_space<vmem>>, vector<1x128xf32>
      tpu.vector_store %arg6[%swap3A_30, %swap3A_31], %broadcast_in_dim3A_29 {strides = array<i32>} : memref<1x128xf32, #tpu.memory_space<vmem>>, vector<1x128xf32>,
    } else {
    }
    %get3A_20 = arith.constant 0 : index
    %get3A_21 = arith.constant 0 : index
    %get3A_22 = vector.load %arg6[%get3A_20, %get3A_21] : memref<1x128xf32, #tpu.memory_space<vmem>>, vector<1x128xf32>
    %reduce_sum3A = arith.constant dense<0.000000e+00> : vector<128xf32>
    %reduce_sum3A_23 = vector.multi_reduction <add>, %max3A_15, %reduce_sum3A [0] : vector<2000x128xf32> to vector<128xf32>
    %broadcast_in_dim3A = vector.shape_cast %reduce_sum3A_23 : vector<128xf32> to vector<1x128xf32>
    %add3A_24 = arith.addf %get3A_22, %broadcast_in_dim3A : vector<1x128xf32>
    %swap3A_25 = arith.constant 0 : index
    %swap3A_26 = arith.constant 0 : index
    %swap3A_27 = vector.load %arg6[%swap3A_25, %swap3A_26] : memref<1x128xf32, #tpu.memory_space<vmem>>, vector<1x128xf32>
    tpu.vector_store %arg6[%swap3A_25, %swap3A_26], %add3A_24 {strides = array<i32>} : memref<1x128xf32, #tpu.memory_space<vmem>>, vector<1x128xf32>,
    return
  }
  func.func @transform_0(%arg0: i32) -> (i32, i32) {
    %c0_i32 = arith.constant 0 : i32
    %c0_i32_0 = arith.constant 0 : i32
    return %arg0, %c0_i32 : i32, i32
  }
  func.func @transform_1(%arg0: i32) -> (i32, i32) {
    %c0_i32 = arith.constant 0 : i32
    %c0_i32_0 = arith.constant 0 : i32
    return %arg0, %c0_i32 : i32, i32
  }
  func.func @transform_2(%arg0: i32) -> (i32, i32) {
    %c0_i32 = arith.constant 0 : i32
    %c0_i32_0 = arith.constant 0 : i32
    return %arg0, %c0_i32 : i32, i32
  }
  func.func @transform_3(%arg0: i32) -> (i32, i32) {
    %c0_i32 = arith.constant 0 : i32
    %c0_i32_0 = arith.constant 0 : i32
    %c0_i32_1 = arith.constant 0 : i32
    return %c0_i32, %c0_i32_0 : i32, i32
  }
  func.func @transform_4(%arg0: i32) -> (i32, i32) {
    %c0_i32 = arith.constant 0 : i32
    %c0_i32_0 = arith.constant 0 : i32
    return %arg0, %c0_i32 : i32, i32
  }
  func.func @transform_5(%arg0: i32) -> (i32, i32) {
    %c0_i32 = arith.constant 0 : i32
    %c0_i32_0 = arith.constant 0 : i32
    %c0_i32_1 = arith.constant 0 : i32
    return %c0_i32, %c0_i32_0 : i32, i32
  }
}

module attributes {stable_mosaic.version = 14 : i64} {
  func.func @k(%arg0: i32, %arg1: memref<2000x128xf32, #tpu.memory_space<vmem>>, %arg2: memref<2000x128xf32, #tpu.memory_space<vmem>>, %arg3: memref<2000x128xf32, #tpu.memory_space<vmem>>, %arg4: memref<1x128xf32, #tpu.memory_space<vmem>>, %arg5: memref<2000x128xf32, #tpu.memory_space<vmem>>, %arg6: memref<1x128xf32, #tpu.memory_space<vmem>>) attributes {dimension_semantics = [#tpu.dimension_semantics<arbitrary>], iteration_bounds = array<i64: 5>, scalar_prefetch = 0 : i64, scratch_operands = 0 : i64, tpu.core_type = #tpu.core_type<tc>, window_params = [{transform_indices = @transform_0, window_bounds = array<i64: 2000, 128>}, {transform_indices = @transform_1, window_bounds = array<i64: 2000, 128>}, {transform_indices = @transform_2, window_bounds = array<i64: 2000, 128>}, {pipeline_mode = #tpu.pipeline_mode<synchronous>, transform_indices = @transform_3, window_bounds = array<i64: 1, 128>}, {transform_indices = @transform_4, window_bounds = array<i64: 2000, 128>}, {pipeline_mode = #tpu.pipeline_mode<synchronous>, transform_indices = @transform_5, window_bounds = array<i64: 1, 128>}]} {
    %get3A = arith.constant 0 : index
    %get3A_0 = arith.constant 0 : index
    %get3A_1 = vector.load %arg1[%get3A, %get3A_0] : memref<2000x128xf32, #tpu.memory_space<vmem>>, vector<2000x128xf32>
    %get3A_2 = arith.constant 0 : index
    %get3A_3 = arith.constant 0 : index
    %get3A_4 = vector.load %arg2[%get3A_2, %get3A_3] : memref<2000x128xf32, #tpu.memory_space<vmem>>, vector<2000x128xf32>
    %add3A = arith.addf %get3A_1, %get3A_4 : vector<2000x128xf32>
    %get3A_5 = arith.constant 0 : index
    %get3A_6 = arith.constant 0 : index
    %get3A_7 = vector.load %arg3[%get3A_5, %get3A_6] : memref<2000x128xf32, #tpu.memory_space<vmem>>, vector<2000x128xf32>
    %add3A_8 = arith.addf %add3A, %get3A_7 : vector<2000x128xf32>
    %get3A_9 = arith.constant 0 : index
    %get3A_10 = arith.constant 0 : index
    %get3A_11 = vector.load %arg4[%get3A_9, %get3A_10] : memref<1x128xf32, #tpu.memory_space<vmem>>, vector<1x128xf32>
    %add3A_12 = vector.broadcast %get3A_11 : vector<1x128xf32> to vector<2000x128xf32>
    %add3A_13 = arith.addf %add3A_8, %add3A_12 : vector<2000x128xf32>
    %max3A = arith.constant 0.000000e+00 : f32
    %max3A_14 = vector.broadcast %max3A : f32 to vector<2000x128xf32>
    %max3A_15 = arith.maximumf %add3A_13, %max3A_14 : vector<2000x128xf32>
    %swap3A = arith.constant 0 : index
    %swap3A_16 = arith.constant 0 : index
    %swap3A_17 = vector.load %arg5[%swap3A, %swap3A_16] : memref<2000x128xf32, #tpu.memory_space<vmem>>, vector<2000x128xf32>
    tpu.vector_store %arg5[%swap3A, %swap3A_16], %max3A_15 {strides = array<i32>} : memref<2000x128xf32, #tpu.memory_space<vmem>>, vector<2000x128xf32>,
    %eq3A = arith.constant 0 : i32
    %eq3A_18 = arith.cmpi eq, %arg0, %eq3A : i32
    %convert_element_type3A = arith.extui %eq3A_18 : i1 to i32
    %cond3A = arith.constant 0 : i32
    %cond3A_19 = arith.cmpi ne, %convert_element_type3A, %cond3A : i32
    scf.if %cond3A_19 {
      %broadcast_in_dim3A_28 = arith.constant 0.000000e+00 : f32
      %broadcast_in_dim3A_29 = vector.broadcast %broadcast_in_dim3A_28 : f32 to vector<1x128xf32>
      %swap3A_30 = arith.constant 0 : index
      %swap3A_31 = arith.constant 0 : index
      %swap3A_32 = vector.load %arg6[%swap3A_30, %swap3A_31] : memref<1x128xf32, #tpu.memory_space<vmem>>, vector<1x128xf32>
      tpu.vector_store %arg6[%swap3A_30, %swap3A_31], %broadcast_in_dim3A_29 {strides = array<i32>} : memref<1x128xf32, #tpu.memory_space<vmem>>, vector<1x128xf32>,
    } else {
    }
    %get3A_20 = arith.constant 0 : index
    %get3A_21 = arith.constant 0 : index
    %get3A_22 = vector.load %arg6[%get3A_20, %get3A_21] : memref<1x128xf32, #tpu.memory_space<vmem>>, vector<1x128xf32>
    %reduce_sum3A = arith.constant dense<0.000000e+00> : vector<128xf32>
    %reduce_sum3A_23 = vector.multi_reduction <add>, %max3A_15, %reduce_sum3A [0] : vector<2000x128xf32> to vector<128xf32>
    %broadcast_in_dim3A = vector.shape_cast %reduce_sum3A_23 : vector<128xf32> to vector<1x128xf32>
    %add3A_24 = arith.addf %get3A_22, %broadcast_in_dim3A : vector<1x128xf32>
    %swap3A_25 = arith.constant 0 : index
    %swap3A_26 = arith.constant 0 : index
    %swap3A_27 = vector.load %arg6[%swap3A_25, %swap3A_26] : memref<1x128xf32, #tpu.memory_space<vmem>>, vector<1x128xf32>
    tpu.vector_store %arg6[%swap3A_25, %swap3A_26], %add3A_24 {strides = array<i32>} : memref<1x128xf32, #tpu.memory_space<vmem>>, vector<1x128xf32>,
    return
  }
  func.func @transform_0(%arg0: i32) -> (i32, i32) {
    %c0_i32 = arith.constant 0 : i32
    %c0_i32_0 = arith.constant 0 : i32
    return %arg0, %c0_i32 : i32, i32
  }
  func.func @transform_1(%arg0: i32) -> (i32, i32) {
    %c0_i32 = arith.constant 0 : i32
    %c0_i32_0 = arith.constant 0 : i32
    return %arg0, %c0_i32 : i32, i32
  }
  func.func @transform_2(%arg0: i32) -> (i32, i32) {
    %c0_i32 = arith.constant 0 : i32
    %c0_i32_0 = arith.constant 0 : i32
    return %arg0, %c0_i32 : i32, i32
  }
  func.func @transform_3(%arg0: i32) -> (i32, i32) {
    %c0_i32 = arith.constant 0 : i32
    %c0_i32_0 = arith.constant 0 : i32
    %c0_i32_1 = arith.constant 0 : i32
    return %c0_i32, %c0_i32_0 : i32, i32
  }
  func.func @transform_4(%arg0: i32) -> (i32, i32) {
    %c0_i32 = arith.constant 0 : i32
    %c0_i32_0 = arith.constant 0 : i32
    return %arg0, %c0_i32 : i32, i32
  }
  func.func @transform_5(%arg0: i32) -> (i32, i32) {
    %c0_i32 = arith.constant 0 : i32
    %c0_i32_0 = arith.constant 0 : i32
    %c0_i32_1 = arith.constant 0 : i32
    return %c0_i32, %c0_i32_0 : i32, i32
  }
}

module attributes {stable_mosaic.version = 14 : i64} {
  func.func @k(%arg0: i32, %arg1: memref<2000x128xf32, #tpu.memory_space<vmem>>, %arg2: memref<128x128xf32, #tpu.memory_space<vmem>>, %arg3: memref<2000x128xf32, #tpu.memory_space<vmem>>) attributes {dimension_semantics = [#tpu.dimension_semantics<arbitrary>], iteration_bounds = array<i64: 5>, scalar_prefetch = 0 : i64, scratch_operands = 0 : i64, tpu.core_type = #tpu.core_type<tc>, window_params = [{transform_indices = @transform_0, window_bounds = array<i64: 2000, 128>}, {pipeline_mode = #tpu.pipeline_mode<synchronous>, transform_indices = @transform_1, window_bounds = array<i64: 128, 128>}, {transform_indices = @transform_2, window_bounds = array<i64: 2000, 128>}]} {
    %get3A = arith.constant 0 : index
    %get3A_0 = arith.constant 0 : index
    %get3A_1 = vector.load %arg1[%get3A, %get3A_0] : memref<2000x128xf32, #tpu.memory_space<vmem>>, vector<2000x128xf32>
    %get3A_2 = arith.constant 0 : index
    %get3A_3 = arith.constant 0 : index
    %get3A_4 = vector.load %arg2[%get3A_2, %get3A_3] : memref<128x128xf32, #tpu.memory_space<vmem>>, vector<128x128xf32>
    %dot_general3A = arith.constant dense<0.000000e+00> : vector<2000x128xf32>
    %dot_general3A_5 = tpu.matmul %get3A_1, %get3A_4, %dot_general3A {dimension_numbers = #tpu.dot_dimension_numbers<[1], [0], [0], [1], [0, 0, 1, 1], [], []>, transpose_lhs_hint = false} : vector<2000x128xf32>, vector<128x128xf32>, vector<2000x128xf32> -> vector<2000x128xf32>
    %swap3A = arith.constant 0 : index
    %swap3A_6 = arith.constant 0 : index
    %swap3A_7 = vector.load %arg3[%swap3A, %swap3A_6] : memref<2000x128xf32, #tpu.memory_space<vmem>>, vector<2000x128xf32>
    tpu.vector_store %arg3[%swap3A, %swap3A_6], %dot_general3A_5 {strides = array<i32>} : memref<2000x128xf32, #tpu.memory_space<vmem>>, vector<2000x128xf32>,
    return
  }
  func.func @transform_0(%arg0: i32) -> (i32, i32) {
    %c0_i32 = arith.constant 0 : i32
    %c0_i32_0 = arith.constant 0 : i32
    return %arg0, %c0_i32 : i32, i32
  }
  func.func @transform_1(%arg0: i32) -> (i32, i32) {
    %c0_i32 = arith.constant 0 : i32
    %c0_i32_0 = arith.constant 0 : i32
    %c0_i32_1 = arith.constant 0 : i32
    return %c0_i32, %c0_i32_0 : i32, i32
  }
  func.func @transform_2(%arg0: i32) -> (i32, i32) {
    %c0_i32 = arith.constant 0 : i32
    %c0_i32_0 = arith.constant 0 : i32
    return %arg0, %c0_i32 : i32, i32
  }
}

module attributes {stable_mosaic.version = 14 : i64} {
  func.func @k(%arg0: i32, %arg1: memref<2000x128xf32, #tpu.memory_space<vmem>>, %arg2: memref<2000x128xf32, #tpu.memory_space<vmem>>, %arg3: memref<2000x128xf32, #tpu.memory_space<vmem>>, %arg4: memref<1x128xf32, #tpu.memory_space<vmem>>, %arg5: memref<2000x128xf32, #tpu.memory_space<vmem>>) attributes {dimension_semantics = [#tpu.dimension_semantics<arbitrary>], iteration_bounds = array<i64: 5>, scalar_prefetch = 0 : i64, scratch_operands = 0 : i64, tpu.core_type = #tpu.core_type<tc>, window_params = [{transform_indices = @transform_0, window_bounds = array<i64: 2000, 128>}, {transform_indices = @transform_1, window_bounds = array<i64: 2000, 128>}, {transform_indices = @transform_2, window_bounds = array<i64: 2000, 128>}, {pipeline_mode = #tpu.pipeline_mode<synchronous>, transform_indices = @transform_3, window_bounds = array<i64: 1, 128>}, {transform_indices = @transform_4, window_bounds = array<i64: 2000, 128>}]} {
    %get3A = arith.constant 0 : index
    %get3A_0 = arith.constant 0 : index
    %get3A_1 = vector.load %arg1[%get3A, %get3A_0] : memref<2000x128xf32, #tpu.memory_space<vmem>>, vector<2000x128xf32>
    %get3A_2 = arith.constant 0 : index
    %get3A_3 = arith.constant 0 : index
    %get3A_4 = vector.load %arg2[%get3A_2, %get3A_3] : memref<2000x128xf32, #tpu.memory_space<vmem>>, vector<2000x128xf32>
    %add3A = arith.addf %get3A_1, %get3A_4 : vector<2000x128xf32>
    %get3A_5 = arith.constant 0 : index
    %get3A_6 = arith.constant 0 : index
    %get3A_7 = vector.load %arg3[%get3A_5, %get3A_6] : memref<2000x128xf32, #tpu.memory_space<vmem>>, vector<2000x128xf32>
    %add3A_8 = arith.addf %add3A, %get3A_7 : vector<2000x128xf32>
    %get3A_9 = arith.constant 0 : index
    %get3A_10 = arith.constant 0 : index
    %get3A_11 = vector.load %arg4[%get3A_9, %get3A_10] : memref<1x128xf32, #tpu.memory_space<vmem>>, vector<1x128xf32>
    %add3A_12 = vector.broadcast %get3A_11 : vector<1x128xf32> to vector<2000x128xf32>
    %add3A_13 = arith.addf %add3A_8, %add3A_12 : vector<2000x128xf32>
    %swap3A = arith.constant 0 : index
    %swap3A_14 = arith.constant 0 : index
    %swap3A_15 = vector.load %arg5[%swap3A, %swap3A_14] : memref<2000x128xf32, #tpu.memory_space<vmem>>, vector<2000x128xf32>
    tpu.vector_store %arg5[%swap3A, %swap3A_14], %add3A_13 {strides = array<i32>} : memref<2000x128xf32, #tpu.memory_space<vmem>>, vector<2000x128xf32>,
    return
  }
  func.func @transform_0(%arg0: i32) -> (i32, i32) {
    %c0_i32 = arith.constant 0 : i32
    %c0_i32_0 = arith.constant 0 : i32
    return %arg0, %c0_i32 : i32, i32
  }
  func.func @transform_1(%arg0: i32) -> (i32, i32) {
    %c0_i32 = arith.constant 0 : i32
    %c0_i32_0 = arith.constant 0 : i32
    return %arg0, %c0_i32 : i32, i32
  }
  func.func @transform_2(%arg0: i32) -> (i32, i32) {
    %c0_i32 = arith.constant 0 : i32
    %c0_i32_0 = arith.constant 0 : i32
    return %arg0, %c0_i32 : i32, i32
  }
  func.func @transform_3(%arg0: i32) -> (i32, i32) {
    %c0_i32 = arith.constant 0 : i32
    %c0_i32_0 = arith.constant 0 : i32
    %c0_i32_1 = arith.constant 0 : i32
    return %c0_i32, %c0_i32_0 : i32, i32
  }
  func.func @transform_4(%arg0: i32) -> (i32, i32) {
    %c0_i32 = arith.constant 0 : i32
    %c0_i32_0 = arith.constant 0 : i32
    return %arg0, %c0_i32 : i32, i32
  }
}

</mosaic_0001>

<sc_bundles>
// kernel: kernel.12.cloned.1.call-start
scs
__scs_entry_jumppad:
0x0: {  	(pc) =	sbr.rel $0x88, $3  }
0x1: {  	(tag) =	ssettag $0x0;
	lr =	simm.s32 $0x1  }
0x2: {  	[smem:$0x3F99] =	sst lr;
	_ =	strace $0xD0000000  }
0x3: {  	_ = 	snop  }
0x4: {  	_ = 	snop  }
0x5: {  	_ = 	snop  }
0x6: {  	_ = 	snop  }
0x7: {  	_ = 	snop  }
__scs_overlays_trampoline_lowered:
0x8: {  	[smem:$0x3FA8] =	sst s0  }
0x9: {  	[smem:$0x3FA9] =	sst s1  }
0xa: {  	[smem:$0x3FAA] =	sst s2  }
0xb: {  	[smem:$0x3FAB] =	sst s3  }
0xc: {  	[smem:$0x3FAC] =	sst s4  }
0xd: {  	[smem:$0x3FAD] =	sst s5  }
0xe: {  	[smem:$0x3FAE] =	sst s6  }
0xf: {  	[smem:$0x3FAF] =	sst s7  }
0x10: {  	[smem:$0x3FB0] =	sst s8  }
0x11: {  	[smem:$0x3FB1] =	sst s9;
	s0 =	simm.s32 @!p0 $0x0  }
0x12: {  	s1 =	sld [smem:$0x3F97];
	s0 =	simm.s32 @p0 $0x1  }
0x13: {  	[smem:$0x3FB2] =	sst s0;
	s0 =	simm.s32 @!p1 $0x0  }
0x14: {  	s2 =	sld [smem:$0x3F96];
	s0 =	simm.s32 @p1 $0x1  }
0x15: {  	[smem:$0x3FB3] =	sst s0;
	s0 =	simm.s32 @!p2 $0x0  }
0x16: {  	s3 =	sld [smem:$0x3FDB];
	s0 =	simm.s32 @p2 $0x1  }
0x17: {  	s4 =	simm.s32 $0x1BF5;
	[smem:$0x3FB5] =	sst s0  }
0x18: {  	s0 =	sld [smem:$0x3F98];
	_ =	swait.ge [sflag:s4], $0x0  }
0x19: {  	s7 =	sld [smem:$0x3F99]  }
0x1a: {  	s8 =	sadd.s32 $0xFFFFE003, lr  }
0x1b: {  	s9 =	sadd.s32 $0xFFFFFEF7, lr;
	s5 =	simm.s32 $0xFFFFFFFF;
	p2 =	slt.u32 s8, $0xFFFFF086  }
0x1c: {  	p1 =	slt.u32 s9, $0xF7A;
	s5 =	simm.s32 @!p2 $0x0  }
0x1d: {  	s5 =	simm.s32 @p1 $0x1;
	p0 =	seq.s32 s7, s2  }
0x1e: {  	s7 =	smul.u32 @!p0 $0xF7A, s2;
	p2 =	seq.s32 @!p0 s5, $0x0  }
0x1f: {  	s9 =	smul.u32 $0xF7A, s1;
	s8 =	simm.s32 @!p0 $0x1BF5;
	p2 =	por !p2, p0  }
0x20: {  	[sflag:s8] =	ssyncset.s32 @!p0 $0xFFFFF086;
	s6 =	sadd.s32 @!p0 s3, s7;
	s7 =	simm.s32 @!p0 $0x108  }
0x21: {  	s3 =	sadd.s32 s3, s9;
	s6 =	sadd.s32 @!p0 $0x88, s6;
	s7 =	simm.s32 @p2 $0x1082  }
0x22: {  	[simem:s7], [sflag:s8] =	dma.local @!p0 [hbm:s6], $0xF7A  }
0x23: {  	s9 =	sor.u32 $0xD0000000, s2;
	s6 =	simm.s32 $0x108;
	_ =	swait.ge @!p0 [sflag:s8], $0x0  }
0x24: {  	s3 =	sadd.s32 $0x88, s3;
	s6 =	simm.s32 @!p1 $0x1082;
	[sflag:s4] =	ssyncset.s32 $0xFFFFF086  }
0x25: {  	[simem:s6], [sflag:s4] =	dma.local [hbm:s3], $0xF7A  }
0x26: {  	[smem:$0x3F99] =	sst s1;
	(tag) =	ssettag s2;
	_ =	strace s9  }
0x27: {  	s1 =	sld [smem:$0x3FA9]  }
0x28: {  	s2 =	sld [smem:$0x3FAA]  }
0x29: {  	s4 =	sld [smem:$0x3FAC]  }
0x2a: {  	p0 =	seq.s32 s5, $0x0;
	s5 =	sld [smem:$0x3FAD]  }
0x2b: {  	s6 =	sld [smem:$0x3FAE]  }
0x2c: {  	s7 =	sld [smem:$0x3FAF]  }
0x2d: {  	s3 =	simm.s32 $0x108;
	s8 =	sld [smem:$0x3FB0]  }
0x2e: {  	s3 =	simm.s32 @!p0 $0x1082;
	s9 =	sld [smem:$0x3FB1]  }
0x2f: {  	lr =	sadd.s32 s0, s3;
	s0 =	sld [smem:$0x3FA8]  }
0x30: {  	s3 =	sld [smem:$0x3FAB]  }
0x31: {  	[smem:$0x3FB4] =	sst s10  }
0x32: {  	s10 =	sld [smem:$0x3FB2];
	_ =	sdelay $0x3  }
0x33: {  	p0 =	seq.s32 s10, $0x1;
	s10 =	sld [smem:$0x3FB4];
	_ =	sdelay $0x3  }
0x34: {  	[smem:$0x3FB4] =	sst s10  }
0x35: {  	s10 =	sld [smem:$0x3FB3];
	_ =	sdelay $0x3  }
0x36: {  	p1 =	seq.s32 s10, $0x1;
	s10 =	sld [smem:$0x3FB4];
	_ =	sdelay $0x3  }
0x37: {  	[smem:$0x3FB4] =	sst s10  }
0x38: {  	s10 =	sld [smem:$0x3FB5]  }
0x39: {  	_ = 	snop;
	(pc) =	sbr.ind lr, $3  }
0x3a: {  	_ = 	snop  }
0x3b: {  	_ = 	snop  }
0x3c: {  	p2 =	seq.s32 s10, $0x1;
	s10 =	sld [smem:$0x3FB4]  }
0x3d: {  	_ =	shalt  }
0x3e: {  	_ =	shalt  }
0x3f: {  	_ =	shalt  }
0x40: {  	_ =	shalt  }
0x41: {  	_ =	shalt  }
0x42: {  	_ =	shalt  }
0x43: {  	_ =	shalt  }
0x44: {  	_ =	shalt  }
0x45: {  	_ =	shalt  }
0x46: {  	_ =	shalt  }
0x47: {  	_ =	shalt  }
0x48: {  	_ =	shalt  }
0x49: {  	_ =	shalt  }
0x4a: {  	_ =	shalt  }
0x4b: {  	_ =	shalt  }
0x4c: {  	_ =	shalt  }
0x4d: {  	_ =	shalt  }
0x4e: {  	_ =	shalt  }
0x4f: {  	_ =	shalt  }
0x50: {  	_ =	shalt  }
0x51: {  	_ =	shalt  }
0x52: {  	_ =	shalt  }
0x53: {  	_ =	shalt  }
0x54: {  	_ =	shalt  }
0x55: {  	_ =	shalt  }
0x56: {  	_ =	shalt  }
0x57: {  	_ =	shalt  }
0x58: {  	_ =	shalt  }
0x59: {  	_ =	shalt  }
0x5a: {  	_ =	shalt  }
0x5b: {  	_ =	shalt  }
0x5c: {  	_ =	shalt  }
0x5d: {  	_ =	shalt  }
0x5e: {  	_ =	shalt  }
0x5f: {  	_ =	shalt  }
0x60: {  	_ =	shalt  }
0x61: {  	_ =	shalt  }
0x62: {  	_ =	shalt  }
0x63: {  	_ =	shalt  }
0x64: {  	_ =	shalt  }
0x65: {  	_ =	shalt  }
0x66: {  	_ =	shalt  }
0x67: {  	_ =	shalt  }
0x68: {  	_ =	shalt  }
0x69: {  	_ =	shalt  }
0x6a: {  	_ =	shalt  }
0x6b: {  	_ =	shalt  }
0x6c: {  	_ =	shalt  }
0x6d: {  	_ =	shalt  }
0x6e: {  	_ =	shalt  }
0x6f: {  	_ =	shalt  }
0x70: {  	_ =	shalt  }
0x71: {  	_ =	shalt  }
0x72: {  	_ =	shalt  }
0x73: {  	_ =	shalt  }
0x74: {  	_ =	shalt  }
0x75: {  	_ =	shalt  }
0x76: {  	_ =	shalt  }
0x77: {  	_ =	shalt  }
0x78: {  	_ =	shalt  }
0x79: {  	_ =	shalt  }
0x7a: {  	_ =	shalt  }
0x7b: {  	_ =	shalt  }
0x7c: {  	_ =	shalt  }
0x7d: {  	_ =	shalt  }
0x7e: {  	_ =	shalt  }
0x7f: {  	_ =	shalt  }
0x80: {  	_ =	shalt  }
0x81: {  	_ =	shalt  }
0x82: {  	_ =	shalt  }
0x83: {  	_ =	shalt  }
0x84: {  	_ =	shalt  }
0x85: {  	_ =	shalt  }
0x86: {  	_ =	shalt  }
0x87: {  	_ =	shalt  }
.Lfunc_end0:
.L_simem_size_0:
called_computation_lowered:
.L_overlay_start_0:
0x88: {  	s2 =	sld [smem:$0x3FD9]  }
0x89: {  	s3 =	sld [smem:$0x3FFE];
	_ =	sdelay $0x1  }
0x8a: {  	s1 =	srdreg.scid  }
0x8b: {  	s0 =	sand.u32 $0x1, s1  }
0x8c: {  	s17 =	sshll.u32 s0, $0xA;
	s2 =	sadd.s32 s3, s2  }
0x8d: {  	s2 =	sadd.s32 s2, s17  }
0x8e: {  	[smem:$0x3FC0] =	sst s2  }
0x8f: {  	_ = 	snop  }
0x90: {  	s2 =	sld [smem:$0x3FD0];
	(tm) =	ssettm $0x1  }
0x91: {  	s18 =	sld [smem:$0x3FFB];
	_ =	sdelay $0x3  }
0x92: {  	_ =	strace s18  }
0x93: {  	s3 =	sld [smem:$0x3FFC];
	_ =	sdelay $0x3  }
0x94: {  	_ =	strace s3  }
0x95: {  	s3 =	sld [smem:$0x3FFD];
	_ =	sdelay $0x3  }
0x96: {  	_ =	strace s3  }
0x97: {  	_ =	strace $0x8FFFFFFF  }
0x98: {  	s19 =	sld [smem:$0x3FDB];
	_ =	sdelay $0x1  }
0x99: {  	s4 =	simm.s32 $_scs_section_size  }
0x9a: {  	s5 =	simm.s32 $_size__tile_overlayer_lowered;
	s6 =	simm.s32 $_tile_overlayer_lowered  }
0x9b: {  	s22 =	simm.s32 $0x1BFF;
	s21 =	sshll.u32 s6, $0x1;
	s3 =	sadd.s32 s4, s19  }
0x9c: {  	s7 =	simm.s32 $0x0;
	s20 =	sshll.u32 s5, $0x1;
	s5 =	sadd.s32 s21, s3  }
0x9d: {  	[timem:s7], [sflag:s22] =	dma.local [hbm:s5], s20  }
0x9e: {  	_ =	swait.ge [sflag:s22], s20  }
0x9f: {  	s4 =	ssub.s32 $0x0, s20;
	[sflag:s22] =	ssyncset.done $0x0  }
0xa0: {  	[sflag:s22] =	ssyncadd.s32 s4;
	_ =	sdelay $0x1  }
0xa1: {  	s23 =	simm.s32 $0x1B8B  }
0xa2: {  	_ =	swait.ge [sflag:s23], $0x1  }
0xa3: {  	[sflag:s23] =	ssyncset.done $0x0  }
0xa4: {  	s25 =	simm.s32 $0x1B8E;
	s24 =	sld [smem:$0x3FFE];
	[sflag:s23] =	ssyncadd.s32 $0xFFFFFFFF  }
0xa5: {  	s26 =	simm.s32 $execute0_lowered;
	[smem:$0x3FD2] =	sst s25  }
0xa6: {  	s5 =	sshll.u32 s26, $0x1;
	_ =	strace $0x80000046;
	[dreg:$0x1] =	wrdreg $0xFFFFFFFF  }
0xa7: {  	s28 =	simm.s32 $_size_execute0_lowered;
	s3 =	sadd.s32 s3, s5;
	[dreg:$0x0] =	wrdreg $0x0  }
0xa8: {  	s5 =	sshll.u32 s28, $0x1;
	[dreg:$0x2] =	wrdreg s3  }
0xa9: {  	[dreg:$0x3] =	wrdreg s5  }
0xaa: {  	[dreg:$0x4] =	wrdreg $0xC0  }
0xab: {  	_ =	task [dreg:s7], $0x5FFFF  }
0xac: {  	[dreg:$0x1] =	wrdreg $0xFFFFFFFF  }
0xad: {  	[dreg:$0x0] =	wrdreg $0x60  }
0xae: {  	[dreg:$0x2] =	wrdreg s2  }
0xaf: {  	[dreg:$0x3] =	wrdreg s24  }
0xb0: {  	[dreg:$0x4] =	wrdreg $0xA8000  }
0xb1: {  	[dreg:$0x5] =	wrdreg $0x9  }
0xb2: {  	_ =	task.clear_ibuf [dreg:s7], $0x6FFFF;
	_ =	strace $0x90000046  }
0xb3: {  	s29 =	simm.s32 $0x9;
	_ =	strace $0x80000048  }
0xb4: {  	_ =	swait.ge [sflag:s29], $0x1  }
0xb5: {  	[sflag:s29] =	ssyncadd.s32 $0xFFFFFFFF  }
0xb6: {  	_ =	strace $0x90000048  }
0xb7: {  	_ =	sfence  }
0xb8: {  	s30 =	sld [smem:$0x0];
	_ =	sdelay $0x2  }
0xb9: {  	s31 =	sshll.u32 s1, $0xD;
	s1 =	sshrl.u32 s1, $0x2  }
0xba: {  	s3 =	sand.u32 $0x4000, s31;
	s1 =	sadd.s32 s1, s30  }
0xbb: {  	s0 =	sor.u32 s3, s0;
	s1 =	sshll.u32 s1, $0x11  }
0xbc: {  	s0 =	sor.u32 s1, s0  }
0xbd: {  	s0 =	sadd.s32 $0x8F2B, s0  }
0xbe: {  	[sflag:s0] =	ssyncadd.remote.s32 $0x1  }
0xbf: {  	_ =	sfence.sel $0xFFFF  }
0xc0: {  	[dreg:$0x0] =	wrdreg $0xFFFFFFFF;
	(pc) =	sbr.abs _section_cstart, $3  }
0xc1: {  	[dreg:$0x1] =	wrdreg $0xFFFFFFFF  }
0xc2: {  	_ =	task.clear_ibuf [dreg:s7], $0x2FFFF;
	_ =	strace $0x9FFFFFFF  }
0xc3: {  	(tm) =	ssettm $0x7FFFFFFF  }
tec
execute0_lowered:
.L_overlay_start_1:
0x0: {  	(tag) =	ssettag $0x1  }
0x1: {  	s1 =	rddreg [dreg:$0x0]  }
0x2: {  	s6 =	rddreg [dreg:$0x1]  }
0x3: {  	s2 =	rddreg [dreg:$0x2];
	s3 =	srdreg.scid  }
0x4: {  	s0 =	rddreg [dreg:$0x3];
	s4 =	simm.s32 $0x0;
	s15 =	simm.s32 $0x1400  }
0x5: {  	s16 =	simm.s32 $0x80;
	s17 =	simm.s32 $0x2800;
	s18 =	simm.s32 $0x1  }
0x6: {  	s19 =	simm.s32 $0x6800;
	s20 =	simm.s32 $0x2;
	s21 =	simm.s32 $0x1380  }
0x7: {  	s22 =	simm.s32 $0x2700;
	s5 =	sand.u32 $0x1, s3;
	s3 =	stileid.u32  }
0x8: {  	[smem:$0x7FF] =	sst s4;
	s9 =	sadd.s32 $0xDE00, s6;
	s7 =	smul.u32 $0x13C000, s5  }
0x9: {  	s10 =	sadd.s32 $0x3E00, s6;
	s8 =	smul.u32 $0x13C00, s3;
	_ =	strace $0x80000047  }
0xa: {  	s23 =	sshll.u32 s5, $0x4;
	s11 =	ssub.s32 $0x2, s5;
	s25 =	smul.u32 $0x4F000, s3  }
0xb: {  	s5 =	sadd.s32 $0x17E00, s6;
	s28 =	sshll.u32 s3, $0x6;
	s24 =	sor.u32 s3, s23  }
0xc: {  	s12 =	sshrl.u32 s11, $0x1;
	s23 =	simm.s32 $0x2780;
	s7 =	sadd.s32 s8, s7  }
0xd: {  	s13 =	smul.u32 $0x2800, s24;
	s12 =	ssub.s32 s11, s12;
	s26 =	sshrl.u32 s25, $0x2  }
0xe: {  	s24 =	simm.s32 $0x0;
	s7 =	sshrl.u32 s7, $0x3;
	s30 =	sadd.s32 s26, s2  }
0xf: {  	s12 =	smax.u32 s12, $0x1;
	s14 =	sadd.s32 s7, s6;
	s29 =	sshrl.u32 s13, $0x3  }
0x10: {  	s6 =	sor.u32 $0x1C03, s28;
	s13 =	sshrl.u32 s30, $0x3;
	s31 =	sadd.s32 $0x280, s29  }
0x11: {  	s7 =	sadd.s32 s9, s29;
	s8 =	sadd.s32 s10, s29;
	s11 =	sadd.s32 $0x1A600, s14  }
0x12: {  	s14 =	simm.s32 $0x3;
	s9 =	sadd.s32 s9, s31;
	s10 =	sadd.s32 s10, s31  }
.LBB2_1:
0x13: {  	[spmem:s13], [sflag:s6] =	dma.local [hbm:s5], $0x2780  }
0x14: {  	_ =	swait.ge [sflag:s14], $0x2780  }
0x15: {  	[sflag:s14] =	ssyncset.done $0x0  }
0x16: {  	[sflag:s14] =	ssyncadd.s32 $0xFFFFD880  }
0x17: {  	[tilespmem:s4], [sflag:$0x3] =	stream.linear.gather [hbm4b:s7+s4], $0x1400, $0x38;
	[tilespmem:$0x1E400] =	vst v63  }
0x18: {  	_ =	swait.ge [sflag:s14], $0x1400  }
0x19: {  	[sflag:s14] =	ssyncset.done $0x0  }
0x1a: {  	[sflag:s14] =	ssyncadd.s32 $0xFFFFEC00  }
0x1b: {  	[tilespmem:s15], [sflag:$0x3] =	stream.linear.gather [hbm4b:s8+s4], $0x1400, $0x38;
	[tilespmem:$0x1E400] =	vst v63  }
0x1c: {  	_ =	swait.ge [sflag:s14], $0x1400  }
0x1d: {  	[sflag:s14] =	ssyncset.done $0x0  }
0x1e: {  	[sflag:s14] =	ssyncadd.s32 $0xFFFFEC00  }
0x1f: {  	[bflag:$0x0] =	sbarrier.arrive $0xFFFF  }
0x20: {  	[tilespmem:s17], [sflag:$0x1] =	stream.indirect.gather [hbm4b:s1+s16], $0x80, s4, s16, $0xb8;
	[tilespmem:$0x1E400] =	vst v63  }
0x21: {  	_ =	swait.ge [sflag:s18], $0x4000  }
0x22: {  	[sflag:s18] =	ssyncset.done $0x0  }
0x23: {  	s25 =	simm.s32 $0x80;
	[sflag:s18] =	ssyncadd.s32 $0xFFFFC000  }
0x24: {  	[tilespmem:s19], [sflag:$0x2] =	stream.indirect.gather [hbm4b:s1+s16], $0x80, s25, s16, $0xb8;
	[tilespmem:$0x1E400] =	vst v63  }
0x25: {  	s29 =	simm.s32 $0x1400  }
0x26: {  	[spmem:s2] =	stream.indirect.scatter.add.f32 [tilespmem:s17], [sflag:$0x3], $0x80, s29, s16, $0xb8;
	[tilespmem:$0x1E400] =	vst v63  }
0x27: {  	_ =	swait.ge [sflag:s14], $0x4000  }
0x28: {  	[sflag:s14] =	ssyncset.done $0x0  }
0x29: {  	[sflag:s14] =	ssyncadd.s32 $0xFFFFC000  }
0x2a: {  	_ =	swait.ge [sflag:s20], $0x4000  }
0x2b: {  	[sflag:s20] =	ssyncset.done $0x0  }
0x2c: {  	s30 =	simm.s32 $0x100;
	[sflag:s20] =	ssyncadd.s32 $0xFFFFC000  }
0x2d: {  	[tilespmem:s17], [sflag:$0x1] =	stream.indirect.gather [hbm4b:s1+s16], $0x80, s30, s16, $0xb8;
	[tilespmem:$0x1E400] =	vst v63  }
0x2e: {  	s31 =	simm.s32 $0x1480  }
0x2f: {  	[spmem:s2] =	stream.indirect.scatter.add.f32 [tilespmem:s19], [sflag:$0x3], $0x80, s31, s16, $0xb8;
	[tilespmem:$0x1E400] =	vst v63  }
0x30: {  	_ =	swait.ge [sflag:s14], $0x4000  }
0x31: {  	s25 =	simm.s32 $0x400;
	[sflag:s14] =	ssyncset.done $0x0  }
.LBB2_2:
0x32: {  	p0 =	sne.s32 s25, $0x4800  }
0x33: {  	[sflag:s14] =	ssyncadd.s32 $0xFFFFC000;
	s26 =	smov.u32 s25;
	s25 =	sadd.s32 $0x400, s25  }
0x34: {  	_ = 	snop  }
0x35: {  	_ =	swait.ge [sflag:s18], $0x4000  }
0x36: {  	s26 =	sshra.s32 s26, $0x2;
	[sflag:s18] =	ssyncset.done $0x0  }
0x37: {  	s28 =	sadd.s32 $0x80, s26;
	[sflag:s18] =	ssyncadd.s32 $0xFFFFC000  }
0x38: {  	[tilespmem:s19], [sflag:$0x2] =	stream.indirect.gather [hbm4b:s1+s16], $0x80, s28, s16, $0xb8;
	[tilespmem:$0x1E400] =	vst v63  }
0x39: {  	s28 =	sadd.s32 $0x1400, s26  }
0x3a: {  	[spmem:s2] =	stream.indirect.scatter.add.f32 [tilespmem:s17], [sflag:$0x3], $0x80, s28, s16, $0xb8;
	[tilespmem:$0x1E400] =	vst v63  }
0x3b: {  	_ =	swait.ge [sflag:s14], $0x4000  }
0x3c: {  	[sflag:s14] =	ssyncset.done $0x0  }
0x3d: {  	[sflag:s14] =	ssyncadd.s32 $0xFFFFC000  }
0x3e: {  	_ =	swait.ge [sflag:s20], $0x4000  }
0x3f: {  	[sflag:s20] =	ssyncset.done $0x0  }
0x40: {  	s28 =	sadd.s32 $0x100, s26;
	[sflag:s20] =	ssyncadd.s32 $0xFFFFC000  }
0x41: {  	[tilespmem:s17], [sflag:$0x1] =	stream.indirect.gather [hbm4b:s1+s16], $0x80, s28, s16, $0xb8;
	[tilespmem:$0x1E400] =	vst v63  }
.Ltmp0:
0x42: {  	_ = 	snop;
	(pc) =	sbr.rel @p0 .LBB2_2-.Ltmp0, $4  }
0x43: {  	s26 =	sadd.s32 $0x1480, s26  }
0x44: {  	[spmem:s2] =	stream.indirect.scatter.add.f32 [tilespmem:s19], [sflag:$0x3], $0x80, s26, s16, $0xb8;
	[tilespmem:$0x1E400] =	vst v63  }
0x45: {  	_ =	swait.ge [sflag:s14], $0x4000  }
0x46: {  	[sflag:s14] =	ssyncset.done $0x0  }
0x47: {  	[sflag:s14] =	ssyncadd.s32 $0xFFFFC000  }
0x48: {  	_ =	swait.ge [sflag:s18], $0x4000  }
0x49: {  	[sflag:s18] =	ssyncset.done $0x0  }
0x4a: {  	[sflag:s18] =	ssyncadd.s32 $0xFFFFC000  }
0x4b: {  	[tilespmem:s19], [sflag:$0x2] =	stream.indirect.gather [hbm4b:s1+s16], $0x80, s21, s16, $0xb8;
	[tilespmem:$0x1E400] =	vst v63  }
0x4c: {  	_ = 	snop  }
0x4d: {  	[spmem:s2] =	stream.indirect.scatter.add.f32 [tilespmem:s17], [sflag:$0x3], $0x80, s22, s16, $0xb8;
	[tilespmem:$0x1E400] =	vst v63  }
0x4e: {  	_ =	swait.ge [sflag:s14], $0x4000  }
0x4f: {  	[sflag:s14] =	ssyncset.done $0x0  }
0x50: {  	[sflag:s14] =	ssyncadd.s32 $0xFFFFC000  }
0x51: {  	_ =	swait.ge [sflag:s20], $0x4000  }
0x52: {  	[sflag:s20] =	ssyncset.done $0x0  }
0x53: {  	[sflag:s20] =	ssyncadd.s32 $0xFFFFC000  }
0x54: {  	[spmem:s2] =	stream.indirect.scatter.add.f32 [tilespmem:s19], [sflag:$0x3], $0x80, s23, s16, $0xb8;
	[tilespmem:$0x1E400] =	vst v63  }
0x55: {  	_ =	swait.ge [sflag:s14], $0x4000  }
0x56: {  	[sflag:s14] =	ssyncset.done $0x0  }
0x57: {  	s25 =	simm.s32 $0x0;
	[sflag:s14] =	ssyncadd.s32 $0xFFFFC000  }
0x58: {  	[tilespmem:s25], [sflag:$0x3] =	stream.linear.gather [hbm4b:s9+s25], $0x1400, $0x38;
	[tilespmem:$0x1E400] =	vst v63  }
0x59: {  	_ =	swait.ge [sflag:s14], $0x1400  }
0x5a: {  	[sflag:s14] =	ssyncset.done $0x0  }
0x5b: {  	[sflag:s14] =	ssyncadd.s32 $0xFFFFEC00  }
0x5c: {  	[tilespmem:s15], [sflag:$0x3] =	stream.linear.gather [hbm4b:s10+s25], $0x1400, $0x38;
	[tilespmem:$0x1E400] =	vst v63  }
0x5d: {  	_ =	swait.ge [sflag:s14], $0x1400  }
0x5e: {  	[sflag:s14] =	ssyncset.done $0x0  }
0x5f: {  	[sflag:s14] =	ssyncadd.s32 $0xFFFFEC00  }
0x60: {  	[tilespmem:s17], [sflag:$0x1] =	stream.indirect.gather [hbm4b:s1+s16], $0x80, s25, s16, $0xb8;
	[tilespmem:$0x1E400] =	vst v63  }
0x61: {  	_ =	swait.ge [sflag:s18], $0x4000  }
0x62: {  	[sflag:s18] =	ssyncset.done $0x0  }
0x63: {  	s28 =	simm.s32 $0x80;
	[sflag:s18] =	ssyncadd.s32 $0xFFFFC000  }
0x64: {  	[tilespmem:s19], [sflag:$0x2] =	stream.indirect.gather [hbm4b:s1+s16], $0x80, s28, s16, $0xb8;
	[tilespmem:$0x1E400] =	vst v63  }
0x65: {  	s29 =	simm.s32 $0x1400  }
0x66: {  	[spmem:s2] =	stream.indirect.scatter.add.f32 [tilespmem:s17], [sflag:$0x3], $0x80, s29, s16, $0xb8;
	[tilespmem:$0x1E400] =	vst v63  }
0x67: {  	_ =	swait.ge [sflag:s14], $0x4000  }
0x68: {  	[sflag:s14] =	ssyncset.done $0x0  }
0x69: {  	[sflag:s14] =	ssyncadd.s32 $0xFFFFC000  }
0x6a: {  	_ =	swait.ge [sflag:s20], $0x4000  }
0x6b: {  	[sflag:s20] =	ssyncset.done $0x0  }
0x6c: {  	s30 =	simm.s32 $0x100;
	[sflag:s20] =	ssyncadd.s32 $0xFFFFC000  }
0x6d: {  	[tilespmem:s17], [sflag:$0x1] =	stream.indirect.gather [hbm4b:s1+s16], $0x80, s30, s16, $0xb8;
	[tilespmem:$0x1E400] =	vst v63  }
0x6e: {  	s31 =	simm.s32 $0x1480  }
0x6f: {  	[spmem:s2] =	stream.indirect.scatter.add.f32 [tilespmem:s19], [sflag:$0x3], $0x80, s31, s16, $0xb8;
	[tilespmem:$0x1E400] =	vst v63  }
0x70: {  	_ =	swait.ge [sflag:s14], $0x4000  }
0x71: {  	s25 =	simm.s32 $0x400;
	[sflag:s14] =	ssyncset.done $0x0  }
.LBB2_4:
0x72: {  	p0 =	sne.s32 s25, $0x4800  }
0x73: {  	[sflag:s14] =	ssyncadd.s32 $0xFFFFC000;
	s26 =	smov.u32 s25;
	s25 =	sadd.s32 $0x400, s25  }
0x74: {  	_ = 	snop  }
0x75: {  	_ =	swait.ge [sflag:s18], $0x4000  }
0x76: {  	s26 =	sshra.s32 s26, $0x2;
	[sflag:s18] =	ssyncset.done $0x0  }
0x77: {  	s28 =	sadd.s32 $0x80, s26;
	[sflag:s18] =	ssyncadd.s32 $0xFFFFC000  }
0x78: {  	[tilespmem:s19], [sflag:$0x2] =	stream.indirect.gather [hbm4b:s1+s16], $0x80, s28, s16, $0xb8;
	[tilespmem:$0x1E400] =	vst v63  }
0x79: {  	s28 =	sadd.s32 $0x1400, s26  }
0x7a: {  	[spmem:s2] =	stream.indirect.scatter.add.f32 [tilespmem:s17], [sflag:$0x3], $0x80, s28, s16, $0xb8;
	[tilespmem:$0x1E400] =	vst v63  }
0x7b: {  	_ =	swait.ge [sflag:s14], $0x4000  }
0x7c: {  	[sflag:s14] =	ssyncset.done $0x0  }
0x7d: {  	[sflag:s14] =	ssyncadd.s32 $0xFFFFC000  }
0x7e: {  	_ =	swait.ge [sflag:s20], $0x4000  }
0x7f: {  	[sflag:s20] =	ssyncset.done $0x0  }
0x80: {  	s28 =	sadd.s32 $0x100, s26;
	[sflag:s20] =	ssyncadd.s32 $0xFFFFC000  }
0x81: {  	[tilespmem:s17], [sflag:$0x1] =	stream.indirect.gather [hbm4b:s1+s16], $0x80, s28, s16, $0xb8;
	[tilespmem:$0x1E400] =	vst v63  }
.Ltmp1:
0x82: {  	_ = 	snop;
	(pc) =	sbr.rel @p0 .LBB2_4-.Ltmp1, $4  }
0x83: {  	s26 =	sadd.s32 $0x1480, s26  }
0x84: {  	[spmem:s2] =	stream.indirect.scatter.add.f32 [tilespmem:s19], [sflag:$0x3], $0x80, s26, s16, $0xb8;
	[tilespmem:$0x1E400] =	vst v63  }
0x85: {  	_ =	swait.ge [sflag:s14], $0x4000  }
0x86: {  	[sflag:s14] =	ssyncset.done $0x0  }
0x87: {  	[sflag:s14] =	ssyncadd.s32 $0xFFFFC000  }
0x88: {  	_ =	swait.ge [sflag:s18], $0x4000  }
0x89: {  	[sflag:s18] =	ssyncset.done $0x0  }
0x8a: {  	[sflag:s18] =	ssyncadd.s32 $0xFFFFC000  }
0x8b: {  	[tilespmem:s19], [sflag:$0x2] =	stream.indirect.gather [hbm4b:s1+s16], $0x80, s21, s16, $0xb8;
	[tilespmem:$0x1E400] =	vst v63  }
0x8c: {  	_ = 	snop  }
0x8d: {  	[spmem:s2] =	stream.indirect.scatter.add.f32 [tilespmem:s17], [sflag:$0x3], $0x80, s22, s16, $0xb8;
	[tilespmem:$0x1E400] =	vst v63  }
0x8e: {  	_ =	swait.ge [sflag:s14], $0x4000  }
0x8f: {  	[sflag:s14] =	ssyncset.done $0x0  }
0x90: {  	[sflag:s14] =	ssyncadd.s32 $0xFFFFC000  }
0x91: {  	_ =	swait.ge [sflag:s20], $0x4000  }
0x92: {  	[sflag:s20] =	ssyncset.done $0x0  }
0x93: {  	[sflag:s20] =	ssyncadd.s32 $0xFFFFC000  }
0x94: {  	[spmem:s2] =	stream.indirect.scatter.add.f32 [tilespmem:s19], [sflag:$0x3], $0x80, s23, s16, $0xb8;
	[tilespmem:$0x1E400] =	vst v63  }
0x95: {  	_ =	swait.ge [sflag:s14], $0x4000  }
0x96: {  	s24 =	sadd.s32 $0x1, s24;
	[sflag:s14] =	ssyncset.done $0x0  }
0x97: {  	p0 =	sne.s32 s24, s12;
	[sflag:s14] =	ssyncadd.s32 $0xFFFFC000  }
.Ltmp2:
0x98: {  	[bflag:$0x0] =	sbarrier.arrive $0xFFFF;
	(pc) =	sbr.rel @p0 .LBB2_1-.Ltmp2, $4  }
0x99: {  	[hbm:s11], [sflag:s6] =	dma.local [spmem:s13], $0x2780  }
0x9a: {  	_ =	swait.ge [sflag:s14], $0x2780  }
0x9b: {  	[sflag:s14] =	ssyncset.done $0x0  }
0x9c: {  	[sflag:s14] =	ssyncadd.s32 $0xFFFFD880  }
0x9d: {  	_ =	sfence.sel $0x180000  }
0x9e: {  	[bflag:$0x0] =	sbarrier.arrive $0xFFFF  }
0x9f: {  	p0 =	sne.s32 s3, $0x0;
	_ =	strace $0x90000047  }
0xa0: {  	s0 =	sadd.s32 @!p0 $0x100000, s0;
	[bflag:$0x2] =	sbarrier.arrive $0xFFFF  }
0xa1: {  	[sflag:s0] =	ssyncadd.tile.s32 @!p0 $0x1;
	_ =	shalt  }
.Lfunc_end2:
_tile_overlayer_lowered:
.L_overlay_start_2:
0xa2: {  	(tag) =	ssettag $0x2  }
0xa3: {  	s0 =	rddreg [dreg:$0x0];
	s2 =	stileid.u32  }
0xa4: {  	s1 =	rddreg [dreg:$0x1];
	p0 =	sne.s32 s2, $0x0  }
0xa5: {  	s3 =	rddreg [dreg:$0x2];
	[bflag:$0x3] =	sbarrier.arrive $0xFFFF;
	s2 =	simm.s32 @!p0 $0x1C03  }
0xa6: {  	[timem:s3], [sflag:s2] =	dma.local @!p0 [hbm:s0], s1  }
0xa7: {  	s0 =	simm.s32 @!p0 $0x3  }
0xa8: {  	_ =	swait.ge @!p0 [sflag:s0], s1  }
0xa9: {  	s1 =	ssub.s32 @!p0 $0x0, s1;
	[sflag:s0] =	ssyncset.done @!p0 $0x0  }
0xaa: {  	[sflag:s0] =	ssyncadd.s32 @!p0 s1  }
0xab: {  	[bflag:$0x3] =	sbarrier.arrive $0xFFFF  }
0xac: {  	_ =	shalt  }

// kernel: kernel.15.cloned.1.call-start
scs
__scs_entry_jumppad:
0x0: {  	(pc) =	sbr.rel $0x88, $3  }
0x1: {  	(tag) =	ssettag $0x0;
	lr =	simm.s32 $0x1  }
0x2: {  	[smem:$0x3F99] =	sst lr;
	_ =	strace $0xD0000000  }
0x3: {  	_ = 	snop  }
0x4: {  	_ = 	snop  }
0x5: {  	_ = 	snop  }
0x6: {  	_ = 	snop  }
0x7: {  	_ = 	snop  }
__scs_overlays_trampoline_lowered:
0x8: {  	[smem:$0x3FA8] =	sst s0  }
0x9: {  	[smem:$0x3FA9] =	sst s1  }
0xa: {  	[smem:$0x3FAA] =	sst s2  }
0xb: {  	[smem:$0x3FAB] =	sst s3  }
0xc: {  	[smem:$0x3FAC] =	sst s4  }
0xd: {  	[smem:$0x3FAD] =	sst s5  }
0xe: {  	[smem:$0x3FAE] =	sst s6  }
0xf: {  	[smem:$0x3FAF] =	sst s7  }
0x10: {  	[smem:$0x3FB0] =	sst s8  }
0x11: {  	[smem:$0x3FB1] =	sst s9;
	s0 =	simm.s32 @!p0 $0x0  }
0x12: {  	s1 =	sld [smem:$0x3F97];
	s0 =	simm.s32 @p0 $0x1  }
0x13: {  	[smem:$0x3FB2] =	sst s0;
	s0 =	simm.s32 @!p1 $0x0  }
0x14: {  	s2 =	sld [smem:$0x3F96];
	s0 =	simm.s32 @p1 $0x1  }
0x15: {  	[smem:$0x3FB3] =	sst s0;
	s0 =	simm.s32 @!p2 $0x0  }
0x16: {  	s3 =	sld [smem:$0x3FDB];
	s0 =	simm.s32 @p2 $0x1  }
0x17: {  	s4 =	simm.s32 $0x1BF5;
	[smem:$0x3FB5] =	sst s0  }
0x18: {  	s0 =	sld [smem:$0x3F98];
	_ =	swait.ge [sflag:s4], $0x0  }
0x19: {  	s7 =	sld [smem:$0x3F99]  }
0x1a: {  	s8 =	sadd.s32 $0xFFFFE003, lr  }
0x1b: {  	s9 =	sadd.s32 $0xFFFFFEF7, lr;
	s5 =	simm.s32 $0xFFFFFFFF;
	p2 =	slt.u32 s8, $0xFFFFF086  }
0x1c: {  	p1 =	slt.u32 s9, $0xF7A;
	s5 =	simm.s32 @!p2 $0x0  }
0x1d: {  	s5 =	simm.s32 @p1 $0x1;
	p0 =	seq.s32 s7, s2  }
0x1e: {  	s7 =	smul.u32 @!p0 $0xF7A, s2;
	p2 =	seq.s32 @!p0 s5, $0x0  }
0x1f: {  	s9 =	smul.u32 $0xF7A, s1;
	s8 =	simm.s32 @!p0 $0x1BF5;
	p2 =	por !p2, p0  }
0x20: {  	[sflag:s8] =	ssyncset.s32 @!p0 $0xFFFFF086;
	s6 =	sadd.s32 @!p0 s3, s7;
	s7 =	simm.s32 @!p0 $0x108  }
0x21: {  	s3 =	sadd.s32 s3, s9;
	s6 =	sadd.s32 @!p0 $0x88, s6;
	s7 =	simm.s32 @p2 $0x1082  }
0x22: {  	[simem:s7], [sflag:s8] =	dma.local @!p0 [hbm:s6], $0xF7A  }
0x23: {  	s9 =	sor.u32 $0xD0000000, s2;
	s6 =	simm.s32 $0x108;
	_ =	swait.ge @!p0 [sflag:s8], $0x0  }
0x24: {  	s3 =	sadd.s32 $0x88, s3;
	s6 =	simm.s32 @!p1 $0x1082;
	[sflag:s4] =	ssyncset.s32 $0xFFFFF086  }
0x25: {  	[simem:s6], [sflag:s4] =	dma.local [hbm:s3], $0xF7A  }
0x26: {  	[smem:$0x3F99] =	sst s1;
	(tag) =	ssettag s2;
	_ =	strace s9  }
0x27: {  	s1 =	sld [smem:$0x3FA9]  }
0x28: {  	s2 =	sld [smem:$0x3FAA]  }
0x29: {  	s4 =	sld [smem:$0x3FAC]  }
0x2a: {  	p0 =	seq.s32 s5, $0x0;
	s5 =	sld [smem:$0x3FAD]  }
0x2b: {  	s6 =	sld [smem:$0x3FAE]  }
0x2c: {  	s7 =	sld [smem:$0x3FAF]  }
0x2d: {  	s3 =	simm.s32 $0x108;
	s8 =	sld [smem:$0x3FB0]  }
0x2e: {  	s3 =	simm.s32 @!p0 $0x1082;
	s9 =	sld [smem:$0x3FB1]  }
0x2f: {  	lr =	sadd.s32 s0, s3;
	s0 =	sld [smem:$0x3FA8]  }
0x30: {  	s3 =	sld [smem:$0x3FAB]  }
0x31: {  	[smem:$0x3FB4] =	sst s10  }
0x32: {  	s10 =	sld [smem:$0x3FB2];
	_ =	sdelay $0x3  }
0x33: {  	p0 =	seq.s32 s10, $0x1;
	s10 =	sld [smem:$0x3FB4];
	_ =	sdelay $0x3  }
0x34: {  	[smem:$0x3FB4] =	sst s10  }
0x35: {  	s10 =	sld [smem:$0x3FB3];
	_ =	sdelay $0x3  }
0x36: {  	p1 =	seq.s32 s10, $0x1;
	s10 =	sld [smem:$0x3FB4];
	_ =	sdelay $0x3  }
0x37: {  	[smem:$0x3FB4] =	sst s10  }
0x38: {  	s10 =	sld [smem:$0x3FB5]  }
0x39: {  	_ = 	snop;
	(pc) =	sbr.ind lr, $3  }
0x3a: {  	_ = 	snop  }
0x3b: {  	_ = 	snop  }
0x3c: {  	p2 =	seq.s32 s10, $0x1;
	s10 =	sld [smem:$0x3FB4]  }
0x3d: {  	_ =	shalt  }
0x3e: {  	_ =	shalt  }
0x3f: {  	_ =	shalt  }
0x40: {  	_ =	shalt  }
0x41: {  	_ =	shalt  }
0x42: {  	_ =	shalt  }
0x43: {  	_ =	shalt  }
0x44: {  	_ =	shalt  }
0x45: {  	_ =	shalt  }
0x46: {  	_ =	shalt  }
0x47: {  	_ =	shalt  }
0x48: {  	_ =	shalt  }
0x49: {  	_ =	shalt  }
0x4a: {  	_ =	shalt  }
0x4b: {  	_ =	shalt  }
0x4c: {  	_ =	shalt  }
0x4d: {  	_ =	shalt  }
0x4e: {  	_ =	shalt  }
0x4f: {  	_ =	shalt  }
0x50: {  	_ =	shalt  }
0x51: {  	_ =	shalt  }
0x52: {  	_ =	shalt  }
0x53: {  	_ =	shalt  }
0x54: {  	_ =	shalt  }
0x55: {  	_ =	shalt  }
0x56: {  	_ =	shalt  }
0x57: {  	_ =	shalt  }
0x58: {  	_ =	shalt  }
0x59: {  	_ =	shalt  }
0x5a: {  	_ =	shalt  }
0x5b: {  	_ =	shalt  }
0x5c: {  	_ =	shalt  }
0x5d: {  	_ =	shalt  }
0x5e: {  	_ =	shalt  }
0x5f: {  	_ =	shalt  }
0x60: {  	_ =	shalt  }
0x61: {  	_ =	shalt  }
0x62: {  	_ =	shalt  }
0x63: {  	_ =	shalt  }
0x64: {  	_ =	shalt  }
0x65: {  	_ =	shalt  }
0x66: {  	_ =	shalt  }
0x67: {  	_ =	shalt  }
0x68: {  	_ =	shalt  }
0x69: {  	_ =	shalt  }
0x6a: {  	_ =	shalt  }
0x6b: {  	_ =	shalt  }
0x6c: {  	_ =	shalt  }
0x6d: {  	_ =	shalt  }
0x6e: {  	_ =	shalt  }
0x6f: {  	_ =	shalt  }
0x70: {  	_ =	shalt  }
0x71: {  	_ =	shalt  }
0x72: {  	_ =	shalt  }
0x73: {  	_ =	shalt  }
0x74: {  	_ =	shalt  }
0x75: {  	_ =	shalt  }
0x76: {  	_ =	shalt  }
0x77: {  	_ =	shalt  }
0x78: {  	_ =	shalt  }
0x79: {  	_ =	shalt  }
0x7a: {  	_ =	shalt  }
0x7b: {  	_ =	shalt  }
0x7c: {  	_ =	shalt  }
0x7d: {  	_ =	shalt  }
0x7e: {  	_ =	shalt  }
0x7f: {  	_ =	shalt  }
0x80: {  	_ =	shalt  }
0x81: {  	_ =	shalt  }
0x82: {  	_ =	shalt  }
0x83: {  	_ =	shalt  }
0x84: {  	_ =	shalt  }
0x85: {  	_ =	shalt  }
0x86: {  	_ =	shalt  }
0x87: {  	_ =	shalt  }
.Lfunc_end0:
.L_simem_size_0:
called_computation.1_lowered:
.L_overlay_start_0:
0x88: {  	s2 =	sld [smem:$0x3FD9]  }
0x89: {  	s3 =	sld [smem:$0x3FFE];
	_ =	sdelay $0x1  }
0x8a: {  	s1 =	srdreg.scid  }
0x8b: {  	s0 =	sand.u32 $0x1, s1  }
0x8c: {  	s17 =	sshll.u32 s0, $0xA;
	s2 =	sadd.s32 s3, s2  }
0x8d: {  	s2 =	sadd.s32 s2, s17  }
0x8e: {  	[smem:$0x3FC0] =	sst s2  }
0x8f: {  	_ = 	snop  }
0x90: {  	s2 =	sld [smem:$0x3FD0];
	(tm) =	ssettm $0x1  }
0x91: {  	s18 =	sld [smem:$0x3FFB];
	_ =	sdelay $0x3  }
0x92: {  	_ =	strace s18  }
0x93: {  	s3 =	sld [smem:$0x3FFC];
	_ =	sdelay $0x3  }
0x94: {  	_ =	strace s3  }
0x95: {  	s3 =	sld [smem:$0x3FFD];
	_ =	sdelay $0x3  }
0x96: {  	_ =	strace s3  }
0x97: {  	_ =	strace $0x8FFFFFFF  }
0x98: {  	s19 =	sld [smem:$0x3FDB];
	_ =	sdelay $0x1  }
0x99: {  	s4 =	simm.s32 $_scs_section_size  }
0x9a: {  	s5 =	simm.s32 $_size__tile_overlayer_lowered;
	s6 =	simm.s32 $_tile_overlayer_lowered  }
0x9b: {  	s22 =	simm.s32 $0x1BFF;
	s21 =	sshll.u32 s6, $0x1;
	s3 =	sadd.s32 s4, s19  }
0x9c: {  	s7 =	simm.s32 $0x0;
	s20 =	sshll.u32 s5, $0x1;
	s5 =	sadd.s32 s21, s3  }
0x9d: {  	[timem:s7], [sflag:s22] =	dma.local [hbm:s5], s20  }
0x9e: {  	_ =	swait.ge [sflag:s22], s20  }
0x9f: {  	s4 =	ssub.s32 $0x0, s20;
	[sflag:s22] =	ssyncset.done $0x0  }
0xa0: {  	[sflag:s22] =	ssyncadd.s32 s4;
	_ =	sdelay $0x1  }
0xa1: {  	s23 =	simm.s32 $0x1B8B  }
0xa2: {  	_ =	swait.ge [sflag:s23], $0x1  }
0xa3: {  	[sflag:s23] =	ssyncset.done $0x0  }
0xa4: {  	s25 =	simm.s32 $0x1B8E;
	s24 =	sld [smem:$0x3FFE];
	[sflag:s23] =	ssyncadd.s32 $0xFFFFFFFF  }
0xa5: {  	s26 =	simm.s32 $execute0_lowered;
	[smem:$0x3FD2] =	sst s25  }
0xa6: {  	s5 =	sshll.u32 s26, $0x1;
	_ =	strace $0x80000049;
	[dreg:$0x1] =	wrdreg $0xFFFFFFFF  }
0xa7: {  	s28 =	simm.s32 $_size_execute0_lowered;
	s3 =	sadd.s32 s3, s5;
	[dreg:$0x0] =	wrdreg $0x0  }
0xa8: {  	s5 =	sshll.u32 s28, $0x1;
	[dreg:$0x2] =	wrdreg s3  }
0xa9: {  	[dreg:$0x3] =	wrdreg s5  }
0xaa: {  	[dreg:$0x4] =	wrdreg $0xC0  }
0xab: {  	_ =	task [dreg:s7], $0x5FFFF  }
0xac: {  	[dreg:$0x1] =	wrdreg $0xFFFFFFFF  }
0xad: {  	[dreg:$0x0] =	wrdreg $0x60  }
0xae: {  	[dreg:$0x2] =	wrdreg s2  }
0xaf: {  	[dreg:$0x3] =	wrdreg s24  }
0xb0: {  	[dreg:$0x4] =	wrdreg $0xA8000  }
0xb1: {  	[dreg:$0x5] =	wrdreg $0x9  }
0xb2: {  	_ =	task.clear_ibuf [dreg:s7], $0x6FFFF;
	_ =	strace $0x90000049  }
0xb3: {  	s29 =	simm.s32 $0x9;
	_ =	strace $0x8000004B  }
0xb4: {  	_ =	swait.ge [sflag:s29], $0x1  }
0xb5: {  	[sflag:s29] =	ssyncadd.s32 $0xFFFFFFFF  }
0xb6: {  	_ =	strace $0x9000004B  }
0xb7: {  	_ =	sfence  }
0xb8: {  	s30 =	sld [smem:$0x0];
	_ =	sdelay $0x2  }
0xb9: {  	s31 =	sshll.u32 s1, $0xD;
	s1 =	sshrl.u32 s1, $0x2  }
0xba: {  	s3 =	sand.u32 $0x4000, s31;
	s1 =	sadd.s32 s1, s30  }
0xbb: {  	s0 =	sor.u32 s3, s0;
	s1 =	sshll.u32 s1, $0x11  }
0xbc: {  	s0 =	sor.u32 s1, s0  }
0xbd: {  	s0 =	sadd.s32 $0x8F2B, s0  }
0xbe: {  	[sflag:s0] =	ssyncadd.remote.s32 $0x1  }
0xbf: {  	_ =	sfence.sel $0xFFFF  }
0xc0: {  	[dreg:$0x0] =	wrdreg $0xFFFFFFFF;
	(pc) =	sbr.abs _section_cstart, $3  }
0xc1: {  	[dreg:$0x1] =	wrdreg $0xFFFFFFFF  }
0xc2: {  	_ =	task.clear_ibuf [dreg:s7], $0x2FFFF;
	_ =	strace $0x9FFFFFFF  }
0xc3: {  	(tm) =	ssettm $0x7FFFFFFF  }
tec
execute0_lowered:
.L_overlay_start_1:
0x0: {  	(tag) =	ssettag $0x1  }
0x1: {  	s1 =	rddreg [dreg:$0x0]  }
0x2: {  	s6 =	rddreg [dreg:$0x1]  }
0x3: {  	s2 =	rddreg [dreg:$0x2];
	s3 =	srdreg.scid  }
0x4: {  	s0 =	rddreg [dreg:$0x3];
	s4 =	simm.s32 $0x0;
	s15 =	simm.s32 $0x1400  }
0x5: {  	s16 =	simm.s32 $0x80;
	s17 =	simm.s32 $0x2800;
	s18 =	simm.s32 $0x1  }
0x6: {  	s19 =	simm.s32 $0x6800;
	s20 =	simm.s32 $0x2;
	s21 =	simm.s32 $0x1380  }
0x7: {  	s22 =	simm.s32 $0x2700;
	s5 =	sand.u32 $0x1, s3;
	s3 =	stileid.u32  }
0x8: {  	[smem:$0x7FF] =	sst s4;
	s9 =	sadd.s32 $0xDE00, s6;
	s7 =	smul.u32 $0x13C000, s5  }
0x9: {  	s10 =	sadd.s32 $0x3E00, s6;
	s8 =	smul.u32 $0x13C00, s3;
	_ =	strace $0x8000004A  }
0xa: {  	s23 =	sshll.u32 s5, $0x4;
	s11 =	ssub.s32 $0x2, s5;
	s25 =	smul.u32 $0x4F000, s3  }
0xb: {  	s5 =	sadd.s32 $0x17E00, s6;
	s28 =	sshll.u32 s3, $0x6;
	s24 =	sor.u32 s3, s23  }
0xc: {  	s12 =	sshrl.u32 s11, $0x1;
	s23 =	simm.s32 $0x2780;
	s7 =	sadd.s32 s8, s7  }
0xd: {  	s13 =	smul.u32 $0x2800, s24;
	s12 =	ssub.s32 s11, s12;
	s26 =	sshrl.u32 s25, $0x2  }
0xe: {  	s24 =	simm.s32 $0x0;
	s7 =	sshrl.u32 s7, $0x3;
	s30 =	sadd.s32 s26, s2  }
0xf: {  	s12 =	smax.u32 s12, $0x1;
	s14 =	sadd.s32 s7, s6;
	s29 =	sshrl.u32 s13, $0x3  }
0x10: {  	s6 =	sor.u32 $0x1C03, s28;
	s13 =	sshrl.u32 s30, $0x3;
	s31 =	sadd.s32 $0x280, s29  }
0x11: {  	s7 =	sadd.s32 s9, s29;
	s8 =	sadd.s32 s10, s29;
	s11 =	sadd.s32 $0x1A600, s14  }
0x12: {  	s14 =	simm.s32 $0x3;
	s9 =	sadd.s32 s9, s31;
	s10 =	sadd.s32 s10, s31  }
.LBB2_1:
0x13: {  	[spmem:s13], [sflag:s6] =	dma.local [hbm:s5], $0x2780  }
0x14: {  	_ =	swait.ge [sflag:s14], $0x2780  }
0x15: {  	[sflag:s14] =	ssyncset.done $0x0  }
0x16: {  	[sflag:s14] =	ssyncadd.s32 $0xFFFFD880  }
0x17: {  	[tilespmem:s4], [sflag:$0x3] =	stream.linear.gather [hbm4b:s7+s4], $0x1400, $0x38;
	[tilespmem:$0x1E400] =	vst v63  }
0x18: {  	_ =	swait.ge [sflag:s14], $0x1400  }
0x19: {  	[sflag:s14] =	ssyncset.done $0x0  }
0x1a: {  	[sflag:s14] =	ssyncadd.s32 $0xFFFFEC00  }
0x1b: {  	[tilespmem:s15], [sflag:$0x3] =	stream.linear.gather [hbm4b:s8+s4], $0x1400, $0x38;
	[tilespmem:$0x1E400] =	vst v63  }
0x1c: {  	_ =	swait.ge [sflag:s14], $0x1400  }
0x1d: {  	[sflag:s14] =	ssyncset.done $0x0  }
0x1e: {  	[sflag:s14] =	ssyncadd.s32 $0xFFFFEC00  }
0x1f: {  	[bflag:$0x0] =	sbarrier.arrive $0xFFFF  }
0x20: {  	[tilespmem:s17], [sflag:$0x1] =	stream.indirect.gather [hbm4b:s1+s16], $0x80, s4, s16, $0xb8;
	[tilespmem:$0x1E400] =	vst v63  }
0x21: {  	_ =	swait.ge [sflag:s18], $0x4000  }
0x22: {  	[sflag:s18] =	ssyncset.done $0x0  }
0x23: {  	s25 =	simm.s32 $0x80;
	[sflag:s18] =	ssyncadd.s32 $0xFFFFC000  }
0x24: {  	[tilespmem:s19], [sflag:$0x2] =	stream.indirect.gather [hbm4b:s1+s16], $0x80, s25, s16, $0xb8;
	[tilespmem:$0x1E400] =	vst v63  }
0x25: {  	s29 =	simm.s32 $0x1400  }
0x26: {  	[spmem:s2] =	stream.indirect.scatter.add.f32 [tilespmem:s17], [sflag:$0x3], $0x80, s29, s16, $0xb8;
	[tilespmem:$0x1E400] =	vst v63  }
0x27: {  	_ =	swait.ge [sflag:s14], $0x4000  }
0x28: {  	[sflag:s14] =	ssyncset.done $0x0  }
0x29: {  	[sflag:s14] =	ssyncadd.s32 $0xFFFFC000  }
0x2a: {  	_ =	swait.ge [sflag:s20], $0x4000  }
0x2b: {  	[sflag:s20] =	ssyncset.done $0x0  }
0x2c: {  	s30 =	simm.s32 $0x100;
	[sflag:s20] =	ssyncadd.s32 $0xFFFFC000  }
0x2d: {  	[tilespmem:s17], [sflag:$0x1] =	stream.indirect.gather [hbm4b:s1+s16], $0x80, s30, s16, $0xb8;
	[tilespmem:$0x1E400] =	vst v63  }
0x2e: {  	s31 =	simm.s32 $0x1480  }
0x2f: {  	[spmem:s2] =	stream.indirect.scatter.add.f32 [tilespmem:s19], [sflag:$0x3], $0x80, s31, s16, $0xb8;
	[tilespmem:$0x1E400] =	vst v63  }
0x30: {  	_ =	swait.ge [sflag:s14], $0x4000  }
0x31: {  	s25 =	simm.s32 $0x400;
	[sflag:s14] =	ssyncset.done $0x0  }
.LBB2_2:
0x32: {  	p0 =	sne.s32 s25, $0x4800  }
0x33: {  	[sflag:s14] =	ssyncadd.s32 $0xFFFFC000;
	s26 =	smov.u32 s25;
	s25 =	sadd.s32 $0x400, s25  }
0x34: {  	_ = 	snop  }
0x35: {  	_ =	swait.ge [sflag:s18], $0x4000  }
0x36: {  	s26 =	sshra.s32 s26, $0x2;
	[sflag:s18] =	ssyncset.done $0x0  }
0x37: {  	s28 =	sadd.s32 $0x80, s26;
	[sflag:s18] =	ssyncadd.s32 $0xFFFFC000  }
0x38: {  	[tilespmem:s19], [sflag:$0x2] =	stream.indirect.gather [hbm4b:s1+s16], $0x80, s28, s16, $0xb8;
	[tilespmem:$0x1E400] =	vst v63  }
0x39: {  	s28 =	sadd.s32 $0x1400, s26  }
0x3a: {  	[spmem:s2] =	stream.indirect.scatter.add.f32 [tilespmem:s17], [sflag:$0x3], $0x80, s28, s16, $0xb8;
	[tilespmem:$0x1E400] =	vst v63  }
0x3b: {  	_ =	swait.ge [sflag:s14], $0x4000  }
0x3c: {  	[sflag:s14] =	ssyncset.done $0x0  }
0x3d: {  	[sflag:s14] =	ssyncadd.s32 $0xFFFFC000  }
0x3e: {  	_ =	swait.ge [sflag:s20], $0x4000  }
0x3f: {  	[sflag:s20] =	ssyncset.done $0x0  }
0x40: {  	s28 =	sadd.s32 $0x100, s26;
	[sflag:s20] =	ssyncadd.s32 $0xFFFFC000  }
0x41: {  	[tilespmem:s17], [sflag:$0x1] =	stream.indirect.gather [hbm4b:s1+s16], $0x80, s28, s16, $0xb8;
	[tilespmem:$0x1E400] =	vst v63  }
.Ltmp0:
0x42: {  	_ = 	snop;
	(pc) =	sbr.rel @p0 .LBB2_2-.Ltmp0, $4  }
0x43: {  	s26 =	sadd.s32 $0x1480, s26  }
0x44: {  	[spmem:s2] =	stream.indirect.scatter.add.f32 [tilespmem:s19], [sflag:$0x3], $0x80, s26, s16, $0xb8;
	[tilespmem:$0x1E400] =	vst v63  }
0x45: {  	_ =	swait.ge [sflag:s14], $0x4000  }
0x46: {  	[sflag:s14] =	ssyncset.done $0x0  }
0x47: {  	[sflag:s14] =	ssyncadd.s32 $0xFFFFC000  }
0x48: {  	_ =	swait.ge [sflag:s18], $0x4000  }
0x49: {  	[sflag:s18] =	ssyncset.done $0x0  }
0x4a: {  	[sflag:s18] =	ssyncadd.s32 $0xFFFFC000  }
0x4b: {  	[tilespmem:s19], [sflag:$0x2] =	stream.indirect.gather [hbm4b:s1+s16], $0x80, s21, s16, $0xb8;
	[tilespmem:$0x1E400] =	vst v63  }
0x4c: {  	_ = 	snop  }
0x4d: {  	[spmem:s2] =	stream.indirect.scatter.add.f32 [tilespmem:s17], [sflag:$0x3], $0x80, s22, s16, $0xb8;
	[tilespmem:$0x1E400] =	vst v63  }
0x4e: {  	_ =	swait.ge [sflag:s14], $0x4000  }
0x4f: {  	[sflag:s14] =	ssyncset.done $0x0  }
0x50: {  	[sflag:s14] =	ssyncadd.s32 $0xFFFFC000  }
0x51: {  	_ =	swait.ge [sflag:s20], $0x4000  }
0x52: {  	[sflag:s20] =	ssyncset.done $0x0  }
0x53: {  	[sflag:s20] =	ssyncadd.s32 $0xFFFFC000  }
0x54: {  	[spmem:s2] =	stream.indirect.scatter.add.f32 [tilespmem:s19], [sflag:$0x3], $0x80, s23, s16, $0xb8;
	[tilespmem:$0x1E400] =	vst v63  }
0x55: {  	_ =	swait.ge [sflag:s14], $0x4000  }
0x56: {  	[sflag:s14] =	ssyncset.done $0x0  }
0x57: {  	s25 =	simm.s32 $0x0;
	[sflag:s14] =	ssyncadd.s32 $0xFFFFC000  }
0x58: {  	[tilespmem:s25], [sflag:$0x3] =	stream.linear.gather [hbm4b:s9+s25], $0x1400, $0x38;
	[tilespmem:$0x1E400] =	vst v63  }
0x59: {  	_ =	swait.ge [sflag:s14], $0x1400  }
0x5a: {  	[sflag:s14] =	ssyncset.done $0x0  }
0x5b: {  	[sflag:s14] =	ssyncadd.s32 $0xFFFFEC00  }
0x5c: {  	[tilespmem:s15], [sflag:$0x3] =	stream.linear.gather [hbm4b:s10+s25], $0x1400, $0x38;
	[tilespmem:$0x1E400] =	vst v63  }
0x5d: {  	_ =	swait.ge [sflag:s14], $0x1400  }
0x5e: {  	[sflag:s14] =	ssyncset.done $0x0  }
0x5f: {  	[sflag:s14] =	ssyncadd.s32 $0xFFFFEC00  }
0x60: {  	[tilespmem:s17], [sflag:$0x1] =	stream.indirect.gather [hbm4b:s1+s16], $0x80, s25, s16, $0xb8;
	[tilespmem:$0x1E400] =	vst v63  }
0x61: {  	_ =	swait.ge [sflag:s18], $0x4000  }
0x62: {  	[sflag:s18] =	ssyncset.done $0x0  }
0x63: {  	s28 =	simm.s32 $0x80;
	[sflag:s18] =	ssyncadd.s32 $0xFFFFC000  }
0x64: {  	[tilespmem:s19], [sflag:$0x2] =	stream.indirect.gather [hbm4b:s1+s16], $0x80, s28, s16, $0xb8;
	[tilespmem:$0x1E400] =	vst v63  }
0x65: {  	s29 =	simm.s32 $0x1400  }
0x66: {  	[spmem:s2] =	stream.indirect.scatter.add.f32 [tilespmem:s17], [sflag:$0x3], $0x80, s29, s16, $0xb8;
	[tilespmem:$0x1E400] =	vst v63  }
0x67: {  	_ =	swait.ge [sflag:s14], $0x4000  }
0x68: {  	[sflag:s14] =	ssyncset.done $0x0  }
0x69: {  	[sflag:s14] =	ssyncadd.s32 $0xFFFFC000  }
0x6a: {  	_ =	swait.ge [sflag:s20], $0x4000  }
0x6b: {  	[sflag:s20] =	ssyncset.done $0x0  }
0x6c: {  	s30 =	simm.s32 $0x100;
	[sflag:s20] =	ssyncadd.s32 $0xFFFFC000  }
0x6d: {  	[tilespmem:s17], [sflag:$0x1] =	stream.indirect.gather [hbm4b:s1+s16], $0x80, s30, s16, $0xb8;
	[tilespmem:$0x1E400] =	vst v63  }
0x6e: {  	s31 =	simm.s32 $0x1480  }
0x6f: {  	[spmem:s2] =	stream.indirect.scatter.add.f32 [tilespmem:s19], [sflag:$0x3], $0x80, s31, s16, $0xb8;
	[tilespmem:$0x1E400] =	vst v63  }
0x70: {  	_ =	swait.ge [sflag:s14], $0x4000  }
0x71: {  	s25 =	simm.s32 $0x400;
	[sflag:s14] =	ssyncset.done $0x0  }
.LBB2_4:
0x72: {  	p0 =	sne.s32 s25, $0x4800  }
0x73: {  	[sflag:s14] =	ssyncadd.s32 $0xFFFFC000;
	s26 =	smov.u32 s25;
	s25 =	sadd.s32 $0x400, s25  }
0x74: {  	_ = 	snop  }
0x75: {  	_ =	swait.ge [sflag:s18], $0x4000  }
0x76: {  	s26 =	sshra.s32 s26, $0x2;
	[sflag:s18] =	ssyncset.done $0x0  }
0x77: {  	s28 =	sadd.s32 $0x80, s26;
	[sflag:s18] =	ssyncadd.s32 $0xFFFFC000  }
0x78: {  	[tilespmem:s19], [sflag:$0x2] =	stream.indirect.gather [hbm4b:s1+s16], $0x80, s28, s16, $0xb8;
	[tilespmem:$0x1E400] =	vst v63  }
0x79: {  	s28 =	sadd.s32 $0x1400, s26  }
0x7a: {  	[spmem:s2] =	stream.indirect.scatter.add.f32 [tilespmem:s17], [sflag:$0x3], $0x80, s28, s16, $0xb8;
	[tilespmem:$0x1E400] =	vst v63  }
0x7b: {  	_ =	swait.ge [sflag:s14], $0x4000  }
0x7c: {  	[sflag:s14] =	ssyncset.done $0x0  }
0x7d: {  	[sflag:s14] =	ssyncadd.s32 $0xFFFFC000  }
0x7e: {  	_ =	swait.ge [sflag:s20], $0x4000  }
0x7f: {  	[sflag:s20] =	ssyncset.done $0x0  }
0x80: {  	s28 =	sadd.s32 $0x100, s26;
	[sflag:s20] =	ssyncadd.s32 $0xFFFFC000  }
0x81: {  	[tilespmem:s17], [sflag:$0x1] =	stream.indirect.gather [hbm4b:s1+s16], $0x80, s28, s16, $0xb8;
	[tilespmem:$0x1E400] =	vst v63  }
.Ltmp1:
0x82: {  	_ = 	snop;
	(pc) =	sbr.rel @p0 .LBB2_4-.Ltmp1, $4  }
0x83: {  	s26 =	sadd.s32 $0x1480, s26  }
0x84: {  	[spmem:s2] =	stream.indirect.scatter.add.f32 [tilespmem:s19], [sflag:$0x3], $0x80, s26, s16, $0xb8;
	[tilespmem:$0x1E400] =	vst v63  }
0x85: {  	_ =	swait.ge [sflag:s14], $0x4000  }
0x86: {  	[sflag:s14] =	ssyncset.done $0x0  }
0x87: {  	[sflag:s14] =	ssyncadd.s32 $0xFFFFC000  }
0x88: {  	_ =	swait.ge [sflag:s18], $0x4000  }
0x89: {  	[sflag:s18] =	ssyncset.done $0x0  }
0x8a: {  	[sflag:s18] =	ssyncadd.s32 $0xFFFFC000  }
0x8b: {  	[tilespmem:s19], [sflag:$0x2] =	stream.indirect.gather [hbm4b:s1+s16], $0x80, s21, s16, $0xb8;
	[tilespmem:$0x1E400] =	vst v63  }
0x8c: {  	_ = 	snop  }
0x8d: {  	[spmem:s2] =	stream.indirect.scatter.add.f32 [tilespmem:s17], [sflag:$0x3], $0x80, s22, s16, $0xb8;
	[tilespmem:$0x1E400] =	vst v63  }
0x8e: {  	_ =	swait.ge [sflag:s14], $0x4000  }
0x8f: {  	[sflag:s14] =	ssyncset.done $0x0  }
0x90: {  	[sflag:s14] =	ssyncadd.s32 $0xFFFFC000  }
0x91: {  	_ =	swait.ge [sflag:s20], $0x4000  }
0x92: {  	[sflag:s20] =	ssyncset.done $0x0  }
0x93: {  	[sflag:s20] =	ssyncadd.s32 $0xFFFFC000  }
0x94: {  	[spmem:s2] =	stream.indirect.scatter.add.f32 [tilespmem:s19], [sflag:$0x3], $0x80, s23, s16, $0xb8;
	[tilespmem:$0x1E400] =	vst v63  }
0x95: {  	_ =	swait.ge [sflag:s14], $0x4000  }
0x96: {  	s24 =	sadd.s32 $0x1, s24;
	[sflag:s14] =	ssyncset.done $0x0  }
0x97: {  	p0 =	sne.s32 s24, s12;
	[sflag:s14] =	ssyncadd.s32 $0xFFFFC000  }
.Ltmp2:
0x98: {  	[bflag:$0x0] =	sbarrier.arrive $0xFFFF;
	(pc) =	sbr.rel @p0 .LBB2_1-.Ltmp2, $4  }
0x99: {  	[hbm:s11], [sflag:s6] =	dma.local [spmem:s13], $0x2780  }
0x9a: {  	_ =	swait.ge [sflag:s14], $0x2780  }
0x9b: {  	[sflag:s14] =	ssyncset.done $0x0  }
0x9c: {  	[sflag:s14] =	ssyncadd.s32 $0xFFFFD880  }
0x9d: {  	_ =	sfence.sel $0x180000  }
0x9e: {  	[bflag:$0x0] =	sbarrier.arrive $0xFFFF  }
0x9f: {  	p0 =	sne.s32 s3, $0x0;
	_ =	strace $0x9000004A  }
0xa0: {  	s0 =	sadd.s32 @!p0 $0x100000, s0;
	[bflag:$0x2] =	sbarrier.arrive $0xFFFF  }
0xa1: {  	[sflag:s0] =	ssyncadd.tile.s32 @!p0 $0x1;
	_ =	shalt  }
.Lfunc_end2:
_tile_overlayer_lowered:
.L_overlay_start_2:
0xa2: {  	(tag) =	ssettag $0x2  }
0xa3: {  	s0 =	rddreg [dreg:$0x0];
	s2 =	stileid.u32  }
0xa4: {  	s1 =	rddreg [dreg:$0x1];
	p0 =	sne.s32 s2, $0x0  }
0xa5: {  	s3 =	rddreg [dreg:$0x2];
	[bflag:$0x3] =	sbarrier.arrive $0xFFFF;
	s2 =	simm.s32 @!p0 $0x1C03  }
0xa6: {  	[timem:s3], [sflag:s2] =	dma.local @!p0 [hbm:s0], s1  }
0xa7: {  	s0 =	simm.s32 @!p0 $0x3  }
0xa8: {  	_ =	swait.ge @!p0 [sflag:s0], s1  }
0xa9: {  	s1 =	ssub.s32 @!p0 $0x0, s1;
	[sflag:s0] =	ssyncset.done @!p0 $0x0  }
0xaa: {  	[sflag:s0] =	ssyncadd.s32 @!p0 s1  }
0xab: {  	[bflag:$0x3] =	sbarrier.arrive $0xFFFF  }
0xac: {  	_ =	shalt  }

// kernel: kernel.18.cloned.1.call-start
scs
__scs_entry_jumppad:
0x0: {  	(pc) =	sbr.rel $0x88, $3  }
0x1: {  	(tag) =	ssettag $0x0;
	lr =	simm.s32 $0x1  }
0x2: {  	[smem:$0x3F99] =	sst lr;
	_ =	strace $0xD0000000  }
0x3: {  	_ = 	snop  }
0x4: {  	_ = 	snop  }
0x5: {  	_ = 	snop  }
0x6: {  	_ = 	snop  }
0x7: {  	_ = 	snop  }
__scs_overlays_trampoline_lowered:
0x8: {  	[smem:$0x3FA8] =	sst s0  }
0x9: {  	[smem:$0x3FA9] =	sst s1  }
0xa: {  	[smem:$0x3FAA] =	sst s2  }
0xb: {  	[smem:$0x3FAB] =	sst s3  }
0xc: {  	[smem:$0x3FAC] =	sst s4  }
0xd: {  	[smem:$0x3FAD] =	sst s5  }
0xe: {  	[smem:$0x3FAE] =	sst s6  }
0xf: {  	[smem:$0x3FAF] =	sst s7  }
0x10: {  	[smem:$0x3FB0] =	sst s8  }
0x11: {  	[smem:$0x3FB1] =	sst s9;
	s0 =	simm.s32 @!p0 $0x0  }
0x12: {  	s1 =	sld [smem:$0x3F97];
	s0 =	simm.s32 @p0 $0x1  }
0x13: {  	[smem:$0x3FB2] =	sst s0;
	s0 =	simm.s32 @!p1 $0x0  }
0x14: {  	s2 =	sld [smem:$0x3F96];
	s0 =	simm.s32 @p1 $0x1  }
0x15: {  	[smem:$0x3FB3] =	sst s0;
	s0 =	simm.s32 @!p2 $0x0  }
0x16: {  	s3 =	sld [smem:$0x3FDB];
	s0 =	simm.s32 @p2 $0x1  }
0x17: {  	s4 =	simm.s32 $0x1BF5;
	[smem:$0x3FB5] =	sst s0  }
0x18: {  	s0 =	sld [smem:$0x3F98];
	_ =	swait.ge [sflag:s4], $0x0  }
0x19: {  	s7 =	sld [smem:$0x3F99]  }
0x1a: {  	s8 =	sadd.s32 $0xFFFFE003, lr  }
0x1b: {  	s9 =	sadd.s32 $0xFFFFFEF7, lr;
	s5 =	simm.s32 $0xFFFFFFFF;
	p2 =	slt.u32 s8, $0xFFFFF086  }
0x1c: {  	p1 =	slt.u32 s9, $0xF7A;
	s5 =	simm.s32 @!p2 $0x0  }
0x1d: {  	s5 =	simm.s32 @p1 $0x1;
	p0 =	seq.s32 s7, s2  }
0x1e: {  	s7 =	smul.u32 @!p0 $0xF7A, s2;
	p2 =	seq.s32 @!p0 s5, $0x0  }
0x1f: {  	s9 =	smul.u32 $0xF7A, s1;
	s8 =	simm.s32 @!p0 $0x1BF5;
	p2 =	por !p2, p0  }
0x20: {  	[sflag:s8] =	ssyncset.s32 @!p0 $0xFFFFF086;
	s6 =	sadd.s32 @!p0 s3, s7;
	s7 =	simm.s32 @!p0 $0x108  }
0x21: {  	s3 =	sadd.s32 s3, s9;
	s6 =	sadd.s32 @!p0 $0x88, s6;
	s7 =	simm.s32 @p2 $0x1082  }
0x22: {  	[simem:s7], [sflag:s8] =	dma.local @!p0 [hbm:s6], $0xF7A  }
0x23: {  	s9 =	sor.u32 $0xD0000000, s2;
	s6 =	simm.s32 $0x108;
	_ =	swait.ge @!p0 [sflag:s8], $0x0  }
0x24: {  	s3 =	sadd.s32 $0x88, s3;
	s6 =	simm.s32 @!p1 $0x1082;
	[sflag:s4] =	ssyncset.s32 $0xFFFFF086  }
0x25: {  	[simem:s6], [sflag:s4] =	dma.local [hbm:s3], $0xF7A  }
0x26: {  	[smem:$0x3F99] =	sst s1;
	(tag) =	ssettag s2;
	_ =	strace s9  }
0x27: {  	s1 =	sld [smem:$0x3FA9]  }
0x28: {  	s2 =	sld [smem:$0x3FAA]  }
0x29: {  	s4 =	sld [smem:$0x3FAC]  }
0x2a: {  	p0 =	seq.s32 s5, $0x0;
	s5 =	sld [smem:$0x3FAD]  }
0x2b: {  	s6 =	sld [smem:$0x3FAE]  }
0x2c: {  	s7 =	sld [smem:$0x3FAF]  }
0x2d: {  	s3 =	simm.s32 $0x108;
	s8 =	sld [smem:$0x3FB0]  }
0x2e: {  	s3 =	simm.s32 @!p0 $0x1082;
	s9 =	sld [smem:$0x3FB1]  }
0x2f: {  	lr =	sadd.s32 s0, s3;
	s0 =	sld [smem:$0x3FA8]  }
0x30: {  	s3 =	sld [smem:$0x3FAB]  }
0x31: {  	[smem:$0x3FB4] =	sst s10  }
0x32: {  	s10 =	sld [smem:$0x3FB2];
	_ =	sdelay $0x3  }
0x33: {  	p0 =	seq.s32 s10, $0x1;
	s10 =	sld [smem:$0x3FB4];
	_ =	sdelay $0x3  }
0x34: {  	[smem:$0x3FB4] =	sst s10  }
0x35: {  	s10 =	sld [smem:$0x3FB3];
	_ =	sdelay $0x3  }
0x36: {  	p1 =	seq.s32 s10, $0x1;
	s10 =	sld [smem:$0x3FB4];
	_ =	sdelay $0x3  }
0x37: {  	[smem:$0x3FB4] =	sst s10  }
0x38: {  	s10 =	sld [smem:$0x3FB5]  }
0x39: {  	_ = 	snop;
	(pc) =	sbr.ind lr, $3  }
0x3a: {  	_ = 	snop  }
0x3b: {  	_ = 	snop  }
0x3c: {  	p2 =	seq.s32 s10, $0x1;
	s10 =	sld [smem:$0x3FB4]  }
0x3d: {  	_ =	shalt  }
0x3e: {  	_ =	shalt  }
0x3f: {  	_ =	shalt  }
0x40: {  	_ =	shalt  }
0x41: {  	_ =	shalt  }
0x42: {  	_ =	shalt  }
0x43: {  	_ =	shalt  }
0x44: {  	_ =	shalt  }
0x45: {  	_ =	shalt  }
0x46: {  	_ =	shalt  }
0x47: {  	_ =	shalt  }
0x48: {  	_ =	shalt  }
0x49: {  	_ =	shalt  }
0x4a: {  	_ =	shalt  }
0x4b: {  	_ =	shalt  }
0x4c: {  	_ =	shalt  }
0x4d: {  	_ =	shalt  }
0x4e: {  	_ =	shalt  }
0x4f: {  	_ =	shalt  }
0x50: {  	_ =	shalt  }
0x51: {  	_ =	shalt  }
0x52: {  	_ =	shalt  }
0x53: {  	_ =	shalt  }
0x54: {  	_ =	shalt  }
0x55: {  	_ =	shalt  }
0x56: {  	_ =	shalt  }
0x57: {  	_ =	shalt  }
0x58: {  	_ =	shalt  }
0x59: {  	_ =	shalt  }
0x5a: {  	_ =	shalt  }
0x5b: {  	_ =	shalt  }
0x5c: {  	_ =	shalt  }
0x5d: {  	_ =	shalt  }
0x5e: {  	_ =	shalt  }
0x5f: {  	_ =	shalt  }
0x60: {  	_ =	shalt  }
0x61: {  	_ =	shalt  }
0x62: {  	_ =	shalt  }
0x63: {  	_ =	shalt  }
0x64: {  	_ =	shalt  }
0x65: {  	_ =	shalt  }
0x66: {  	_ =	shalt  }
0x67: {  	_ =	shalt  }
0x68: {  	_ =	shalt  }
0x69: {  	_ =	shalt  }
0x6a: {  	_ =	shalt  }
0x6b: {  	_ =	shalt  }
0x6c: {  	_ =	shalt  }
0x6d: {  	_ =	shalt  }
0x6e: {  	_ =	shalt  }
0x6f: {  	_ =	shalt  }
0x70: {  	_ =	shalt  }
0x71: {  	_ =	shalt  }
0x72: {  	_ =	shalt  }
0x73: {  	_ =	shalt  }
0x74: {  	_ =	shalt  }
0x75: {  	_ =	shalt  }
0x76: {  	_ =	shalt  }
0x77: {  	_ =	shalt  }
0x78: {  	_ =	shalt  }
0x79: {  	_ =	shalt  }
0x7a: {  	_ =	shalt  }
0x7b: {  	_ =	shalt  }
0x7c: {  	_ =	shalt  }
0x7d: {  	_ =	shalt  }
0x7e: {  	_ =	shalt  }
0x7f: {  	_ =	shalt  }
0x80: {  	_ =	shalt  }
0x81: {  	_ =	shalt  }
0x82: {  	_ =	shalt  }
0x83: {  	_ =	shalt  }
0x84: {  	_ =	shalt  }
0x85: {  	_ =	shalt  }
0x86: {  	_ =	shalt  }
0x87: {  	_ =	shalt  }
.Lfunc_end0:
.L_simem_size_0:
called_computation.2_lowered:
.L_overlay_start_0:
0x88: {  	s2 =	sld [smem:$0x3FD9]  }
0x89: {  	s3 =	sld [smem:$0x3FFE];
	_ =	sdelay $0x1  }
0x8a: {  	s1 =	srdreg.scid  }
0x8b: {  	s0 =	sand.u32 $0x1, s1  }
0x8c: {  	s17 =	sshll.u32 s0, $0xA;
	s2 =	sadd.s32 s3, s2  }
0x8d: {  	s2 =	sadd.s32 s2, s17  }
0x8e: {  	[smem:$0x3FC0] =	sst s2  }
0x8f: {  	_ = 	snop  }
0x90: {  	s2 =	sld [smem:$0x3FD0];
	(tm) =	ssettm $0x1  }
0x91: {  	s18 =	sld [smem:$0x3FFB];
	_ =	sdelay $0x3  }
0x92: {  	_ =	strace s18  }
0x93: {  	s3 =	sld [smem:$0x3FFC];
	_ =	sdelay $0x3  }
0x94: {  	_ =	strace s3  }
0x95: {  	s3 =	sld [smem:$0x3FFD];
	_ =	sdelay $0x3  }
0x96: {  	_ =	strace s3  }
0x97: {  	_ =	strace $0x8FFFFFFF  }
0x98: {  	s19 =	sld [smem:$0x3FDB];
	_ =	sdelay $0x1  }
0x99: {  	s4 =	simm.s32 $_scs_section_size  }
0x9a: {  	s5 =	simm.s32 $_size__tile_overlayer_lowered;
	s6 =	simm.s32 $_tile_overlayer_lowered  }
0x9b: {  	s22 =	simm.s32 $0x1BFF;
	s21 =	sshll.u32 s6, $0x1;
	s3 =	sadd.s32 s4, s19  }
0x9c: {  	s7 =	simm.s32 $0x0;
	s20 =	sshll.u32 s5, $0x1;
	s5 =	sadd.s32 s21, s3  }
0x9d: {  	[timem:s7], [sflag:s22] =	dma.local [hbm:s5], s20  }
0x9e: {  	_ =	swait.ge [sflag:s22], s20  }
0x9f: {  	s4 =	ssub.s32 $0x0, s20;
	[sflag:s22] =	ssyncset.done $0x0  }
0xa0: {  	[sflag:s22] =	ssyncadd.s32 s4;
	_ =	sdelay $0x1  }
0xa1: {  	s23 =	simm.s32 $0x1B8B  }
0xa2: {  	_ =	swait.ge [sflag:s23], $0x1  }
0xa3: {  	[sflag:s23] =	ssyncset.done $0x0  }
0xa4: {  	s25 =	simm.s32 $0x1B8E;
	s24 =	sld [smem:$0x3FFE];
	[sflag:s23] =	ssyncadd.s32 $0xFFFFFFFF  }
0xa5: {  	s26 =	simm.s32 $execute0_lowered;
	[smem:$0x3FD2] =	sst s25  }
0xa6: {  	s5 =	sshll.u32 s26, $0x1;
	_ =	strace $0x8000004C;
	[dreg:$0x1] =	wrdreg $0xFFFFFFFF  }
0xa7: {  	s28 =	simm.s32 $_size_execute0_lowered;
	s3 =	sadd.s32 s3, s5;
	[dreg:$0x0] =	wrdreg $0x0  }
0xa8: {  	s5 =	sshll.u32 s28, $0x1;
	[dreg:$0x2] =	wrdreg s3  }
0xa9: {  	[dreg:$0x3] =	wrdreg s5  }
0xaa: {  	[dreg:$0x4] =	wrdreg $0xC0  }
0xab: {  	_ =	task [dreg:s7], $0x5FFFF  }
0xac: {  	[dreg:$0x1] =	wrdreg $0xFFFFFFFF  }
0xad: {  	[dreg:$0x0] =	wrdreg $0x60  }
0xae: {  	[dreg:$0x2] =	wrdreg s2  }
0xaf: {  	[dreg:$0x3] =	wrdreg s24  }
0xb0: {  	[dreg:$0x4] =	wrdreg $0xA8000  }
0xb1: {  	[dreg:$0x5] =	wrdreg $0x9  }
0xb2: {  	_ =	task.clear_ibuf [dreg:s7], $0x6FFFF;
	_ =	strace $0x9000004C  }
0xb3: {  	s29 =	simm.s32 $0x9;
	_ =	strace $0x8000004E  }
0xb4: {  	_ =	swait.ge [sflag:s29], $0x1  }
0xb5: {  	[sflag:s29] =	ssyncadd.s32 $0xFFFFFFFF  }
0xb6: {  	_ =	strace $0x9000004E  }
0xb7: {  	_ =	sfence  }
0xb8: {  	s30 =	sld [smem:$0x0];
	_ =	sdelay $0x2  }
0xb9: {  	s31 =	sshll.u32 s1, $0xD;
	s1 =	sshrl.u32 s1, $0x2  }
0xba: {  	s3 =	sand.u32 $0x4000, s31;
	s1 =	sadd.s32 s1, s30  }
0xbb: {  	s0 =	sor.u32 s3, s0;
	s1 =	sshll.u32 s1, $0x11  }
0xbc: {  	s0 =	sor.u32 s1, s0  }
0xbd: {  	s0 =	sadd.s32 $0x8F2B, s0  }
0xbe: {  	[sflag:s0] =	ssyncadd.remote.s32 $0x1  }
0xbf: {  	_ =	sfence.sel $0xFFFF  }
0xc0: {  	[dreg:$0x0] =	wrdreg $0xFFFFFFFF;
	(pc) =	sbr.abs _section_cstart, $3  }
0xc1: {  	[dreg:$0x1] =	wrdreg $0xFFFFFFFF  }
0xc2: {  	_ =	task.clear_ibuf [dreg:s7], $0x2FFFF;
	_ =	strace $0x9FFFFFFF  }
0xc3: {  	(tm) =	ssettm $0x7FFFFFFF  }
tec
execute0_lowered:
.L_overlay_start_1:
0x0: {  	(tag) =	ssettag $0x1  }
0x1: {  	s1 =	rddreg [dreg:$0x0]  }
0x2: {  	s6 =	rddreg [dreg:$0x1]  }
0x3: {  	s2 =	rddreg [dreg:$0x2];
	s3 =	srdreg.scid  }
0x4: {  	s0 =	rddreg [dreg:$0x3];
	s4 =	simm.s32 $0x0;
	s15 =	simm.s32 $0x1400  }
0x5: {  	s16 =	simm.s32 $0x80;
	s17 =	simm.s32 $0x2800;
	s18 =	simm.s32 $0x1  }
0x6: {  	s19 =	simm.s32 $0x6800;
	s20 =	simm.s32 $0x2;
	s21 =	simm.s32 $0x1380  }
0x7: {  	s22 =	simm.s32 $0x2700;
	s5 =	sand.u32 $0x1, s3;
	s3 =	stileid.u32  }
0x8: {  	[smem:$0x7FF] =	sst s4;
	s9 =	sadd.s32 $0xDE00, s6;
	s7 =	smul.u32 $0x13C000, s5  }
0x9: {  	s10 =	sadd.s32 $0x3E00, s6;
	s8 =	smul.u32 $0x13C00, s3;
	_ =	strace $0x8000004D  }
0xa: {  	s23 =	sshll.u32 s5, $0x4;
	s11 =	ssub.s32 $0x2, s5;
	s25 =	smul.u32 $0x4F000, s3  }
0xb: {  	s5 =	sadd.s32 $0x17E00, s6;
	s28 =	sshll.u32 s3, $0x6;
	s24 =	sor.u32 s3, s23  }
0xc: {  	s12 =	sshrl.u32 s11, $0x1;
	s23 =	simm.s32 $0x2780;
	s7 =	sadd.s32 s8, s7  }
0xd: {  	s13 =	smul.u32 $0x2800, s24;
	s12 =	ssub.s32 s11, s12;
	s26 =	sshrl.u32 s25, $0x2  }
0xe: {  	s24 =	simm.s32 $0x0;
	s7 =	sshrl.u32 s7, $0x3;
	s30 =	sadd.s32 s26, s2  }
0xf: {  	s12 =	smax.u32 s12, $0x1;
	s14 =	sadd.s32 s7, s6;
	s29 =	sshrl.u32 s13, $0x3  }
0x10: {  	s6 =	sor.u32 $0x1C03, s28;
	s13 =	sshrl.u32 s30, $0x3;
	s31 =	sadd.s32 $0x280, s29  }
0x11: {  	s7 =	sadd.s32 s9, s29;
	s8 =	sadd.s32 s10, s29;
	s11 =	sadd.s32 $0x1A600, s14  }
0x12: {  	s14 =	simm.s32 $0x3;
	s9 =	sadd.s32 s9, s31;
	s10 =	sadd.s32 s10, s31  }
.LBB2_1:
0x13: {  	[spmem:s13], [sflag:s6] =	dma.local [hbm:s5], $0x2780  }
0x14: {  	_ =	swait.ge [sflag:s14], $0x2780  }
0x15: {  	[sflag:s14] =	ssyncset.done $0x0  }
0x16: {  	[sflag:s14] =	ssyncadd.s32 $0xFFFFD880  }
0x17: {  	[tilespmem:s4], [sflag:$0x3] =	stream.linear.gather [hbm4b:s7+s4], $0x1400, $0x38;
	[tilespmem:$0x1E400] =	vst v63  }
0x18: {  	_ =	swait.ge [sflag:s14], $0x1400  }
0x19: {  	[sflag:s14] =	ssyncset.done $0x0  }
0x1a: {  	[sflag:s14] =	ssyncadd.s32 $0xFFFFEC00  }
0x1b: {  	[tilespmem:s15], [sflag:$0x3] =	stream.linear.gather [hbm4b:s8+s4], $0x1400, $0x38;
	[tilespmem:$0x1E400] =	vst v63  }
0x1c: {  	_ =	swait.ge [sflag:s14], $0x1400  }
0x1d: {  	[sflag:s14] =	ssyncset.done $0x0  }
0x1e: {  	[sflag:s14] =	ssyncadd.s32 $0xFFFFEC00  }
0x1f: {  	[bflag:$0x0] =	sbarrier.arrive $0xFFFF  }
0x20: {  	[tilespmem:s17], [sflag:$0x1] =	stream.indirect.gather [hbm4b:s1+s16], $0x80, s4, s16, $0xb8;
	[tilespmem:$0x1E400] =	vst v63  }
0x21: {  	_ =	swait.ge [sflag:s18], $0x4000  }
0x22: {  	[sflag:s18] =	ssyncset.done $0x0  }
0x23: {  	s25 =	simm.s32 $0x80;
	[sflag:s18] =	ssyncadd.s32 $0xFFFFC000  }
0x24: {  	[tilespmem:s19], [sflag:$0x2] =	stream.indirect.gather [hbm4b:s1+s16], $0x80, s25, s16, $0xb8;
	[tilespmem:$0x1E400] =	vst v63  }
0x25: {  	s29 =	simm.s32 $0x1400  }
0x26: {  	[spmem:s2] =	stream.indirect.scatter.add.f32 [tilespmem:s17], [sflag:$0x3], $0x80, s29, s16, $0xb8;
	[tilespmem:$0x1E400] =	vst v63  }
0x27: {  	_ =	swait.ge [sflag:s14], $0x4000  }
0x28: {  	[sflag:s14] =	ssyncset.done $0x0  }
0x29: {  	[sflag:s14] =	ssyncadd.s32 $0xFFFFC000  }
0x2a: {  	_ =	swait.ge [sflag:s20], $0x4000  }
0x2b: {  	[sflag:s20] =	ssyncset.done $0x0  }
0x2c: {  	s30 =	simm.s32 $0x100;
	[sflag:s20] =	ssyncadd.s32 $0xFFFFC000  }
0x2d: {  	[tilespmem:s17], [sflag:$0x1] =	stream.indirect.gather [hbm4b:s1+s16], $0x80, s30, s16, $0xb8;
	[tilespmem:$0x1E400] =	vst v63  }
0x2e: {  	s31 =	simm.s32 $0x1480  }
0x2f: {  	[spmem:s2] =	stream.indirect.scatter.add.f32 [tilespmem:s19], [sflag:$0x3], $0x80, s31, s16, $0xb8;
	[tilespmem:$0x1E400] =	vst v63  }
0x30: {  	_ =	swait.ge [sflag:s14], $0x4000  }
0x31: {  	s25 =	simm.s32 $0x400;
	[sflag:s14] =	ssyncset.done $0x0  }
.LBB2_2:
0x32: {  	p0 =	sne.s32 s25, $0x4800  }
0x33: {  	[sflag:s14] =	ssyncadd.s32 $0xFFFFC000;
	s26 =	smov.u32 s25;
	s25 =	sadd.s32 $0x400, s25  }
0x34: {  	_ = 	snop  }
0x35: {  	_ =	swait.ge [sflag:s18], $0x4000  }
0x36: {  	s26 =	sshra.s32 s26, $0x2;
	[sflag:s18] =	ssyncset.done $0x0  }
0x37: {  	s28 =	sadd.s32 $0x80, s26;
	[sflag:s18] =	ssyncadd.s32 $0xFFFFC000  }
0x38: {  	[tilespmem:s19], [sflag:$0x2] =	stream.indirect.gather [hbm4b:s1+s16], $0x80, s28, s16, $0xb8;
	[tilespmem:$0x1E400] =	vst v63  }
0x39: {  	s28 =	sadd.s32 $0x1400, s26  }
0x3a: {  	[spmem:s2] =	stream.indirect.scatter.add.f32 [tilespmem:s17], [sflag:$0x3], $0x80, s28, s16, $0xb8;
	[tilespmem:$0x1E400] =	vst v63  }
0x3b: {  	_ =	swait.ge [sflag:s14], $0x4000  }
0x3c: {  	[sflag:s14] =	ssyncset.done $0x0  }
0x3d: {  	[sflag:s14] =	ssyncadd.s32 $0xFFFFC000  }
0x3e: {  	_ =	swait.ge [sflag:s20], $0x4000  }
0x3f: {  	[sflag:s20] =	ssyncset.done $0x0  }
0x40: {  	s28 =	sadd.s32 $0x100, s26;
	[sflag:s20] =	ssyncadd.s32 $0xFFFFC000  }
0x41: {  	[tilespmem:s17], [sflag:$0x1] =	stream.indirect.gather [hbm4b:s1+s16], $0x80, s28, s16, $0xb8;
	[tilespmem:$0x1E400] =	vst v63  }
.Ltmp0:
0x42: {  	_ = 	snop;
	(pc) =	sbr.rel @p0 .LBB2_2-.Ltmp0, $4  }
0x43: {  	s26 =	sadd.s32 $0x1480, s26  }
0x44: {  	[spmem:s2] =	stream.indirect.scatter.add.f32 [tilespmem:s19], [sflag:$0x3], $0x80, s26, s16, $0xb8;
	[tilespmem:$0x1E400] =	vst v63  }
0x45: {  	_ =	swait.ge [sflag:s14], $0x4000  }
0x46: {  	[sflag:s14] =	ssyncset.done $0x0  }
0x47: {  	[sflag:s14] =	ssyncadd.s32 $0xFFFFC000  }
0x48: {  	_ =	swait.ge [sflag:s18], $0x4000  }
0x49: {  	[sflag:s18] =	ssyncset.done $0x0  }
0x4a: {  	[sflag:s18] =	ssyncadd.s32 $0xFFFFC000  }
0x4b: {  	[tilespmem:s19], [sflag:$0x2] =	stream.indirect.gather [hbm4b:s1+s16], $0x80, s21, s16, $0xb8;
	[tilespmem:$0x1E400] =	vst v63  }
0x4c: {  	_ = 	snop  }
0x4d: {  	[spmem:s2] =	stream.indirect.scatter.add.f32 [tilespmem:s17], [sflag:$0x3], $0x80, s22, s16, $0xb8;
	[tilespmem:$0x1E400] =	vst v63  }
0x4e: {  	_ =	swait.ge [sflag:s14], $0x4000  }
0x4f: {  	[sflag:s14] =	ssyncset.done $0x0  }
0x50: {  	[sflag:s14] =	ssyncadd.s32 $0xFFFFC000  }
0x51: {  	_ =	swait.ge [sflag:s20], $0x4000  }
0x52: {  	[sflag:s20] =	ssyncset.done $0x0  }
0x53: {  	[sflag:s20] =	ssyncadd.s32 $0xFFFFC000  }
0x54: {  	[spmem:s2] =	stream.indirect.scatter.add.f32 [tilespmem:s19], [sflag:$0x3], $0x80, s23, s16, $0xb8;
	[tilespmem:$0x1E400] =	vst v63  }
0x55: {  	_ =	swait.ge [sflag:s14], $0x4000  }
0x56: {  	[sflag:s14] =	ssyncset.done $0x0  }
0x57: {  	s25 =	simm.s32 $0x0;
	[sflag:s14] =	ssyncadd.s32 $0xFFFFC000  }
0x58: {  	[tilespmem:s25], [sflag:$0x3] =	stream.linear.gather [hbm4b:s9+s25], $0x1400, $0x38;
	[tilespmem:$0x1E400] =	vst v63  }
0x59: {  	_ =	swait.ge [sflag:s14], $0x1400  }
0x5a: {  	[sflag:s14] =	ssyncset.done $0x0  }
0x5b: {  	[sflag:s14] =	ssyncadd.s32 $0xFFFFEC00  }
0x5c: {  	[tilespmem:s15], [sflag:$0x3] =	stream.linear.gather [hbm4b:s10+s25], $0x1400, $0x38;
	[tilespmem:$0x1E400] =	vst v63  }
0x5d: {  	_ =	swait.ge [sflag:s14], $0x1400  }
0x5e: {  	[sflag:s14] =	ssyncset.done $0x0  }
0x5f: {  	[sflag:s14] =	ssyncadd.s32 $0xFFFFEC00  }
0x60: {  	[tilespmem:s17], [sflag:$0x1] =	stream.indirect.gather [hbm4b:s1+s16], $0x80, s25, s16, $0xb8;
	[tilespmem:$0x1E400] =	vst v63  }
0x61: {  	_ =	swait.ge [sflag:s18], $0x4000  }
0x62: {  	[sflag:s18] =	ssyncset.done $0x0  }
0x63: {  	s28 =	simm.s32 $0x80;
	[sflag:s18] =	ssyncadd.s32 $0xFFFFC000  }
0x64: {  	[tilespmem:s19], [sflag:$0x2] =	stream.indirect.gather [hbm4b:s1+s16], $0x80, s28, s16, $0xb8;
	[tilespmem:$0x1E400] =	vst v63  }
0x65: {  	s29 =	simm.s32 $0x1400  }
0x66: {  	[spmem:s2] =	stream.indirect.scatter.add.f32 [tilespmem:s17], [sflag:$0x3], $0x80, s29, s16, $0xb8;
	[tilespmem:$0x1E400] =	vst v63  }
0x67: {  	_ =	swait.ge [sflag:s14], $0x4000  }
0x68: {  	[sflag:s14] =	ssyncset.done $0x0  }
0x69: {  	[sflag:s14] =	ssyncadd.s32 $0xFFFFC000  }
0x6a: {  	_ =	swait.ge [sflag:s20], $0x4000  }
0x6b: {  	[sflag:s20] =	ssyncset.done $0x0  }
0x6c: {  	s30 =	simm.s32 $0x100;
	[sflag:s20] =	ssyncadd.s32 $0xFFFFC000  }
0x6d: {  	[tilespmem:s17], [sflag:$0x1] =	stream.indirect.gather [hbm4b:s1+s16], $0x80, s30, s16, $0xb8;
	[tilespmem:$0x1E400] =	vst v63  }
0x6e: {  	s31 =	simm.s32 $0x1480  }
0x6f: {  	[spmem:s2] =	stream.indirect.scatter.add.f32 [tilespmem:s19], [sflag:$0x3], $0x80, s31, s16, $0xb8;
	[tilespmem:$0x1E400] =	vst v63  }
0x70: {  	_ =	swait.ge [sflag:s14], $0x4000  }
0x71: {  	s25 =	simm.s32 $0x400;
	[sflag:s14] =	ssyncset.done $0x0  }
.LBB2_4:
0x72: {  	p0 =	sne.s32 s25, $0x4800  }
0x73: {  	[sflag:s14] =	ssyncadd.s32 $0xFFFFC000;
	s26 =	smov.u32 s25;
	s25 =	sadd.s32 $0x400, s25  }
0x74: {  	_ = 	snop  }
0x75: {  	_ =	swait.ge [sflag:s18], $0x4000  }
0x76: {  	s26 =	sshra.s32 s26, $0x2;
	[sflag:s18] =	ssyncset.done $0x0  }
0x77: {  	s28 =	sadd.s32 $0x80, s26;
	[sflag:s18] =	ssyncadd.s32 $0xFFFFC000  }
0x78: {  	[tilespmem:s19], [sflag:$0x2] =	stream.indirect.gather [hbm4b:s1+s16], $0x80, s28, s16, $0xb8;
	[tilespmem:$0x1E400] =	vst v63  }
0x79: {  	s28 =	sadd.s32 $0x1400, s26  }
0x7a: {  	[spmem:s2] =	stream.indirect.scatter.add.f32 [tilespmem:s17], [sflag:$0x3], $0x80, s28, s16, $0xb8;
	[tilespmem:$0x1E400] =	vst v63  }
0x7b: {  	_ =	swait.ge [sflag:s14], $0x4000  }
0x7c: {  	[sflag:s14] =	ssyncset.done $0x0  }
0x7d: {  	[sflag:s14] =	ssyncadd.s32 $0xFFFFC000  }
0x7e: {  	_ =	swait.ge [sflag:s20], $0x4000  }
0x7f: {  	[sflag:s20] =	ssyncset.done $0x0  }
0x80: {  	s28 =	sadd.s32 $0x100, s26;
	[sflag:s20] =	ssyncadd.s32 $0xFFFFC000  }
0x81: {  	[tilespmem:s17], [sflag:$0x1] =	stream.indirect.gather [hbm4b:s1+s16], $0x80, s28, s16, $0xb8;
	[tilespmem:$0x1E400] =	vst v63  }
.Ltmp1:
0x82: {  	_ = 	snop;
	(pc) =	sbr.rel @p0 .LBB2_4-.Ltmp1, $4  }
0x83: {  	s26 =	sadd.s32 $0x1480, s26  }
0x84: {  	[spmem:s2] =	stream.indirect.scatter.add.f32 [tilespmem:s19], [sflag:$0x3], $0x80, s26, s16, $0xb8;
	[tilespmem:$0x1E400] =	vst v63  }
0x85: {  	_ =	swait.ge [sflag:s14], $0x4000  }
0x86: {  	[sflag:s14] =	ssyncset.done $0x0  }
0x87: {  	[sflag:s14] =	ssyncadd.s32 $0xFFFFC000  }
0x88: {  	_ =	swait.ge [sflag:s18], $0x4000  }
0x89: {  	[sflag:s18] =	ssyncset.done $0x0  }
0x8a: {  	[sflag:s18] =	ssyncadd.s32 $0xFFFFC000  }
0x8b: {  	[tilespmem:s19], [sflag:$0x2] =	stream.indirect.gather [hbm4b:s1+s16], $0x80, s21, s16, $0xb8;
	[tilespmem:$0x1E400] =	vst v63  }
0x8c: {  	_ = 	snop  }
0x8d: {  	[spmem:s2] =	stream.indirect.scatter.add.f32 [tilespmem:s17], [sflag:$0x3], $0x80, s22, s16, $0xb8;
	[tilespmem:$0x1E400] =	vst v63  }
0x8e: {  	_ =	swait.ge [sflag:s14], $0x4000  }
0x8f: {  	[sflag:s14] =	ssyncset.done $0x0  }
0x90: {  	[sflag:s14] =	ssyncadd.s32 $0xFFFFC000  }
0x91: {  	_ =	swait.ge [sflag:s20], $0x4000  }
0x92: {  	[sflag:s20] =	ssyncset.done $0x0  }
0x93: {  	[sflag:s20] =	ssyncadd.s32 $0xFFFFC000  }
0x94: {  	[spmem:s2] =	stream.indirect.scatter.add.f32 [tilespmem:s19], [sflag:$0x3], $0x80, s23, s16, $0xb8;
	[tilespmem:$0x1E400] =	vst v63  }
0x95: {  	_ =	swait.ge [sflag:s14], $0x4000  }
0x96: {  	s24 =	sadd.s32 $0x1, s24;
	[sflag:s14] =	ssyncset.done $0x0  }
0x97: {  	p0 =	sne.s32 s24, s12;
	[sflag:s14] =	ssyncadd.s32 $0xFFFFC000  }
.Ltmp2:
0x98: {  	[bflag:$0x0] =	sbarrier.arrive $0xFFFF;
	(pc) =	sbr.rel @p0 .LBB2_1-.Ltmp2, $4  }
0x99: {  	[hbm:s11], [sflag:s6] =	dma.local [spmem:s13], $0x2780  }
0x9a: {  	_ =	swait.ge [sflag:s14], $0x2780  }
0x9b: {  	[sflag:s14] =	ssyncset.done $0x0  }
0x9c: {  	[sflag:s14] =	ssyncadd.s32 $0xFFFFD880  }
0x9d: {  	_ =	sfence.sel $0x180000  }
0x9e: {  	[bflag:$0x0] =	sbarrier.arrive $0xFFFF  }
0x9f: {  	p0 =	sne.s32 s3, $0x0;
	_ =	strace $0x9000004D  }
0xa0: {  	s0 =	sadd.s32 @!p0 $0x100000, s0;
	[bflag:$0x2] =	sbarrier.arrive $0xFFFF  }
0xa1: {  	[sflag:s0] =	ssyncadd.tile.s32 @!p0 $0x1;
	_ =	shalt  }
.Lfunc_end2:
_tile_overlayer_lowered:
.L_overlay_start_2:
0xa2: {  	(tag) =	ssettag $0x2  }
0xa3: {  	s0 =	rddreg [dreg:$0x0];
	s2 =	stileid.u32  }
0xa4: {  	s1 =	rddreg [dreg:$0x1];
	p0 =	sne.s32 s2, $0x0  }
0xa5: {  	s3 =	rddreg [dreg:$0x2];
	[bflag:$0x3] =	sbarrier.arrive $0xFFFF;
	s2 =	simm.s32 @!p0 $0x1C03  }
0xa6: {  	[timem:s3], [sflag:s2] =	dma.local @!p0 [hbm:s0], s1  }
0xa7: {  	s0 =	simm.s32 @!p0 $0x3  }
0xa8: {  	_ =	swait.ge @!p0 [sflag:s0], s1  }
0xa9: {  	s1 =	ssub.s32 @!p0 $0x0, s1;
	[sflag:s0] =	ssyncset.done @!p0 $0x0  }
0xaa: {  	[sflag:s0] =	ssyncadd.s32 @!p0 s1  }
0xab: {  	[bflag:$0x3] =	sbarrier.arrive $0xFFFF  }
0xac: {  	_ =	shalt  }

</sc_bundles>
